<compile_context>
chip_gen: v7x
topology: tpu7x:2x2x1
jax: 0.10.2.dev20260603
libtpu: 0.0.44.dev20260713+nightly
codegen_flags: <defaults>
</compile_context>

<pallas_src>
import functools

import jax
import jax.numpy as jnp
from jax import lax
from jax.experimental import pallas as pl
from jax.experimental.pallas import tpu as pltpu
from jax.experimental.pallas import tpu_sc as plsc

_INFO = plsc.get_sparse_core_info()
_NC = _INFO.num_cores
_NS = _INFO.num_subcores
_NW = _NC * _NS
_L = _INFO.num_lanes

_CHUNK = 128


@functools.lru_cache(maxsize=None)
def _build(batch: int, vocab: int, embed_dim: int):
    b_per_w = batch // _NW
    n_gath = b_per_w * embed_dim
    n_chunk = n_gath // _CHUNK
    n_grp = b_per_w // _L
    mesh = plsc.VectorSubcoreMesh(core_axis_name="c", subcore_axis_name="s")

    @functools.partial(
        pl.kernel,
        mesh=mesh,
        out_type=jax.ShapeDtypeStruct((embed_dim, batch), jnp.float32),
        compiler_params=pltpu.CompilerParams(use_tc_tiling_on_sc=False),
        scratch_types=[
            pltpu.VMEM((b_per_w,), jnp.int32),
            pltpu.VMEM((n_chunk, _CHUNK), jnp.int32),
            pltpu.VMEM((embed_dim, b_per_w), jnp.float32),
            pltpu.SemaphoreType.DMA,
        ],
    )
    def gather_kernel(idx_hbm, flat_hbm, out_hbm, idx_v, fidx_v, gbuf_v, sem):
        wid = lax.axis_index("s") * _NC + lax.axis_index("c")
        pltpu.sync_copy(idx_hbm.at[wid], idx_v)

        def build(g, carry):
            vids = idx_v[pl.ds(g * _L, _L)]
            for k in range(embed_dim):
                pos = k * b_per_w
                row = pos // _CHUNK + g // (_CHUNK // _L)
                fidx_v[row, pl.ds((g % (_CHUNK // _L)) * _L, _L)] = (
                    vids + k * vocab
                )
            return carry

        lax.fori_loop(0, n_grp, build, 0)

        cols_per_row = b_per_w // _CHUNK

        def fire(c, carry):
            pltpu.make_async_copy(
                flat_hbm.at[fidx_v.at[c]],
                gbuf_v.at[c // cols_per_row,
                          pl.ds((c % cols_per_row) * _CHUNK, _CHUNK)],
                sem,
            ).start()
            return carry

        lax.fori_loop(0, n_chunk, fire, 0)

        def drain(c, carry):
            pltpu.make_async_copy(
                flat_hbm.at[pl.ds(0, _CHUNK)],
                gbuf_v.at[c // cols_per_row,
                          pl.ds((c % cols_per_row) * _CHUNK, _CHUNK)],
                sem,
            ).wait()
            return carry

        lax.fori_loop(0, n_chunk, drain, 0)
        pltpu.sync_copy(gbuf_v, out_hbm.at[:, pl.ds(wid * b_per_w, b_per_w)])

    return gather_kernel


def kernel(inputs, in_embed_weight):
    batch, = inputs.shape
    vocab, embed_dim = in_embed_weight.shape
    flat = in_embed_weight.T.reshape(vocab * embed_dim)
    idx = inputs.astype(jnp.int32).reshape(_NW, batch // _NW)
    out_t = _build(batch, vocab, embed_dim)(idx, flat)
    return out_t.T

# --- scband reference (transcript-rebuilt; emitter-appended) ---
"""Pipeline reference for scband-skip-gram-neg-16260746182987 (READ-ONLY COPY).

The authoritative reference and input builder live on the scoring server;
editing this copy changes nothing except your own understanding.
"""

import jax, jax.numpy as jnp
import numpy as np

VOCAB_SIZE = 1000000
EMBED_DIM = 64
BATCH = 16384

def setup_inputs(seed: int = 0) -> dict:
    key = jax.random.key(seed)
    k_idx, k_w = jax.random.split(key)
    inputs = jax.random.randint(k_idx, (BATCH,), 0, VOCAB_SIZE, dtype=jnp.int64 if jax.config.jax_enable_x64 else jnp.int32)
    # nn.Embedding default init is N(0,1); SkipGramNeg typically re-inits uniform, but
    # default construction leaves N(0,1) weights.
    in_embed_weight = jax.random.normal(k_w, (VOCAB_SIZE, EMBED_DIM), dtype=jnp.float32)
    return {"inputs": inputs, "in_embed_weight": in_embed_weight}

def reference(inputs, in_embed_weight):
    # forward: self.in_embed(inputs) -> gather rows of the embedding table
    return jnp.take(in_embed_weight, inputs, axis=0)

if __name__ == "__main__":
    import jax
    _d = setup_inputs()
    print(jax.jit(kernel)(*tuple(_d.values())))

</pallas_src>

<mosaic_0001>
#map = affine_map<(d0, d1) -> (0, 0)>
#map1 = affine_map<(d0, d1) -> (0)>
module attributes {stable_mosaic.version = 14 : i64} {
  func.func @gather_kernel(%arg0: i32, %arg1: i32, %arg2: memref<32x512xi32, #tpu.memory_space<hbm>>, %arg3: memref<64000000xf32, #tpu.memory_space<hbm>>, %arg4: memref<64x16384xf32, #tpu.memory_space<hbm>>, %arg5: memref<512xi32, #tpu.memory_space<vmem>>, %arg6: memref<256x128xi32, #tpu.memory_space<vmem>>, %arg7: memref<64x512xf32, #tpu.memory_space<vmem>>, %arg8: memref<!tpu.dma_semaphore, #tpu.memory_space<semaphore_mem>>) attributes {dimension_semantics = [#tpu.dimension_semantics<core_parallel>, #tpu.dimension_semantics<subcore_parallel>], iteration_bounds = array<i64: 2, 16>, scalar_prefetch = 0 : i64, scratch_operands = 4 : i64, tpu.core_type = #tpu.core_type<sc_vector_subcore>, window_params = [{transform_indices = #map}, {transform_indices = #map1}, {transform_indices = #map}]} {
    %mul3A = arith.constant 2 : i32
    %mul3A_0 = arith.muli %arg1, %mul3A : i32
    %add3A = arith.addi %mul3A_0, %arg0 : i32
    "tpu.region"() ({
      %run_scoped3A = tpu.sem_alloc : memref<!tpu.dma_semaphore, #tpu.memory_space<semaphore_mem>>
      %dma_start3A = arith.constant 0 : i32
      %dma_start3A_20 = tpu.memref_slice %arg2[%add3A, %dma_start3A] : memref<32x512xi32, #tpu.memory_space<hbm>> -> memref<1x512xi32, #tpu.memory_space<hbm>>
      %dma_start3A_21 = tpu.memref_squeeze %dma_start3A_20 : memref<1x512xi32, #tpu.memory_space<hbm>> -> memref<512xi32, #tpu.memory_space<hbm>>
      %dma_start3A_22 = arith.constant 0 : i32
      %dma_start3A_23 = tpu.memref_slice %arg2[%add3A, %dma_start3A_22] : memref<32x512xi32, #tpu.memory_space<hbm>> -> memref<1x512xi32, #tpu.memory_space<hbm>>
      %dma_start3A_24 = tpu.memref_squeeze %dma_start3A_23 : memref<1x512xi32, #tpu.memory_space<hbm>> -> memref<512xi32, #tpu.memory_space<hbm>>
      tpu.enqueue_dma source(%dma_start3A_24 : memref<512xi32, #tpu.memory_space<hbm>>) target(%arg5 : memref<512xi32, #tpu.memory_space<vmem>>) target_semaphore(%run_scoped3A : memref<!tpu.dma_semaphore, #tpu.memory_space<semaphore_mem>>)
      %dma_wait3A = arith.constant 0 : i32
      %dma_wait3A_25 = tpu.memref_slice %arg2[%add3A, %dma_wait3A] : memref<32x512xi32, #tpu.memory_space<hbm>> -> memref<1x512xi32, #tpu.memory_space<hbm>>
      %dma_wait3A_26 = tpu.memref_squeeze %dma_wait3A_25 : memref<1x512xi32, #tpu.memory_space<hbm>> -> memref<512xi32, #tpu.memory_space<hbm>>
      %dma_wait3A_27 = arith.constant 0 : i32
      %dma_wait3A_28 = tpu.memref_slice %arg2[%add3A, %dma_wait3A_27] : memref<32x512xi32, #tpu.memory_space<hbm>> -> memref<1x512xi32, #tpu.memory_space<hbm>>
      %dma_wait3A_29 = tpu.memref_squeeze %dma_wait3A_28 : memref<1x512xi32, #tpu.memory_space<hbm>> -> memref<512xi32, #tpu.memory_space<hbm>>
      tpu.wait_dma2 semaphore(%run_scoped3A : memref<!tpu.dma_semaphore, #tpu.memory_space<semaphore_mem>>) src(%dma_wait3A_29 : memref<512xi32, #tpu.memory_space<hbm>>) dst(%arg5 : memref<512xi32, #tpu.memory_space<vmem>>)
      tpu.yield
    }) : () -> ()
    %scan3A = arith.constant 0 : i32
    %scan3A_1 = arith.constant 0 : i32
    %scan3A_2 = arith.constant 32 : i32
    %scan3A_3 = arith.addi %scan3A_1, %scan3A_2 : i32
    %scan3A_4 = arith.constant 1 : i32
    scf.for %scan3A_20 = %scan3A_1 to %scan3A_3 step %scan3A_4  : i32 {
      %mul3A_21 = arith.constant 16 : i32
      %mul3A_22 = arith.muli %scan3A_20, %mul3A_21 : i32
      %get3A = arith.index_cast %mul3A_22 : i32 to index
      %get3A_23 = tpu.vector_load %arg5[%get3A] {strides = array<i32>} : memref<512xi32, #tpu.memory_space<vmem>>, vector<16xi32>,
      %get3A_24 = vector.shape_cast %get3A_23 : vector<16xi32> to vector<16xi32>
      %jit3A = arith.constant 8 : i32
      %div3A = arith.divsi %scan3A_20, %jit3A : i32
      %sign3A = arith.constant 0 : i32
      %sign3A_25 = arith.cmpi sgt, %scan3A_20, %sign3A : i32
      %sign3A_26 = arith.extui %sign3A_25 : i1 to i32
      %sign3A_27 = arith.constant 0 : i32
      %sign3A_28 = arith.cmpi slt, %scan3A_20, %sign3A_27 : i32
      %sign3A_29 = arith.extui %sign3A_28 : i1 to i32
      %sign3A_30 = arith.subi %sign3A_26, %sign3A_29 : i32
      %sign3A_31 = arith.constant 0 : i32
      %sign3A_32 = arith.cmpi sgt, %jit3A, %sign3A_31 : i32
      %sign3A_33 = arith.extui %sign3A_32 : i1 to i32
      %sign3A_34 = arith.constant 0 : i32
      %sign3A_35 = arith.cmpi slt, %jit3A, %sign3A_34 : i32
      %sign3A_36 = arith.extui %sign3A_35 : i1 to i32
      %sign3A_37 = arith.subi %sign3A_33, %sign3A_36 : i32
      %ne3A = arith.cmpi ne, %sign3A_30, %sign3A_37 : i32
      %rem3A = arith.remsi %scan3A_20, %jit3A : i32
      %ne3A_38 = arith.constant 0 : i32
      %ne3A_39 = arith.cmpi ne, %rem3A, %ne3A_38 : i32
      %and3A = arith.andi %ne3A, %ne3A_39 : i1
      %sub3A = arith.constant 1 : i32
      %sub3A_40 = arith.subi %div3A, %sub3A : i32
      %select_n3A = arith.select %and3A, %sub3A_40, %div3A : i32
      %add3A_41 = arith.constant 0 : i32
      %add3A_42 = arith.addi %add3A_41, %select_n3A : i32
      %add3A_43 = arith.constant 0 : i32
      %add3A_44 = vector.broadcast %add3A_43 : i32 to vector<16xi32>
      %add3A_45 = arith.addi %get3A_24, %add3A_44 : vector<16xi32>
      %jit3A_46 = arith.constant 8 : i32
      %eq3A = arith.constant 0 : i32
      %eq3A_47 = arith.cmpi eq, %jit3A_46, %eq3A : i32
      %jit3A_48 = arith.constant 1 : i32
      %select_n3A_49 = arith.select %eq3A_47, %jit3A_48, %jit3A_46 : i32
      %rem3A_50 = arith.remsi %scan3A_20, %select_n3A_49 : i32
      %ne3A_51 = arith.constant 0 : i32
      %ne3A_52 = arith.cmpi ne, %rem3A_50, %ne3A_51 : i32
      %lt3A = arith.constant 0 : i32
      %lt3A_53 = arith.cmpi slt, %rem3A_50, %lt3A : i32
      %lt3A_54 = arith.constant 0 : i32
      %lt3A_55 = arith.cmpi slt, %select_n3A_49, %lt3A_54 : i32
      %ne3A_56 = arith.xori %lt3A_53, %lt3A_55 : i1
      %and3A_57 = arith.andi %ne3A_56, %ne3A_52 : i1
      %add3A_58 = arith.addi %rem3A_50, %select_n3A_49 : i32
      %select_n3A_59 = arith.select %and3A_57, %add3A_58, %rem3A_50 : i32
      %mul3A_60 = arith.constant 16 : i32
      %mul3A_61 = arith.muli %select_n3A_59, %mul3A_60 : i32
      %swap3A = arith.index_cast %add3A_42 : i32 to index
      %swap3A_62 = arith.index_cast %mul3A_61 : i32 to index
      %swap3A_63 = tpu.vector_load %arg6[%swap3A, %swap3A_62] {strides = array<i32>} : memref<256x128xi32, #tpu.memory_space<vmem>>, vector<1x16xi32>,
      %swap3A_64 = vector.shape_cast %swap3A_63 : vector<1x16xi32> to vector<16xi32>
      %swap3A_65 = vector.shape_cast %add3A_45 : vector<16xi32> to vector<1x16xi32>
      tpu.vector_store %arg6[%swap3A, %swap3A_62], %swap3A_65 {strides = array<i32>} : memref<256x128xi32, #tpu.memory_space<vmem>>, vector<1x16xi32>,
      %jit3A_66 = arith.constant 8 : i32
      %div3A_67 = arith.divsi %scan3A_20, %jit3A_66 : i32
      %sign3A_68 = arith.constant 0 : i32
      %sign3A_69 = arith.cmpi sgt, %scan3A_20, %sign3A_68 : i32
      %sign3A_70 = arith.extui %sign3A_69 : i1 to i32
      %sign3A_71 = arith.constant 0 : i32
      %sign3A_72 = arith.cmpi slt, %scan3A_20, %sign3A_71 : i32
      %sign3A_73 = arith.extui %sign3A_72 : i1 to i32
      %sign3A_74 = arith.subi %sign3A_70, %sign3A_73 : i32
      %sign3A_75 = arith.constant 0 : i32
      %sign3A_76 = arith.cmpi sgt, %jit3A_66, %sign3A_75 : i32
      %sign3A_77 = arith.extui %sign3A_76 : i1 to i32
      %sign3A_78 = arith.constant 0 : i32
      %sign3A_79 = arith.cmpi slt, %jit3A_66, %sign3A_78 : i32
      %sign3A_80 = arith.extui %sign3A_79 : i1 to i32
      %sign3A_81 = arith.subi %sign3A_77, %sign3A_80 : i32
      %ne3A_82 = arith.cmpi ne, %sign3A_74, %sign3A_81 : i32
      %rem3A_83 = arith.remsi %scan3A_20, %jit3A_66 : i32
      %ne3A_84 = arith.constant 0 : i32
      %ne3A_85 = arith.cmpi ne, %rem3A_83, %ne3A_84 : i32
      %and3A_86 = arith.andi %ne3A_82, %ne3A_85 : i1
      %sub3A_87 = arith.constant 1 : i32
      %sub3A_88 = arith.subi %div3A_67, %sub3A_87 : i32
      %select_n3A_89 = arith.select %and3A_86, %sub3A_88, %div3A_67 : i32
      %add3A_90 = arith.constant 4 : i32
      %add3A_91 = arith.addi %add3A_90, %select_n3A_89 : i32
      %add3A_92 = arith.constant 1000000 : i32
      %add3A_93 = vector.broadcast %add3A_92 : i32 to vector<16xi32>
      %add3A_94 = arith.addi %get3A_24, %add3A_93 : vector<16xi32>
      %jit3A_95 = arith.constant 8 : i32
      %eq3A_96 = arith.constant 0 : i32
      %eq3A_97 = arith.cmpi eq, %jit3A_95, %eq3A_96 : i32
      %jit3A_98 = arith.constant 1 : i32
      %select_n3A_99 = arith.select %eq3A_97, %jit3A_98, %jit3A_95 : i32
      %rem3A_100 = arith.remsi %scan3A_20, %select_n3A_99 : i32
      %ne3A_101 = arith.constant 0 : i32
      %ne3A_102 = arith.cmpi ne, %rem3A_100, %ne3A_101 : i32
      %lt3A_103 = arith.constant 0 : i32
      %lt3A_104 = arith.cmpi slt, %rem3A_100, %lt3A_103 : i32
      %lt3A_105 = arith.constant 0 : i32
      %lt3A_106 = arith.cmpi slt, %select_n3A_99, %lt3A_105 : i32
      %ne3A_107 = arith.xori %lt3A_104, %lt3A_106 : i1
      %and3A_108 = arith.andi %ne3A_107, %ne3A_102 : i1
      %add3A_109 = arith.addi %rem3A_100, %select_n3A_99 : i32
      %select_n3A_110 = arith.select %and3A_108, %add3A_109, %rem3A_100 : i32
      %mul3A_111 = arith.constant 16 : i32
      %mul3A_112 = arith.muli %select_n3A_110, %mul3A_111 : i32
      %swap3A_113 = arith.index_cast %add3A_91 : i32 to index
      %swap3A_114 = arith.index_cast %mul3A_112 : i32 to index
      %swap3A_115 = tpu.vector_load %arg6[%swap3A_113, %swap3A_114] {strides = array<i32>} : memref<256x128xi32, #tpu.memory_space<vmem>>, vector<1x16xi32>,
      %swap3A_116 = vector.shape_cast %swap3A_115 : vector<1x16xi32> to vector<16xi32>
      %swap3A_117 = vector.shape_cast %add3A_94 : vector<16xi32> to vector<1x16xi32>
      tpu.vector_store %arg6[%swap3A_113, %swap3A_114], %swap3A_117 {strides = array<i32>} : memref<256x128xi32, #tpu.memory_space<vmem>>, vector<1x16xi32>,
      %jit3A_118 = arith.constant 8 : i32
      %div3A_119 = arith.divsi %scan3A_20, %jit3A_118 : i32
      %sign3A_120 = arith.constant 0 : i32
      %sign3A_121 = arith.cmpi sgt, %scan3A_20, %sign3A_120 : i32
      %sign3A_122 = arith.extui %sign3A_121 : i1 to i32
      %sign3A_123 = arith.constant 0 : i32
      %sign3A_124 = arith.cmpi slt, %scan3A_20, %sign3A_123 : i32
      %sign3A_125 = arith.extui %sign3A_124 : i1 to i32
      %sign3A_126 = arith.subi %sign3A_122, %sign3A_125 : i32
      %sign3A_127 = arith.constant 0 : i32
      %sign3A_128 = arith.cmpi sgt, %jit3A_118, %sign3A_127 : i32
      %sign3A_129 = arith.extui %sign3A_128 : i1 to i32
      %sign3A_130 = arith.constant 0 : i32
      %sign3A_131 = arith.cmpi slt, %jit3A_118, %sign3A_130 : i32
      %sign3A_132 = arith.extui %sign3A_131 : i1 to i32
      %sign3A_133 = arith.subi %sign3A_129, %sign3A_132 : i32
      %ne3A_134 = arith.cmpi ne, %sign3A_126, %sign3A_133 : i32
      %rem3A_135 = arith.remsi %scan3A_20, %jit3A_118 : i32
      %ne3A_136 = arith.constant 0 : i32
      %ne3A_137 = arith.cmpi ne, %rem3A_135, %ne3A_136 : i32
      %and3A_138 = arith.andi %ne3A_134, %ne3A_137 : i1
      %sub3A_139 = arith.constant 1 : i32
      %sub3A_140 = arith.subi %div3A_119, %sub3A_139 : i32
      %select_n3A_141 = arith.select %and3A_138, %sub3A_140, %div3A_119 : i32
      %add3A_142 = arith.constant 8 : i32
      %add3A_143 = arith.addi %add3A_142, %select_n3A_141 : i32
      %add3A_144 = arith.constant 2000000 : i32
      %add3A_145 = vector.broadcast %add3A_144 : i32 to vector<16xi32>
      %add3A_146 = arith.addi %get3A_24, %add3A_145 : vector<16xi32>
      %jit3A_147 = arith.constant 8 : i32
      %eq3A_148 = arith.constant 0 : i32
      %eq3A_149 = arith.cmpi eq, %jit3A_147, %eq3A_148 : i32
      %jit3A_150 = arith.constant 1 : i32
      %select_n3A_151 = arith.select %eq3A_149, %jit3A_150, %jit3A_147 : i32
      %rem3A_152 = arith.remsi %scan3A_20, %select_n3A_151 : i32
      %ne3A_153 = arith.constant 0 : i32
      %ne3A_154 = arith.cmpi ne, %rem3A_152, %ne3A_153 : i32
      %lt3A_155 = arith.constant 0 : i32
      %lt3A_156 = arith.cmpi slt, %rem3A_152, %lt3A_155 : i32
      %lt3A_157 = arith.constant 0 : i32
      %lt3A_158 = arith.cmpi slt, %select_n3A_151, %lt3A_157 : i32
      %ne3A_159 = arith.xori %lt3A_156, %lt3A_158 : i1
      %and3A_160 = arith.andi %ne3A_159, %ne3A_154 : i1
      %add3A_161 = arith.addi %rem3A_152, %select_n3A_151 : i32
      %select_n3A_162 = arith.select %and3A_160, %add3A_161, %rem3A_152 : i32
      %mul3A_163 = arith.constant 16 : i32
      %mul3A_164 = arith.muli %select_n3A_162, %mul3A_163 : i32
      %swap3A_165 = arith.index_cast %add3A_143 : i32 to index
      %swap3A_166 = arith.index_cast %mul3A_164 : i32 to index
      %swap3A_167 = tpu.vector_load %arg6[%swap3A_165, %swap3A_166] {strides = array<i32>} : memref<256x128xi32, #tpu.memory_space<vmem>>, vector<1x16xi32>,
      %swap3A_168 = vector.shape_cast %swap3A_167 : vector<1x16xi32> to vector<16xi32>
      %swap3A_169 = vector.shape_cast %add3A_146 : vector<16xi32> to vector<1x16xi32>
      tpu.vector_store %arg6[%swap3A_165, %swap3A_166], %swap3A_169 {strides = array<i32>} : memref<256x128xi32, #tpu.memory_space<vmem>>, vector<1x16xi32>,
      %jit3A_170 = arith.constant 8 : i32
      %div3A_171 = arith.divsi %scan3A_20, %jit3A_170 : i32
      %sign3A_172 = arith.constant 0 : i32
      %sign3A_173 = arith.cmpi sgt, %scan3A_20, %sign3A_172 : i32
      %sign3A_174 = arith.extui %sign3A_173 : i1 to i32
      %sign3A_175 = arith.constant 0 : i32
      %sign3A_176 = arith.cmpi slt, %scan3A_20, %sign3A_175 : i32
      %sign3A_177 = arith.extui %sign3A_176 : i1 to i32
      %sign3A_178 = arith.subi %sign3A_174, %sign3A_177 : i32
      %sign3A_179 = arith.constant 0 : i32
      %sign3A_180 = arith.cmpi sgt, %jit3A_170, %sign3A_179 : i32
      %sign3A_181 = arith.extui %sign3A_180 : i1 to i32
      %sign3A_182 = arith.constant 0 : i32
      %sign3A_183 = arith.cmpi slt, %jit3A_170, %sign3A_182 : i32
      %sign3A_184 = arith.extui %sign3A_183 : i1 to i32
      %sign3A_185 = arith.subi %sign3A_181, %sign3A_184 : i32
      %ne3A_186 = arith.cmpi ne, %sign3A_178, %sign3A_185 : i32
      %rem3A_187 = arith.remsi %scan3A_20, %jit3A_170 : i32
      %ne3A_188 = arith.constant 0 : i32
      %ne3A_189 = arith.cmpi ne, %rem3A_187, %ne3A_188 : i32
      %and3A_190 = arith.andi %ne3A_186, %ne3A_189 : i1
      %sub3A_191 = arith.constant 1 : i32
      %sub3A_192 = arith.subi %div3A_171, %sub3A_191 : i32
      %select_n3A_193 = arith.select %and3A_190, %sub3A_192, %div3A_171 : i32
      %add3A_194 = arith.constant 12 : i32
      %add3A_195 = arith.addi %add3A_194, %select_n3A_193 : i32
      %add3A_196 = arith.constant 3000000 : i32
      %add3A_197 = vector.broadcast %add3A_196 : i32 to vector<16xi32>
      %add3A_198 = arith.addi %get3A_24, %add3A_197 : vector<16xi32>
      %jit3A_199 = arith.constant 8 : i32
      %eq3A_200 = arith.constant 0 : i32
      %eq3A_201 = arith.cmpi eq, %jit3A_199, %eq3A_200 : i32
      %jit3A_202 = arith.constant 1 : i32
      %select_n3A_203 = arith.select %eq3A_201, %jit3A_202, %jit3A_199 : i32
      %rem3A_204 = arith.remsi %scan3A_20, %select_n3A_203 : i32
      %ne3A_205 = arith.constant 0 : i32
      %ne3A_206 = arith.cmpi ne, %rem3A_204, %ne3A_205 : i32
      %lt3A_207 = arith.constant 0 : i32
      %lt3A_208 = arith.cmpi slt, %rem3A_204, %lt3A_207 : i32
      %lt3A_209 = arith.constant 0 : i32
      %lt3A_210 = arith.cmpi slt, %select_n3A_203, %lt3A_209 : i32
      %ne3A_211 = arith.xori %lt3A_208, %lt3A_210 : i1
      %and3A_212 = arith.andi %ne3A_211, %ne3A_206 : i1
      %add3A_213 = arith.addi %rem3A_204, %select_n3A_203 : i32
      %select_n3A_214 = arith.select %and3A_212, %add3A_213, %rem3A_204 : i32
      %mul3A_215 = arith.constant 16 : i32
      %mul3A_216 = arith.muli %select_n3A_214, %mul3A_215 : i32
      %swap3A_217 = arith.index_cast %add3A_195 : i32 to index
      %swap3A_218 = arith.index_cast %mul3A_216 : i32 to index
      %swap3A_219 = tpu.vector_load %arg6[%swap3A_217, %swap3A_218] {strides = array<i32>} : memref<256x128xi32, #tpu.memory_space<vmem>>, vector<1x16xi32>,
      %swap3A_220 = vector.shape_cast %swap3A_219 : vector<1x16xi32> to vector<16xi32>
      %swap3A_221 = vector.shape_cast %add3A_198 : vector<16xi32> to vector<1x16xi32>
      tpu.vector_store %arg6[%swap3A_217, %swap3A_218], %swap3A_221 {strides = array<i32>} : memref<256x128xi32, #tpu.memory_space<vmem>>, vector<1x16xi32>,
      %jit3A_222 = arith.constant 8 : i32
      %div3A_223 = arith.divsi %scan3A_20, %jit3A_222 : i32
      %sign3A_224 = arith.constant 0 : i32
      %sign3A_225 = arith.cmpi sgt, %scan3A_20, %sign3A_224 : i32
      %sign3A_226 = arith.extui %sign3A_225 : i1 to i32
      %sign3A_227 = arith.constant 0 : i32
      %sign3A_228 = arith.cmpi slt, %scan3A_20, %sign3A_227 : i32
      %sign3A_229 = arith.extui %sign3A_228 : i1 to i32
      %sign3A_230 = arith.subi %sign3A_226, %sign3A_229 : i32
      %sign3A_231 = arith.constant 0 : i32
      %sign3A_232 = arith.cmpi sgt, %jit3A_222, %sign3A_231 : i32
      %sign3A_233 = arith.extui %sign3A_232 : i1 to i32
      %sign3A_234 = arith.constant 0 : i32
      %sign3A_235 = arith.cmpi slt, %jit3A_222, %sign3A_234 : i32
      %sign3A_236 = arith.extui %sign3A_235 : i1 to i32
      %sign3A_237 = arith.subi %sign3A_233, %sign3A_236 : i32
      %ne3A_238 = arith.cmpi ne, %sign3A_230, %sign3A_237 : i32
      %rem3A_239 = arith.remsi %scan3A_20, %jit3A_222 : i32
      %ne3A_240 = arith.constant 0 : i32
      %ne3A_241 = arith.cmpi ne, %rem3A_239, %ne3A_240 : i32
      %and3A_242 = arith.andi %ne3A_238, %ne3A_241 : i1
      %sub3A_243 = arith.constant 1 : i32
      %sub3A_244 = arith.subi %div3A_223, %sub3A_243 : i32
      %select_n3A_245 = arith.select %and3A_242, %sub3A_244, %div3A_223 : i32
      %add3A_246 = arith.constant 16 : i32
      %add3A_247 = arith.addi %add3A_246, %select_n3A_245 : i32
      %add3A_248 = arith.constant 4000000 : i32
      %add3A_249 = vector.broadcast %add3A_248 : i32 to vector<16xi32>
      %add3A_250 = arith.addi %get3A_24, %add3A_249 : vector<16xi32>
      %jit3A_251 = arith.constant 8 : i32
      %eq3A_252 = arith.constant 0 : i32
      %eq3A_253 = arith.cmpi eq, %jit3A_251, %eq3A_252 : i32
      %jit3A_254 = arith.constant 1 : i32
      %select_n3A_255 = arith.select %eq3A_253, %jit3A_254, %jit3A_251 : i32
      %rem3A_256 = arith.remsi %scan3A_20, %select_n3A_255 : i32
      %ne3A_257 = arith.constant 0 : i32
      %ne3A_258 = arith.cmpi ne, %rem3A_256, %ne3A_257 : i32
      %lt3A_259 = arith.constant 0 : i32
      %lt3A_260 = arith.cmpi slt, %rem3A_256, %lt3A_259 : i32
      %lt3A_261 = arith.constant 0 : i32
      %lt3A_262 = arith.cmpi slt, %select_n3A_255, %lt3A_261 : i32
      %ne3A_263 = arith.xori %lt3A_260, %lt3A_262 : i1
      %and3A_264 = arith.andi %ne3A_263, %ne3A_258 : i1
      %add3A_265 = arith.addi %rem3A_256, %select_n3A_255 : i32
      %select_n3A_266 = arith.select %and3A_264, %add3A_265, %rem3A_256 : i32
      %mul3A_267 = arith.constant 16 : i32
      %mul3A_268 = arith.muli %select_n3A_266, %mul3A_267 : i32
      %swap3A_269 = arith.index_cast %add3A_247 : i32 to index
      %swap3A_270 = arith.index_cast %mul3A_268 : i32 to index
      %swap3A_271 = tpu.vector_load %arg6[%swap3A_269, %swap3A_270] {strides = array<i32>} : memref<256x128xi32, #tpu.memory_space<vmem>>, vector<1x16xi32>,
      %swap3A_272 = vector.shape_cast %swap3A_271 : vector<1x16xi32> to vector<16xi32>
      %swap3A_273 = vector.shape_cast %add3A_250 : vector<16xi32> to vector<1x16xi32>
      tpu.vector_store %arg6[%swap3A_269, %swap3A_270], %swap3A_273 {strides = array<i32>} : memref<256x128xi32, #tpu.memory_space<vmem>>, vector<1x16xi32>,
      %jit3A_274 = arith.constant 8 : i32
      %div3A_275 = arith.divsi %scan3A_20, %jit3A_274 : i32
      %sign3A_276 = arith.constant 0 : i32
      %sign3A_277 = arith.cmpi sgt, %scan3A_20, %sign3A_276 : i32
      %sign3A_278 = arith.extui %sign3A_277 : i1 to i32
      %sign3A_279 = arith.constant 0 : i32
      %sign3A_280 = arith.cmpi slt, %scan3A_20, %sign3A_279 : i32
      %sign3A_281 = arith.extui %sign3A_280 : i1 to i32
      %sign3A_282 = arith.subi %sign3A_278, %sign3A_281 : i32
      %sign3A_283 = arith.constant 0 : i32
      %sign3A_284 = arith.cmpi sgt, %jit3A_274, %sign3A_283 : i32
      %sign3A_285 = arith.extui %sign3A_284 : i1 to i32
      %sign3A_286 = arith.constant 0 : i32
      %sign3A_287 = arith.cmpi slt, %jit3A_274, %sign3A_286 : i32
      %sign3A_288 = arith.extui %sign3A_287 : i1 to i32
      %sign3A_289 = arith.subi %sign3A_285, %sign3A_288 : i32
      %ne3A_290 = arith.cmpi ne, %sign3A_282, %sign3A_289 : i32
      %rem3A_291 = arith.remsi %scan3A_20, %jit3A_274 : i32
      %ne3A_292 = arith.constant 0 : i32
      %ne3A_293 = arith.cmpi ne, %rem3A_291, %ne3A_292 : i32
      %and3A_294 = arith.andi %ne3A_290, %ne3A_293 : i1
      %sub3A_295 = arith.constant 1 : i32
      %sub3A_296 = arith.subi %div3A_275, %sub3A_295 : i32
      %select_n3A_297 = arith.select %and3A_294, %sub3A_296, %div3A_275 : i32
      %add3A_298 = arith.constant 20 : i32
      %add3A_299 = arith.addi %add3A_298, %select_n3A_297 : i32
      %add3A_300 = arith.constant 5000000 : i32
      %add3A_301 = vector.broadcast %add3A_300 : i32 to vector<16xi32>
      %add3A_302 = arith.addi %get3A_24, %add3A_301 : vector<16xi32>
      %jit3A_303 = arith.constant 8 : i32
      %eq3A_304 = arith.constant 0 : i32
      %eq3A_305 = arith.cmpi eq, %jit3A_303, %eq3A_304 : i32
      %jit3A_306 = arith.constant 1 : i32
      %select_n3A_307 = arith.select %eq3A_305, %jit3A_306, %jit3A_303 : i32
      %rem3A_308 = arith.remsi %scan3A_20, %select_n3A_307 : i32
      %ne3A_309 = arith.constant 0 : i32
      %ne3A_310 = arith.cmpi ne, %rem3A_308, %ne3A_309 : i32
      %lt3A_311 = arith.constant 0 : i32
      %lt3A_312 = arith.cmpi slt, %rem3A_308, %lt3A_311 : i32
      %lt3A_313 = arith.constant 0 : i32
      %lt3A_314 = arith.cmpi slt, %select_n3A_307, %lt3A_313 : i32
      %ne3A_315 = arith.xori %lt3A_312, %lt3A_314 : i1
      %and3A_316 = arith.andi %ne3A_315, %ne3A_310 : i1
      %add3A_317 = arith.addi %rem3A_308, %select_n3A_307 : i32
      %select_n3A_318 = arith.select %and3A_316, %add3A_317, %rem3A_308 : i32
      %mul3A_319 = arith.constant 16 : i32
      %mul3A_320 = arith.muli %select_n3A_318, %mul3A_319 : i32
      %swap3A_321 = arith.index_cast %add3A_299 : i32 to index
      %swap3A_322 = arith.index_cast %mul3A_320 : i32 to index
      %swap3A_323 = tpu.vector_load %arg6[%swap3A_321, %swap3A_322] {strides = array<i32>} : memref<256x128xi32, #tpu.memory_space<vmem>>, vector<1x16xi32>,
      %swap3A_324 = vector.shape_cast %swap3A_323 : vector<1x16xi32> to vector<16xi32>
      %swap3A_325 = vector.shape_cast %add3A_302 : vector<16xi32> to vector<1x16xi32>
      tpu.vector_store %arg6[%swap3A_321, %swap3A_322], %swap3A_325 {strides = array<i32>} : memref<256x128xi32, #tpu.memory_space<vmem>>, vector<1x16xi32>,
      %jit3A_326 = arith.constant 8 : i32
      %div3A_327 = arith.divsi %scan3A_20, %jit3A_326 : i32
      %sign3A_328 = arith.constant 0 : i32
      %sign3A_329 = arith.cmpi sgt, %scan3A_20, %sign3A_328 : i32
      %sign3A_330 = arith.extui %sign3A_329 : i1 to i32
      %sign3A_331 = arith.constant 0 : i32
      %sign3A_332 = arith.cmpi slt, %scan3A_20, %sign3A_331 : i32
      %sign3A_333 = arith.extui %sign3A_332 : i1 to i32
      %sign3A_334 = arith.subi %sign3A_330, %sign3A_333 : i32
      %sign3A_335 = arith.constant 0 : i32
      %sign3A_336 = arith.cmpi sgt, %jit3A_326, %sign3A_335 : i32
      %sign3A_337 = arith.extui %sign3A_336 : i1 to i32
      %sign3A_338 = arith.constant 0 : i32
      %sign3A_339 = arith.cmpi slt, %jit3A_326, %sign3A_338 : i32
      %sign3A_340 = arith.extui %sign3A_339 : i1 to i32
      %sign3A_341 = arith.subi %sign3A_337, %sign3A_340 : i32
      %ne3A_342 = arith.cmpi ne, %sign3A_334, %sign3A_341 : i32
      %rem3A_343 = arith.remsi %scan3A_20, %jit3A_326 : i32
      %ne3A_344 = arith.constant 0 : i32
      %ne3A_345 = arith.cmpi ne, %rem3A_343, %ne3A_344 : i32
      %and3A_346 = arith.andi %ne3A_342, %ne3A_345 : i1
      %sub3A_347 = arith.constant 1 : i32
      %sub3A_348 = arith.subi %div3A_327, %sub3A_347 : i32
      %select_n3A_349 = arith.select %and3A_346, %sub3A_348, %div3A_327 : i32
      %add3A_350 = arith.constant 24 : i32
      %add3A_351 = arith.addi %add3A_350, %select_n3A_349 : i32
      %add3A_352 = arith.constant 6000000 : i32
      %add3A_353 = vector.broadcast %add3A_352 : i32 to vector<16xi32>
      %add3A_354 = arith.addi %get3A_24, %add3A_353 : vector<16xi32>
      %jit3A_355 = arith.constant 8 : i32
      %eq3A_356 = arith.constant 0 : i32
      %eq3A_357 = arith.cmpi eq, %jit3A_355, %eq3A_356 : i32
      %jit3A_358 = arith.constant 1 : i32
      %select_n3A_359 = arith.select %eq3A_357, %jit3A_358, %jit3A_355 : i32
      %rem3A_360 = arith.remsi %scan3A_20, %select_n3A_359 : i32
      %ne3A_361 = arith.constant 0 : i32
      %ne3A_362 = arith.cmpi ne, %rem3A_360, %ne3A_361 : i32
      %lt3A_363 = arith.constant 0 : i32
      %lt3A_364 = arith.cmpi slt, %rem3A_360, %lt3A_363 : i32
      %lt3A_365 = arith.constant 0 : i32
      %lt3A_366 = arith.cmpi slt, %select_n3A_359, %lt3A_365 : i32
      %ne3A_367 = arith.xori %lt3A_364, %lt3A_366 : i1
      %and3A_368 = arith.andi %ne3A_367, %ne3A_362 : i1
      %add3A_369 = arith.addi %rem3A_360, %select_n3A_359 : i32
      %select_n3A_370 = arith.select %and3A_368, %add3A_369, %rem3A_360 : i32
      %mul3A_371 = arith.constant 16 : i32
      %mul3A_372 = arith.muli %select_n3A_370, %mul3A_371 : i32
      %swap3A_373 = arith.index_cast %add3A_351 : i32 to index
      %swap3A_374 = arith.index_cast %mul3A_372 : i32 to index
      %swap3A_375 = tpu.vector_load %arg6[%swap3A_373, %swap3A_374] {strides = array<i32>} : memref<256x128xi32, #tpu.memory_space<vmem>>, vector<1x16xi32>,
      %swap3A_376 = vector.shape_cast %swap3A_375 : vector<1x16xi32> to vector<16xi32>
      %swap3A_377 = vector.shape_cast %add3A_354 : vector<16xi32> to vector<1x16xi32>
      tpu.vector_store %arg6[%swap3A_373, %swap3A_374], %swap3A_377 {strides = array<i32>} : memref<256x128xi32, #tpu.memory_space<vmem>>, vector<1x16xi32>,
      %jit3A_378 = arith.constant 8 : i32
      %div3A_379 = arith.divsi %scan3A_20, %jit3A_378 : i32
      %sign3A_380 = arith.constant 0 : i32
      %sign3A_381 = arith.cmpi sgt, %scan3A_20, %sign3A_380 : i32
      %sign3A_382 = arith.extui %sign3A_381 : i1 to i32
      %sign3A_383 = arith.constant 0 : i32
      %sign3A_384 = arith.cmpi slt, %scan3A_20, %sign3A_383 : i32
      %sign3A_385 = arith.extui %sign3A_384 : i1 to i32
      %sign3A_386 = arith.subi %sign3A_382, %sign3A_385 : i32
      %sign3A_387 = arith.constant 0 : i32
      %sign3A_388 = arith.cmpi sgt, %jit3A_378, %sign3A_387 : i32
      %sign3A_389 = arith.extui %sign3A_388 : i1 to i32
      %sign3A_390 = arith.constant 0 : i32
      %sign3A_391 = arith.cmpi slt, %jit3A_378, %sign3A_390 : i32
      %sign3A_392 = arith.extui %sign3A_391 : i1 to i32
      %sign3A_393 = arith.subi %sign3A_389, %sign3A_392 : i32
      %ne3A_394 = arith.cmpi ne, %sign3A_386, %sign3A_393 : i32
      %rem3A_395 = arith.remsi %scan3A_20, %jit3A_378 : i32
      %ne3A_396 = arith.constant 0 : i32
      %ne3A_397 = arith.cmpi ne, %rem3A_395, %ne3A_396 : i32
      %and3A_398 = arith.andi %ne3A_394, %ne3A_397 : i1
      %sub3A_399 = arith.constant 1 : i32
      %sub3A_400 = arith.subi %div3A_379, %sub3A_399 : i32
      %select_n3A_401 = arith.select %and3A_398, %sub3A_400, %div3A_379 : i32
      %add3A_402 = arith.constant 28 : i32
      %add3A_403 = arith.addi %add3A_402, %select_n3A_401 : i32
      %add3A_404 = arith.constant 7000000 : i32
      %add3A_405 = vector.broadcast %add3A_404 : i32 to vector<16xi32>
      %add3A_406 = arith.addi %get3A_24, %add3A_405 : vector<16xi32>
      %jit3A_407 = arith.constant 8 : i32
      %eq3A_408 = arith.constant 0 : i32
      %eq3A_409 = arith.cmpi eq, %jit3A_407, %eq3A_408 : i32
      %jit3A_410 = arith.constant 1 : i32
      %select_n3A_411 = arith.select %eq3A_409, %jit3A_410, %jit3A_407 : i32
      %rem3A_412 = arith.remsi %scan3A_20, %select_n3A_411 : i32
      %ne3A_413 = arith.constant 0 : i32
      %ne3A_414 = arith.cmpi ne, %rem3A_412, %ne3A_413 : i32
      %lt3A_415 = arith.constant 0 : i32
      %lt3A_416 = arith.cmpi slt, %rem3A_412, %lt3A_415 : i32
      %lt3A_417 = arith.constant 0 : i32
      %lt3A_418 = arith.cmpi slt, %select_n3A_411, %lt3A_417 : i32
      %ne3A_419 = arith.xori %lt3A_416, %lt3A_418 : i1
      %and3A_420 = arith.andi %ne3A_419, %ne3A_414 : i1
      %add3A_421 = arith.addi %rem3A_412, %select_n3A_411 : i32
      %select_n3A_422 = arith.select %and3A_420, %add3A_421, %rem3A_412 : i32
      %mul3A_423 = arith.constant 16 : i32
      %mul3A_424 = arith.muli %select_n3A_422, %mul3A_423 : i32
      %swap3A_425 = arith.index_cast %add3A_403 : i32 to index
      %swap3A_426 = arith.index_cast %mul3A_424 : i32 to index
      %swap3A_427 = tpu.vector_load %arg6[%swap3A_425, %swap3A_426] {strides = array<i32>} : memref<256x128xi32, #tpu.memory_space<vmem>>, vector<1x16xi32>,
      %swap3A_428 = vector.shape_cast %swap3A_427 : vector<1x16xi32> to vector<16xi32>
      %swap3A_429 = vector.shape_cast %add3A_406 : vector<16xi32> to vector<1x16xi32>
      tpu.vector_store %arg6[%swap3A_425, %swap3A_426], %swap3A_429 {strides = array<i32>} : memref<256x128xi32, #tpu.memory_space<vmem>>, vector<1x16xi32>,
      %jit3A_430 = arith.constant 8 : i32
      %div3A_431 = arith.divsi %scan3A_20, %jit3A_430 : i32
      %sign3A_432 = arith.constant 0 : i32
      %sign3A_433 = arith.cmpi sgt, %scan3A_20, %sign3A_432 : i32
      %sign3A_434 = arith.extui %sign3A_433 : i1 to i32
      %sign3A_435 = arith.constant 0 : i32
      %sign3A_436 = arith.cmpi slt, %scan3A_20, %sign3A_435 : i32
      %sign3A_437 = arith.extui %sign3A_436 : i1 to i32
      %sign3A_438 = arith.subi %sign3A_434, %sign3A_437 : i32
      %sign3A_439 = arith.constant 0 : i32
      %sign3A_440 = arith.cmpi sgt, %jit3A_430, %sign3A_439 : i32
      %sign3A_441 = arith.extui %sign3A_440 : i1 to i32
      %sign3A_442 = arith.constant 0 : i32
      %sign3A_443 = arith.cmpi slt, %jit3A_430, %sign3A_442 : i32
      %sign3A_444 = arith.extui %sign3A_443 : i1 to i32
      %sign3A_445 = arith.subi %sign3A_441, %sign3A_444 : i32
      %ne3A_446 = arith.cmpi ne, %sign3A_438, %sign3A_445 : i32
      %rem3A_447 = arith.remsi %scan3A_20, %jit3A_430 : i32
      %ne3A_448 = arith.constant 0 : i32
      %ne3A_449 = arith.cmpi ne, %rem3A_447, %ne3A_448 : i32
      %and3A_450 = arith.andi %ne3A_446, %ne3A_449 : i1
      %sub3A_451 = arith.constant 1 : i32
      %sub3A_452 = arith.subi %div3A_431, %sub3A_451 : i32
      %select_n3A_453 = arith.select %and3A_450, %sub3A_452, %div3A_431 : i32
      %add3A_454 = arith.constant 32 : i32
      %add3A_455 = arith.addi %add3A_454, %select_n3A_453 : i32
      %add3A_456 = arith.constant 8000000 : i32
      %add3A_457 = vector.broadcast %add3A_456 : i32 to vector<16xi32>
      %add3A_458 = arith.addi %get3A_24, %add3A_457 : vector<16xi32>
      %jit3A_459 = arith.constant 8 : i32
      %eq3A_460 = arith.constant 0 : i32
      %eq3A_461 = arith.cmpi eq, %jit3A_459, %eq3A_460 : i32
      %jit3A_462 = arith.constant 1 : i32
      %select_n3A_463 = arith.select %eq3A_461, %jit3A_462, %jit3A_459 : i32
      %rem3A_464 = arith.remsi %scan3A_20, %select_n3A_463 : i32
      %ne3A_465 = arith.constant 0 : i32
      %ne3A_466 = arith.cmpi ne, %rem3A_464, %ne3A_465 : i32
      %lt3A_467 = arith.constant 0 : i32
      %lt3A_468 = arith.cmpi slt, %rem3A_464, %lt3A_467 : i32
      %lt3A_469 = arith.constant 0 : i32
      %lt3A_470 = arith.cmpi slt, %select_n3A_463, %lt3A_469 : i32
      %ne3A_471 = arith.xori %lt3A_468, %lt3A_470 : i1
      %and3A_472 = arith.andi %ne3A_471, %ne3A_466 : i1
      %add3A_473 = arith.addi %rem3A_464, %select_n3A_463 : i32
      %select_n3A_474 = arith.select %and3A_472, %add3A_473, %rem3A_464 : i32
      %mul3A_475 = arith.constant 16 : i32
      %mul3A_476 = arith.muli %select_n3A_474, %mul3A_475 : i32
      %swap3A_477 = arith.index_cast %add3A_455 : i32 to index
      %swap3A_478 = arith.index_cast %mul3A_476 : i32 to index
      %swap3A_479 = tpu.vector_load %arg6[%swap3A_477, %swap3A_478] {strides = array<i32>} : memref<256x128xi32, #tpu.memory_space<vmem>>, vector<1x16xi32>,
      %swap3A_480 = vector.shape_cast %swap3A_479 : vector<1x16xi32> to vector<16xi32>
      %swap3A_481 = vector.shape_cast %add3A_458 : vector<16xi32> to vector<1x16xi32>
      tpu.vector_store %arg6[%swap3A_477, %swap3A_478], %swap3A_481 {strides = array<i32>} : memref<256x128xi32, #tpu.memory_space<vmem>>, vector<1x16xi32>,
      %jit3A_482 = arith.constant 8 : i32
      %div3A_483 = arith.divsi %scan3A_20, %jit3A_482 : i32
      %sign3A_484 = arith.constant 0 : i32
      %sign3A_485 = arith.cmpi sgt, %scan3A_20, %sign3A_484 : i32
      %sign3A_486 = arith.extui %sign3A_485 : i1 to i32
      %sign3A_487 = arith.constant 0 : i32
      %sign3A_488 = arith.cmpi slt, %scan3A_20, %sign3A_487 : i32
      %sign3A_489 = arith.extui %sign3A_488 : i1 to i32
      %sign3A_490 = arith.subi %sign3A_486, %sign3A_489 : i32
      %sign3A_491 = arith.constant 0 : i32
      %sign3A_492 = arith.cmpi sgt, %jit3A_482, %sign3A_491 : i32
      %sign3A_493 = arith.extui %sign3A_492 : i1 to i32
      %sign3A_494 = arith.constant 0 : i32
      %sign3A_495 = arith.cmpi slt, %jit3A_482, %sign3A_494 : i32
      %sign3A_496 = arith.extui %sign3A_495 : i1 to i32
      %sign3A_497 = arith.subi %sign3A_493, %sign3A_496 : i32
      %ne3A_498 = arith.cmpi ne, %sign3A_490, %sign3A_497 : i32
      %rem3A_499 = arith.remsi %scan3A_20, %jit3A_482 : i32
      %ne3A_500 = arith.constant 0 : i32
      %ne3A_501 = arith.cmpi ne, %rem3A_499, %ne3A_500 : i32
      %and3A_502 = arith.andi %ne3A_498, %ne3A_501 : i1
      %sub3A_503 = arith.constant 1 : i32
      %sub3A_504 = arith.subi %div3A_483, %sub3A_503 : i32
      %select_n3A_505 = arith.select %and3A_502, %sub3A_504, %div3A_483 : i32
      %add3A_506 = arith.constant 36 : i32
      %add3A_507 = arith.addi %add3A_506, %select_n3A_505 : i32
      %add3A_508 = arith.constant 9000000 : i32
      %add3A_509 = vector.broadcast %add3A_508 : i32 to vector<16xi32>
      %add3A_510 = arith.addi %get3A_24, %add3A_509 : vector<16xi32>
      %jit3A_511 = arith.constant 8 : i32
      %eq3A_512 = arith.constant 0 : i32
      %eq3A_513 = arith.cmpi eq, %jit3A_511, %eq3A_512 : i32
      %jit3A_514 = arith.constant 1 : i32
      %select_n3A_515 = arith.select %eq3A_513, %jit3A_514, %jit3A_511 : i32
      %rem3A_516 = arith.remsi %scan3A_20, %select_n3A_515 : i32
      %ne3A_517 = arith.constant 0 : i32
      %ne3A_518 = arith.cmpi ne, %rem3A_516, %ne3A_517 : i32
      %lt3A_519 = arith.constant 0 : i32
      %lt3A_520 = arith.cmpi slt, %rem3A_516, %lt3A_519 : i32
      %lt3A_521 = arith.constant 0 : i32
      %lt3A_522 = arith.cmpi slt, %select_n3A_515, %lt3A_521 : i32
      %ne3A_523 = arith.xori %lt3A_520, %lt3A_522 : i1
      %and3A_524 = arith.andi %ne3A_523, %ne3A_518 : i1
      %add3A_525 = arith.addi %rem3A_516, %select_n3A_515 : i32
      %select_n3A_526 = arith.select %and3A_524, %add3A_525, %rem3A_516 : i32
      %mul3A_527 = arith.constant 16 : i32
      %mul3A_528 = arith.muli %select_n3A_526, %mul3A_527 : i32
      %swap3A_529 = arith.index_cast %add3A_507 : i32 to index
      %swap3A_530 = arith.index_cast %mul3A_528 : i32 to index
      %swap3A_531 = tpu.vector_load %arg6[%swap3A_529, %swap3A_530] {strides = array<i32>} : memref<256x128xi32, #tpu.memory_space<vmem>>, vector<1x16xi32>,
      %swap3A_532 = vector.shape_cast %swap3A_531 : vector<1x16xi32> to vector<16xi32>
      %swap3A_533 = vector.shape_cast %add3A_510 : vector<16xi32> to vector<1x16xi32>
      tpu.vector_store %arg6[%swap3A_529, %swap3A_530], %swap3A_533 {strides = array<i32>} : memref<256x128xi32, #tpu.memory_space<vmem>>, vector<1x16xi32>,
      %jit3A_534 = arith.constant 8 : i32
      %div3A_535 = arith.divsi %scan3A_20, %jit3A_534 : i32
      %sign3A_536 = arith.constant 0 : i32
      %sign3A_537 = arith.cmpi sgt, %scan3A_20, %sign3A_536 : i32
      %sign3A_538 = arith.extui %sign3A_537 : i1 to i32
      %sign3A_539 = arith.constant 0 : i32
      %sign3A_540 = arith.cmpi slt, %scan3A_20, %sign3A_539 : i32
      %sign3A_541 = arith.extui %sign3A_540 : i1 to i32
      %sign3A_542 = arith.subi %sign3A_538, %sign3A_541 : i32
      %sign3A_543 = arith.constant 0 : i32
      %sign3A_544 = arith.cmpi sgt, %jit3A_534, %sign3A_543 : i32
      %sign3A_545 = arith.extui %sign3A_544 : i1 to i32
      %sign3A_546 = arith.constant 0 : i32
      %sign3A_547 = arith.cmpi slt, %jit3A_534, %sign3A_546 : i32
      %sign3A_548 = arith.extui %sign3A_547 : i1 to i32
      %sign3A_549 = arith.subi %sign3A_545, %sign3A_548 : i32
      %ne3A_550 = arith.cmpi ne, %sign3A_542, %sign3A_549 : i32
      %rem3A_551 = arith.remsi %scan3A_20, %jit3A_534 : i32
      %ne3A_552 = arith.constant 0 : i32
      %ne3A_553 = arith.cmpi ne, %rem3A_551, %ne3A_552 : i32
      %and3A_554 = arith.andi %ne3A_550, %ne3A_553 : i1
      %sub3A_555 = arith.constant 1 : i32
      %sub3A_556 = arith.subi %div3A_535, %sub3A_555 : i32
      %select_n3A_557 = arith.select %and3A_554, %sub3A_556, %div3A_535 : i32
      %add3A_558 = arith.constant 40 : i32
      %add3A_559 = arith.addi %add3A_558, %select_n3A_557 : i32
      %add3A_560 = arith.constant 10000000 : i32
      %add3A_561 = vector.broadcast %add3A_560 : i32 to vector<16xi32>
      %add3A_562 = arith.addi %get3A_24, %add3A_561 : vector<16xi32>
      %jit3A_563 = arith.constant 8 : i32
      %eq3A_564 = arith.constant 0 : i32
      %eq3A_565 = arith.cmpi eq, %jit3A_563, %eq3A_564 : i32
      %jit3A_566 = arith.constant 1 : i32
      %select_n3A_567 = arith.select %eq3A_565, %jit3A_566, %jit3A_563 : i32
      %rem3A_568 = arith.remsi %scan3A_20, %select_n3A_567 : i32
      %ne3A_569 = arith.constant 0 : i32
      %ne3A_570 = arith.cmpi ne, %rem3A_568, %ne3A_569 : i32
      %lt3A_571 = arith.constant 0 : i32
      %lt3A_572 = arith.cmpi slt, %rem3A_568, %lt3A_571 : i32
      %lt3A_573 = arith.constant 0 : i32
      %lt3A_574 = arith.cmpi slt, %select_n3A_567, %lt3A_573 : i32
      %ne3A_575 = arith.xori %lt3A_572, %lt3A_574 : i1
      %and3A_576 = arith.andi %ne3A_575, %ne3A_570 : i1
      %add3A_577 = arith.addi %rem3A_568, %select_n3A_567 : i32
      %select_n3A_578 = arith.select %and3A_576, %add3A_577, %rem3A_568 : i32
      %mul3A_579 = arith.constant 16 : i32
      %mul3A_580 = arith.muli %select_n3A_578, %mul3A_579 : i32
      %swap3A_581 = arith.index_cast %add3A_559 : i32 to index
      %swap3A_582 = arith.index_cast %mul3A_580 : i32 to index
      %swap3A_583 = tpu.vector_load %arg6[%swap3A_581, %swap3A_582] {strides = array<i32>} : memref<256x128xi32, #tpu.memory_space<vmem>>, vector<1x16xi32>,
      %swap3A_584 = vector.shape_cast %swap3A_583 : vector<1x16xi32> to vector<16xi32>
      %swap3A_585 = vector.shape_cast %add3A_562 : vector<16xi32> to vector<1x16xi32>
      tpu.vector_store %arg6[%swap3A_581, %swap3A_582], %swap3A_585 {strides = array<i32>} : memref<256x128xi32, #tpu.memory_space<vmem>>, vector<1x16xi32>,
      %jit3A_586 = arith.constant 8 : i32
      %div3A_587 = arith.divsi %scan3A_20, %jit3A_586 : i32
      %sign3A_588 = arith.constant 0 : i32
      %sign3A_589 = arith.cmpi sgt, %scan3A_20, %sign3A_588 : i32
      %sign3A_590 = arith.extui %sign3A_589 : i1 to i32
      %sign3A_591 = arith.constant 0 : i32
      %sign3A_592 = arith.cmpi slt, %scan3A_20, %sign3A_591 : i32
      %sign3A_593 = arith.extui %sign3A_592 : i1 to i32
      %sign3A_594 = arith.subi %sign3A_590, %sign3A_593 : i32
      %sign3A_595 = arith.constant 0 : i32
      %sign3A_596 = arith.cmpi sgt, %jit3A_586, %sign3A_595 : i32
      %sign3A_597 = arith.extui %sign3A_596 : i1 to i32
      %sign3A_598 = arith.constant 0 : i32
      %sign3A_599 = arith.cmpi slt, %jit3A_586, %sign3A_598 : i32
      %sign3A_600 = arith.extui %sign3A_599 : i1 to i32
      %sign3A_601 = arith.subi %sign3A_597, %sign3A_600 : i32
      %ne3A_602 = arith.cmpi ne, %sign3A_594, %sign3A_601 : i32
      %rem3A_603 = arith.remsi %scan3A_20, %jit3A_586 : i32
      %ne3A_604 = arith.constant 0 : i32
      %ne3A_605 = arith.cmpi ne, %rem3A_603, %ne3A_604 : i32
      %and3A_606 = arith.andi %ne3A_602, %ne3A_605 : i1
      %sub3A_607 = arith.constant 1 : i32
      %sub3A_608 = arith.subi %div3A_587, %sub3A_607 : i32
      %select_n3A_609 = arith.select %and3A_606, %sub3A_608, %div3A_587 : i32
      %add3A_610 = arith.constant 44 : i32
      %add3A_611 = arith.addi %add3A_610, %select_n3A_609 : i32
      %add3A_612 = arith.constant 11000000 : i32
      %add3A_613 = vector.broadcast %add3A_612 : i32 to vector<16xi32>
      %add3A_614 = arith.addi %get3A_24, %add3A_613 : vector<16xi32>
      %jit3A_615 = arith.constant 8 : i32
      %eq3A_616 = arith.constant 0 : i32
      %eq3A_617 = arith.cmpi eq, %jit3A_615, %eq3A_616 : i32
      %jit3A_618 = arith.constant 1 : i32
      %select_n3A_619 = arith.select %eq3A_617, %jit3A_618, %jit3A_615 : i32
      %rem3A_620 = arith.remsi %scan3A_20, %select_n3A_619 : i32
      %ne3A_621 = arith.constant 0 : i32
      %ne3A_622 = arith.cmpi ne, %rem3A_620, %ne3A_621 : i32
      %lt3A_623 = arith.constant 0 : i32
      %lt3A_624 = arith.cmpi slt, %rem3A_620, %lt3A_623 : i32
      %lt3A_625 = arith.constant 0 : i32
      %lt3A_626 = arith.cmpi slt, %select_n3A_619, %lt3A_625 : i32
      %ne3A_627 = arith.xori %lt3A_624, %lt3A_626 : i1
      %and3A_628 = arith.andi %ne3A_627, %ne3A_622 : i1
      %add3A_629 = arith.addi %rem3A_620, %select_n3A_619 : i32
      %select_n3A_630 = arith.select %and3A_628, %add3A_629, %rem3A_620 : i32
      %mul3A_631 = arith.constant 16 : i32
      %mul3A_632 = arith.muli %select_n3A_630, %mul3A_631 : i32
      %swap3A_633 = arith.index_cast %add3A_611 : i32 to index
      %swap3A_634 = arith.index_cast %mul3A_632 : i32 to index
      %swap3A_635 = tpu.vector_load %arg6[%swap3A_633, %swap3A_634] {strides = array<i32>} : memref<256x128xi32, #tpu.memory_space<vmem>>, vector<1x16xi32>,
      %swap3A_636 = vector.shape_cast %swap3A_635 : vector<1x16xi32> to vector<16xi32>
      %swap3A_637 = vector.shape_cast %add3A_614 : vector<16xi32> to vector<1x16xi32>
      tpu.vector_store %arg6[%swap3A_633, %swap3A_634], %swap3A_637 {strides = array<i32>} : memref<256x128xi32, #tpu.memory_space<vmem>>, vector<1x16xi32>,
      %jit3A_638 = arith.constant 8 : i32
      %div3A_639 = arith.divsi %scan3A_20, %jit3A_638 : i32
      %sign3A_640 = arith.constant 0 : i32
      %sign3A_641 = arith.cmpi sgt, %scan3A_20, %sign3A_640 : i32
      %sign3A_642 = arith.extui %sign3A_641 : i1 to i32
      %sign3A_643 = arith.constant 0 : i32
      %sign3A_644 = arith.cmpi slt, %scan3A_20, %sign3A_643 : i32
      %sign3A_645 = arith.extui %sign3A_644 : i1 to i32
      %sign3A_646 = arith.subi %sign3A_642, %sign3A_645 : i32
      %sign3A_647 = arith.constant 0 : i32
      %sign3A_648 = arith.cmpi sgt, %jit3A_638, %sign3A_647 : i32
      %sign3A_649 = arith.extui %sign3A_648 : i1 to i32
      %sign3A_650 = arith.constant 0 : i32
      %sign3A_651 = arith.cmpi slt, %jit3A_638, %sign3A_650 : i32
      %sign3A_652 = arith.extui %sign3A_651 : i1 to i32
      %sign3A_653 = arith.subi %sign3A_649, %sign3A_652 : i32
      %ne3A_654 = arith.cmpi ne, %sign3A_646, %sign3A_653 : i32
      %rem3A_655 = arith.remsi %scan3A_20, %jit3A_638 : i32
      %ne3A_656 = arith.constant 0 : i32
      %ne3A_657 = arith.cmpi ne, %rem3A_655, %ne3A_656 : i32
      %and3A_658 = arith.andi %ne3A_654, %ne3A_657 : i1
      %sub3A_659 = arith.constant 1 : i32
      %sub3A_660 = arith.subi %div3A_639, %sub3A_659 : i32
      %select_n3A_661 = arith.select %and3A_658, %sub3A_660, %div3A_639 : i32
      %add3A_662 = arith.constant 48 : i32
      %add3A_663 = arith.addi %add3A_662, %select_n3A_661 : i32
      %add3A_664 = arith.constant 12000000 : i32
      %add3A_665 = vector.broadcast %add3A_664 : i32 to vector<16xi32>
      %add3A_666 = arith.addi %get3A_24, %add3A_665 : vector<16xi32>
      %jit3A_667 = arith.constant 8 : i32
      %eq3A_668 = arith.constant 0 : i32
      %eq3A_669 = arith.cmpi eq, %jit3A_667, %eq3A_668 : i32
      %jit3A_670 = arith.constant 1 : i32
      %select_n3A_671 = arith.select %eq3A_669, %jit3A_670, %jit3A_667 : i32
      %rem3A_672 = arith.remsi %scan3A_20, %select_n3A_671 : i32
      %ne3A_673 = arith.constant 0 : i32
      %ne3A_674 = arith.cmpi ne, %rem3A_672, %ne3A_673 : i32
      %lt3A_675 = arith.constant 0 : i32
      %lt3A_676 = arith.cmpi slt, %rem3A_672, %lt3A_675 : i32
      %lt3A_677 = arith.constant 0 : i32
      %lt3A_678 = arith.cmpi slt, %select_n3A_671, %lt3A_677 : i32
      %ne3A_679 = arith.xori %lt3A_676, %lt3A_678 : i1
      %and3A_680 = arith.andi %ne3A_679, %ne3A_674 : i1
      %add3A_681 = arith.addi %rem3A_672, %select_n3A_671 : i32
      %select_n3A_682 = arith.select %and3A_680, %add3A_681, %rem3A_672 : i32
      %mul3A_683 = arith.constant 16 : i32
      %mul3A_684 = arith.muli %select_n3A_682, %mul3A_683 : i32
      %swap3A_685 = arith.index_cast %add3A_663 : i32 to index
      %swap3A_686 = arith.index_cast %mul3A_684 : i32 to index
      %swap3A_687 = tpu.vector_load %arg6[%swap3A_685, %swap3A_686] {strides = array<i32>} : memref<256x128xi32, #tpu.memory_space<vmem>>, vector<1x16xi32>,
      %swap3A_688 = vector.shape_cast %swap3A_687 : vector<1x16xi32> to vector<16xi32>
      %swap3A_689 = vector.shape_cast %add3A_666 : vector<16xi32> to vector<1x16xi32>
      tpu.vector_store %arg6[%swap3A_685, %swap3A_686], %swap3A_689 {strides = array<i32>} : memref<256x128xi32, #tpu.memory_space<vmem>>, vector<1x16xi32>,
      %jit3A_690 = arith.constant 8 : i32
      %div3A_691 = arith.divsi %scan3A_20, %jit3A_690 : i32
      %sign3A_692 = arith.constant 0 : i32
      %sign3A_693 = arith.cmpi sgt, %scan3A_20, %sign3A_692 : i32
      %sign3A_694 = arith.extui %sign3A_693 : i1 to i32
      %sign3A_695 = arith.constant 0 : i32
      %sign3A_696 = arith.cmpi slt, %scan3A_20, %sign3A_695 : i32
      %sign3A_697 = arith.extui %sign3A_696 : i1 to i32
      %sign3A_698 = arith.subi %sign3A_694, %sign3A_697 : i32
      %sign3A_699 = arith.constant 0 : i32
      %sign3A_700 = arith.cmpi sgt, %jit3A_690, %sign3A_699 : i32
      %sign3A_701 = arith.extui %sign3A_700 : i1 to i32
      %sign3A_702 = arith.constant 0 : i32
      %sign3A_703 = arith.cmpi slt, %jit3A_690, %sign3A_702 : i32
      %sign3A_704 = arith.extui %sign3A_703 : i1 to i32
      %sign3A_705 = arith.subi %sign3A_701, %sign3A_704 : i32
      %ne3A_706 = arith.cmpi ne, %sign3A_698, %sign3A_705 : i32
      %rem3A_707 = arith.remsi %scan3A_20, %jit3A_690 : i32
      %ne3A_708 = arith.constant 0 : i32
      %ne3A_709 = arith.cmpi ne, %rem3A_707, %ne3A_708 : i32
      %and3A_710 = arith.andi %ne3A_706, %ne3A_709 : i1
      %sub3A_711 = arith.constant 1 : i32
      %sub3A_712 = arith.subi %div3A_691, %sub3A_711 : i32
      %select_n3A_713 = arith.select %and3A_710, %sub3A_712, %div3A_691 : i32
      %add3A_714 = arith.constant 52 : i32
      %add3A_715 = arith.addi %add3A_714, %select_n3A_713 : i32
      %add3A_716 = arith.constant 13000000 : i32
      %add3A_717 = vector.broadcast %add3A_716 : i32 to vector<16xi32>
      %add3A_718 = arith.addi %get3A_24, %add3A_717 : vector<16xi32>
      %jit3A_719 = arith.constant 8 : i32
      %eq3A_720 = arith.constant 0 : i32
      %eq3A_721 = arith.cmpi eq, %jit3A_719, %eq3A_720 : i32
      %jit3A_722 = arith.constant 1 : i32
      %select_n3A_723 = arith.select %eq3A_721, %jit3A_722, %jit3A_719 : i32
      %rem3A_724 = arith.remsi %scan3A_20, %select_n3A_723 : i32
      %ne3A_725 = arith.constant 0 : i32
      %ne3A_726 = arith.cmpi ne, %rem3A_724, %ne3A_725 : i32
      %lt3A_727 = arith.constant 0 : i32
      %lt3A_728 = arith.cmpi slt, %rem3A_724, %lt3A_727 : i32
      %lt3A_729 = arith.constant 0 : i32
      %lt3A_730 = arith.cmpi slt, %select_n3A_723, %lt3A_729 : i32
      %ne3A_731 = arith.xori %lt3A_728, %lt3A_730 : i1
      %and3A_732 = arith.andi %ne3A_731, %ne3A_726 : i1
      %add3A_733 = arith.addi %rem3A_724, %select_n3A_723 : i32
      %select_n3A_734 = arith.select %and3A_732, %add3A_733, %rem3A_724 : i32
      %mul3A_735 = arith.constant 16 : i32
      %mul3A_736 = arith.muli %select_n3A_734, %mul3A_735 : i32
      %swap3A_737 = arith.index_cast %add3A_715 : i32 to index
      %swap3A_738 = arith.index_cast %mul3A_736 : i32 to index
      %swap3A_739 = tpu.vector_load %arg6[%swap3A_737, %swap3A_738] {strides = array<i32>} : memref<256x128xi32, #tpu.memory_space<vmem>>, vector<1x16xi32>,
      %swap3A_740 = vector.shape_cast %swap3A_739 : vector<1x16xi32> to vector<16xi32>
      %swap3A_741 = vector.shape_cast %add3A_718 : vector<16xi32> to vector<1x16xi32>
      tpu.vector_store %arg6[%swap3A_737, %swap3A_738], %swap3A_741 {strides = array<i32>} : memref<256x128xi32, #tpu.memory_space<vmem>>, vector<1x16xi32>,
      %jit3A_742 = arith.constant 8 : i32
      %div3A_743 = arith.divsi %scan3A_20, %jit3A_742 : i32
      %sign3A_744 = arith.constant 0 : i32
      %sign3A_745 = arith.cmpi sgt, %scan3A_20, %sign3A_744 : i32
      %sign3A_746 = arith.extui %sign3A_745 : i1 to i32
      %sign3A_747 = arith.constant 0 : i32
      %sign3A_748 = arith.cmpi slt, %scan3A_20, %sign3A_747 : i32
      %sign3A_749 = arith.extui %sign3A_748 : i1 to i32
      %sign3A_750 = arith.subi %sign3A_746, %sign3A_749 : i32
      %sign3A_751 = arith.constant 0 : i32
      %sign3A_752 = arith.cmpi sgt, %jit3A_742, %sign3A_751 : i32
      %sign3A_753 = arith.extui %sign3A_752 : i1 to i32
      %sign3A_754 = arith.constant 0 : i32
      %sign3A_755 = arith.cmpi slt, %jit3A_742, %sign3A_754 : i32
      %sign3A_756 = arith.extui %sign3A_755 : i1 to i32
      %sign3A_757 = arith.subi %sign3A_753, %sign3A_756 : i32
      %ne3A_758 = arith.cmpi ne, %sign3A_750, %sign3A_757 : i32
      %rem3A_759 = arith.remsi %scan3A_20, %jit3A_742 : i32
      %ne3A_760 = arith.constant 0 : i32
      %ne3A_761 = arith.cmpi ne, %rem3A_759, %ne3A_760 : i32
      %and3A_762 = arith.andi %ne3A_758, %ne3A_761 : i1
      %sub3A_763 = arith.constant 1 : i32
      %sub3A_764 = arith.subi %div3A_743, %sub3A_763 : i32
      %select_n3A_765 = arith.select %and3A_762, %sub3A_764, %div3A_743 : i32
      %add3A_766 = arith.constant 56 : i32
      %add3A_767 = arith.addi %add3A_766, %select_n3A_765 : i32
      %add3A_768 = arith.constant 14000000 : i32
      %add3A_769 = vector.broadcast %add3A_768 : i32 to vector<16xi32>
      %add3A_770 = arith.addi %get3A_24, %add3A_769 : vector<16xi32>
      %jit3A_771 = arith.constant 8 : i32
      %eq3A_772 = arith.constant 0 : i32
      %eq3A_773 = arith.cmpi eq, %jit3A_771, %eq3A_772 : i32
      %jit3A_774 = arith.constant 1 : i32
      %select_n3A_775 = arith.select %eq3A_773, %jit3A_774, %jit3A_771 : i32
      %rem3A_776 = arith.remsi %scan3A_20, %select_n3A_775 : i32
      %ne3A_777 = arith.constant 0 : i32
      %ne3A_778 = arith.cmpi ne, %rem3A_776, %ne3A_777 : i32
      %lt3A_779 = arith.constant 0 : i32
      %lt3A_780 = arith.cmpi slt, %rem3A_776, %lt3A_779 : i32
      %lt3A_781 = arith.constant 0 : i32
      %lt3A_782 = arith.cmpi slt, %select_n3A_775, %lt3A_781 : i32
      %ne3A_783 = arith.xori %lt3A_780, %lt3A_782 : i1
      %and3A_784 = arith.andi %ne3A_783, %ne3A_778 : i1
      %add3A_785 = arith.addi %rem3A_776, %select_n3A_775 : i32
      %select_n3A_786 = arith.select %and3A_784, %add3A_785, %rem3A_776 : i32
      %mul3A_787 = arith.constant 16 : i32
      %mul3A_788 = arith.muli %select_n3A_786, %mul3A_787 : i32
      %swap3A_789 = arith.index_cast %add3A_767 : i32 to index
      %swap3A_790 = arith.index_cast %mul3A_788 : i32 to index
      %swap3A_791 = tpu.vector_load %arg6[%swap3A_789, %swap3A_790] {strides = array<i32>} : memref<256x128xi32, #tpu.memory_space<vmem>>, vector<1x16xi32>,
      %swap3A_792 = vector.shape_cast %swap3A_791 : vector<1x16xi32> to vector<16xi32>
      %swap3A_793 = vector.shape_cast %add3A_770 : vector<16xi32> to vector<1x16xi32>
      tpu.vector_store %arg6[%swap3A_789, %swap3A_790], %swap3A_793 {strides = array<i32>} : memref<256x128xi32, #tpu.memory_space<vmem>>, vector<1x16xi32>,
      %jit3A_794 = arith.constant 8 : i32
      %div3A_795 = arith.divsi %scan3A_20, %jit3A_794 : i32
      %sign3A_796 = arith.constant 0 : i32
      %sign3A_797 = arith.cmpi sgt, %scan3A_20, %sign3A_796 : i32
      %sign3A_798 = arith.extui %sign3A_797 : i1 to i32
      %sign3A_799 = arith.constant 0 : i32
      %sign3A_800 = arith.cmpi slt, %scan3A_20, %sign3A_799 : i32
      %sign3A_801 = arith.extui %sign3A_800 : i1 to i32
      %sign3A_802 = arith.subi %sign3A_798, %sign3A_801 : i32
      %sign3A_803 = arith.constant 0 : i32
      %sign3A_804 = arith.cmpi sgt, %jit3A_794, %sign3A_803 : i32
      %sign3A_805 = arith.extui %sign3A_804 : i1 to i32
      %sign3A_806 = arith.constant 0 : i32
      %sign3A_807 = arith.cmpi slt, %jit3A_794, %sign3A_806 : i32
      %sign3A_808 = arith.extui %sign3A_807 : i1 to i32
      %sign3A_809 = arith.subi %sign3A_805, %sign3A_808 : i32
      %ne3A_810 = arith.cmpi ne, %sign3A_802, %sign3A_809 : i32
      %rem3A_811 = arith.remsi %scan3A_20, %jit3A_794 : i32
      %ne3A_812 = arith.constant 0 : i32
      %ne3A_813 = arith.cmpi ne, %rem3A_811, %ne3A_812 : i32
      %and3A_814 = arith.andi %ne3A_810, %ne3A_813 : i1
      %sub3A_815 = arith.constant 1 : i32
      %sub3A_816 = arith.subi %div3A_795, %sub3A_815 : i32
      %select_n3A_817 = arith.select %and3A_814, %sub3A_816, %div3A_795 : i32
      %add3A_818 = arith.constant 60 : i32
      %add3A_819 = arith.addi %add3A_818, %select_n3A_817 : i32
      %add3A_820 = arith.constant 15000000 : i32
      %add3A_821 = vector.broadcast %add3A_820 : i32 to vector<16xi32>
      %add3A_822 = arith.addi %get3A_24, %add3A_821 : vector<16xi32>
      %jit3A_823 = arith.constant 8 : i32
      %eq3A_824 = arith.constant 0 : i32
      %eq3A_825 = arith.cmpi eq, %jit3A_823, %eq3A_824 : i32
      %jit3A_826 = arith.constant 1 : i32
      %select_n3A_827 = arith.select %eq3A_825, %jit3A_826, %jit3A_823 : i32
      %rem3A_828 = arith.remsi %scan3A_20, %select_n3A_827 : i32
      %ne3A_829 = arith.constant 0 : i32
      %ne3A_830 = arith.cmpi ne, %rem3A_828, %ne3A_829 : i32
      %lt3A_831 = arith.constant 0 : i32
      %lt3A_832 = arith.cmpi slt, %rem3A_828, %lt3A_831 : i32
      %lt3A_833 = arith.constant 0 : i32
      %lt3A_834 = arith.cmpi slt, %select_n3A_827, %lt3A_833 : i32
      %ne3A_835 = arith.xori %lt3A_832, %lt3A_834 : i1
      %and3A_836 = arith.andi %ne3A_835, %ne3A_830 : i1
      %add3A_837 = arith.addi %rem3A_828, %select_n3A_827 : i32
      %select_n3A_838 = arith.select %and3A_836, %add3A_837, %rem3A_828 : i32
      %mul3A_839 = arith.constant 16 : i32
      %mul3A_840 = arith.muli %select_n3A_838, %mul3A_839 : i32
      %swap3A_841 = arith.index_cast %add3A_819 : i32 to index
      %swap3A_842 = arith.index_cast %mul3A_840 : i32 to index
      %swap3A_843 = tpu.vector_load %arg6[%swap3A_841, %swap3A_842] {strides = array<i32>} : memref<256x128xi32, #tpu.memory_space<vmem>>, vector<1x16xi32>,
      %swap3A_844 = vector.shape_cast %swap3A_843 : vector<1x16xi32> to vector<16xi32>
      %swap3A_845 = vector.shape_cast %add3A_822 : vector<16xi32> to vector<1x16xi32>
      tpu.vector_store %arg6[%swap3A_841, %swap3A_842], %swap3A_845 {strides = array<i32>} : memref<256x128xi32, #tpu.memory_space<vmem>>, vector<1x16xi32>,
      %jit3A_846 = arith.constant 8 : i32
      %div3A_847 = arith.divsi %scan3A_20, %jit3A_846 : i32
      %sign3A_848 = arith.constant 0 : i32
      %sign3A_849 = arith.cmpi sgt, %scan3A_20, %sign3A_848 : i32
      %sign3A_850 = arith.extui %sign3A_849 : i1 to i32
      %sign3A_851 = arith.constant 0 : i32
      %sign3A_852 = arith.cmpi slt, %scan3A_20, %sign3A_851 : i32
      %sign3A_853 = arith.extui %sign3A_852 : i1 to i32
      %sign3A_854 = arith.subi %sign3A_850, %sign3A_853 : i32
      %sign3A_855 = arith.constant 0 : i32
      %sign3A_856 = arith.cmpi sgt, %jit3A_846, %sign3A_855 : i32
      %sign3A_857 = arith.extui %sign3A_856 : i1 to i32
      %sign3A_858 = arith.constant 0 : i32
      %sign3A_859 = arith.cmpi slt, %jit3A_846, %sign3A_858 : i32
      %sign3A_860 = arith.extui %sign3A_859 : i1 to i32
      %sign3A_861 = arith.subi %sign3A_857, %sign3A_860 : i32
      %ne3A_862 = arith.cmpi ne, %sign3A_854, %sign3A_861 : i32
      %rem3A_863 = arith.remsi %scan3A_20, %jit3A_846 : i32
      %ne3A_864 = arith.constant 0 : i32
      %ne3A_865 = arith.cmpi ne, %rem3A_863, %ne3A_864 : i32
      %and3A_866 = arith.andi %ne3A_862, %ne3A_865 : i1
      %sub3A_867 = arith.constant 1 : i32
      %sub3A_868 = arith.subi %div3A_847, %sub3A_867 : i32
      %select_n3A_869 = arith.select %and3A_866, %sub3A_868, %div3A_847 : i32
      %add3A_870 = arith.constant 64 : i32
      %add3A_871 = arith.addi %add3A_870, %select_n3A_869 : i32
      %add3A_872 = arith.constant 16000000 : i32
      %add3A_873 = vector.broadcast %add3A_872 : i32 to vector<16xi32>
      %add3A_874 = arith.addi %get3A_24, %add3A_873 : vector<16xi32>
      %jit3A_875 = arith.constant 8 : i32
      %eq3A_876 = arith.constant 0 : i32
      %eq3A_877 = arith.cmpi eq, %jit3A_875, %eq3A_876 : i32
      %jit3A_878 = arith.constant 1 : i32
      %select_n3A_879 = arith.select %eq3A_877, %jit3A_878, %jit3A_875 : i32
      %rem3A_880 = arith.remsi %scan3A_20, %select_n3A_879 : i32
      %ne3A_881 = arith.constant 0 : i32
      %ne3A_882 = arith.cmpi ne, %rem3A_880, %ne3A_881 : i32
      %lt3A_883 = arith.constant 0 : i32
      %lt3A_884 = arith.cmpi slt, %rem3A_880, %lt3A_883 : i32
      %lt3A_885 = arith.constant 0 : i32
      %lt3A_886 = arith.cmpi slt, %select_n3A_879, %lt3A_885 : i32
      %ne3A_887 = arith.xori %lt3A_884, %lt3A_886 : i1
      %and3A_888 = arith.andi %ne3A_887, %ne3A_882 : i1
      %add3A_889 = arith.addi %rem3A_880, %select_n3A_879 : i32
      %select_n3A_890 = arith.select %and3A_888, %add3A_889, %rem3A_880 : i32
      %mul3A_891 = arith.constant 16 : i32
      %mul3A_892 = arith.muli %select_n3A_890, %mul3A_891 : i32
      %swap3A_893 = arith.index_cast %add3A_871 : i32 to index
      %swap3A_894 = arith.index_cast %mul3A_892 : i32 to index
      %swap3A_895 = tpu.vector_load %arg6[%swap3A_893, %swap3A_894] {strides = array<i32>} : memref<256x128xi32, #tpu.memory_space<vmem>>, vector<1x16xi32>,
      %swap3A_896 = vector.shape_cast %swap3A_895 : vector<1x16xi32> to vector<16xi32>
      %swap3A_897 = vector.shape_cast %add3A_874 : vector<16xi32> to vector<1x16xi32>
      tpu.vector_store %arg6[%swap3A_893, %swap3A_894], %swap3A_897 {strides = array<i32>} : memref<256x128xi32, #tpu.memory_space<vmem>>, vector<1x16xi32>,
      %jit3A_898 = arith.constant 8 : i32
      %div3A_899 = arith.divsi %scan3A_20, %jit3A_898 : i32
      %sign3A_900 = arith.constant 0 : i32
      %sign3A_901 = arith.cmpi sgt, %scan3A_20, %sign3A_900 : i32
      %sign3A_902 = arith.extui %sign3A_901 : i1 to i32
      %sign3A_903 = arith.constant 0 : i32
      %sign3A_904 = arith.cmpi slt, %scan3A_20, %sign3A_903 : i32
      %sign3A_905 = arith.extui %sign3A_904 : i1 to i32
      %sign3A_906 = arith.subi %sign3A_902, %sign3A_905 : i32
      %sign3A_907 = arith.constant 0 : i32
      %sign3A_908 = arith.cmpi sgt, %jit3A_898, %sign3A_907 : i32
      %sign3A_909 = arith.extui %sign3A_908 : i1 to i32
      %sign3A_910 = arith.constant 0 : i32
      %sign3A_911 = arith.cmpi slt, %jit3A_898, %sign3A_910 : i32
      %sign3A_912 = arith.extui %sign3A_911 : i1 to i32
      %sign3A_913 = arith.subi %sign3A_909, %sign3A_912 : i32
      %ne3A_914 = arith.cmpi ne, %sign3A_906, %sign3A_913 : i32
      %rem3A_915 = arith.remsi %scan3A_20, %jit3A_898 : i32
      %ne3A_916 = arith.constant 0 : i32
      %ne3A_917 = arith.cmpi ne, %rem3A_915, %ne3A_916 : i32
      %and3A_918 = arith.andi %ne3A_914, %ne3A_917 : i1
      %sub3A_919 = arith.constant 1 : i32
      %sub3A_920 = arith.subi %div3A_899, %sub3A_919 : i32
      %select_n3A_921 = arith.select %and3A_918, %sub3A_920, %div3A_899 : i32
      %add3A_922 = arith.constant 68 : i32
      %add3A_923 = arith.addi %add3A_922, %select_n3A_921 : i32
      %add3A_924 = arith.constant 17000000 : i32
      %add3A_925 = vector.broadcast %add3A_924 : i32 to vector<16xi32>
      %add3A_926 = arith.addi %get3A_24, %add3A_925 : vector<16xi32>
      %jit3A_927 = arith.constant 8 : i32
      %eq3A_928 = arith.constant 0 : i32
      %eq3A_929 = arith.cmpi eq, %jit3A_927, %eq3A_928 : i32
      %jit3A_930 = arith.constant 1 : i32
      %select_n3A_931 = arith.select %eq3A_929, %jit3A_930, %jit3A_927 : i32
      %rem3A_932 = arith.remsi %scan3A_20, %select_n3A_931 : i32
      %ne3A_933 = arith.constant 0 : i32
      %ne3A_934 = arith.cmpi ne, %rem3A_932, %ne3A_933 : i32
      %lt3A_935 = arith.constant 0 : i32
      %lt3A_936 = arith.cmpi slt, %rem3A_932, %lt3A_935 : i32
      %lt3A_937 = arith.constant 0 : i32
      %lt3A_938 = arith.cmpi slt, %select_n3A_931, %lt3A_937 : i32
      %ne3A_939 = arith.xori %lt3A_936, %lt3A_938 : i1
      %and3A_940 = arith.andi %ne3A_939, %ne3A_934 : i1
      %add3A_941 = arith.addi %rem3A_932, %select_n3A_931 : i32
      %select_n3A_942 = arith.select %and3A_940, %add3A_941, %rem3A_932 : i32
      %mul3A_943 = arith.constant 16 : i32
      %mul3A_944 = arith.muli %select_n3A_942, %mul3A_943 : i32
      %swap3A_945 = arith.index_cast %add3A_923 : i32 to index
      %swap3A_946 = arith.index_cast %mul3A_944 : i32 to index
      %swap3A_947 = tpu.vector_load %arg6[%swap3A_945, %swap3A_946] {strides = array<i32>} : memref<256x128xi32, #tpu.memory_space<vmem>>, vector<1x16xi32>,
      %swap3A_948 = vector.shape_cast %swap3A_947 : vector<1x16xi32> to vector<16xi32>
      %swap3A_949 = vector.shape_cast %add3A_926 : vector<16xi32> to vector<1x16xi32>
      tpu.vector_store %arg6[%swap3A_945, %swap3A_946], %swap3A_949 {strides = array<i32>} : memref<256x128xi32, #tpu.memory_space<vmem>>, vector<1x16xi32>,
      %jit3A_950 = arith.constant 8 : i32
      %div3A_951 = arith.divsi %scan3A_20, %jit3A_950 : i32
      %sign3A_952 = arith.constant 0 : i32
      %sign3A_953 = arith.cmpi sgt, %scan3A_20, %sign3A_952 : i32
      %sign3A_954 = arith.extui %sign3A_953 : i1 to i32
      %sign3A_955 = arith.constant 0 : i32
      %sign3A_956 = arith.cmpi slt, %scan3A_20, %sign3A_955 : i32
      %sign3A_957 = arith.extui %sign3A_956 : i1 to i32
      %sign3A_958 = arith.subi %sign3A_954, %sign3A_957 : i32
      %sign3A_959 = arith.constant 0 : i32
      %sign3A_960 = arith.cmpi sgt, %jit3A_950, %sign3A_959 : i32
      %sign3A_961 = arith.extui %sign3A_960 : i1 to i32
      %sign3A_962 = arith.constant 0 : i32
      %sign3A_963 = arith.cmpi slt, %jit3A_950, %sign3A_962 : i32
      %sign3A_964 = arith.extui %sign3A_963 : i1 to i32
      %sign3A_965 = arith.subi %sign3A_961, %sign3A_964 : i32
      %ne3A_966 = arith.cmpi ne, %sign3A_958, %sign3A_965 : i32
      %rem3A_967 = arith.remsi %scan3A_20, %jit3A_950 : i32
      %ne3A_968 = arith.constant 0 : i32
      %ne3A_969 = arith.cmpi ne, %rem3A_967, %ne3A_968 : i32
      %and3A_970 = arith.andi %ne3A_966, %ne3A_969 : i1
      %sub3A_971 = arith.constant 1 : i32
      %sub3A_972 = arith.subi %div3A_951, %sub3A_971 : i32
      %select_n3A_973 = arith.select %and3A_970, %sub3A_972, %div3A_951 : i32
      %add3A_974 = arith.constant 72 : i32
      %add3A_975 = arith.addi %add3A_974, %select_n3A_973 : i32
      %add3A_976 = arith.constant 18000000 : i32
      %add3A_977 = vector.broadcast %add3A_976 : i32 to vector<16xi32>
      %add3A_978 = arith.addi %get3A_24, %add3A_977 : vector<16xi32>
      %jit3A_979 = arith.constant 8 : i32
      %eq3A_980 = arith.constant 0 : i32
      %eq3A_981 = arith.cmpi eq, %jit3A_979, %eq3A_980 : i32
      %jit3A_982 = arith.constant 1 : i32
      %select_n3A_983 = arith.select %eq3A_981, %jit3A_982, %jit3A_979 : i32
      %rem3A_984 = arith.remsi %scan3A_20, %select_n3A_983 : i32
      %ne3A_985 = arith.constant 0 : i32
      %ne3A_986 = arith.cmpi ne, %rem3A_984, %ne3A_985 : i32
      %lt3A_987 = arith.constant 0 : i32
      %lt3A_988 = arith.cmpi slt, %rem3A_984, %lt3A_987 : i32
      %lt3A_989 = arith.constant 0 : i32
      %lt3A_990 = arith.cmpi slt, %select_n3A_983, %lt3A_989 : i32
      %ne3A_991 = arith.xori %lt3A_988, %lt3A_990 : i1
      %and3A_992 = arith.andi %ne3A_991, %ne3A_986 : i1
      %add3A_993 = arith.addi %rem3A_984, %select_n3A_983 : i32
      %select_n3A_994 = arith.select %and3A_992, %add3A_993, %rem3A_984 : i32
      %mul3A_995 = arith.constant 16 : i32
      %mul3A_996 = arith.muli %select_n3A_994, %mul3A_995 : i32
      %swap3A_997 = arith.index_cast %add3A_975 : i32 to index
      %swap3A_998 = arith.index_cast %mul3A_996 : i32 to index
      %swap3A_999 = tpu.vector_load %arg6[%swap3A_997, %swap3A_998] {strides = array<i32>} : memref<256x128xi32, #tpu.memory_space<vmem>>, vector<1x16xi32>,
      %swap3A_1000 = vector.shape_cast %swap3A_999 : vector<1x16xi32> to vector<16xi32>
      %swap3A_1001 = vector.shape_cast %add3A_978 : vector<16xi32> to vector<1x16xi32>
      tpu.vector_store %arg6[%swap3A_997, %swap3A_998], %swap3A_1001 {strides = array<i32>} : memref<256x128xi32, #tpu.memory_space<vmem>>, vector<1x16xi32>,
      %jit3A_1002 = arith.constant 8 : i32
      %div3A_1003 = arith.divsi %scan3A_20, %jit3A_1002 : i32
      %sign3A_1004 = arith.constant 0 : i32
      %sign3A_1005 = arith.cmpi sgt, %scan3A_20, %sign3A_1004 : i32
      %sign3A_1006 = arith.extui %sign3A_1005 : i1 to i32
      %sign3A_1007 = arith.constant 0 : i32
      %sign3A_1008 = arith.cmpi slt, %scan3A_20, %sign3A_1007 : i32
      %sign3A_1009 = arith.extui %sign3A_1008 : i1 to i32
      %sign3A_1010 = arith.subi %sign3A_1006, %sign3A_1009 : i32
      %sign3A_1011 = arith.constant 0 : i32
      %sign3A_1012 = arith.cmpi sgt, %jit3A_1002, %sign3A_1011 : i32
      %sign3A_1013 = arith.extui %sign3A_1012 : i1 to i32
      %sign3A_1014 = arith.constant 0 : i32
      %sign3A_1015 = arith.cmpi slt, %jit3A_1002, %sign3A_1014 : i32
      %sign3A_1016 = arith.extui %sign3A_1015 : i1 to i32
      %sign3A_1017 = arith.subi %sign3A_1013, %sign3A_1016 : i32
      %ne3A_1018 = arith.cmpi ne, %sign3A_1010, %sign3A_1017 : i32
      %rem3A_1019 = arith.remsi %scan3A_20, %jit3A_1002 : i32
      %ne3A_1020 = arith.constant 0 : i32
      %ne3A_1021 = arith.cmpi ne, %rem3A_1019, %ne3A_1020 : i32
      %and3A_1022 = arith.andi %ne3A_1018, %ne3A_1021 : i1
      %sub3A_1023 = arith.constant 1 : i32
      %sub3A_1024 = arith.subi %div3A_1003, %sub3A_1023 : i32
      %select_n3A_1025 = arith.select %and3A_1022, %sub3A_1024, %div3A_1003 : i32
      %add3A_1026 = arith.constant 76 : i32
      %add3A_1027 = arith.addi %add3A_1026, %select_n3A_1025 : i32
      %add3A_1028 = arith.constant 19000000 : i32
      %add3A_1029 = vector.broadcast %add3A_1028 : i32 to vector<16xi32>
      %add3A_1030 = arith.addi %get3A_24, %add3A_1029 : vector<16xi32>
      %jit3A_1031 = arith.constant 8 : i32
      %eq3A_1032 = arith.constant 0 : i32
      %eq3A_1033 = arith.cmpi eq, %jit3A_1031, %eq3A_1032 : i32
      %jit3A_1034 = arith.constant 1 : i32
      %select_n3A_1035 = arith.select %eq3A_1033, %jit3A_1034, %jit3A_1031 : i32
      %rem3A_1036 = arith.remsi %scan3A_20, %select_n3A_1035 : i32
      %ne3A_1037 = arith.constant 0 : i32
      %ne3A_1038 = arith.cmpi ne, %rem3A_1036, %ne3A_1037 : i32
      %lt3A_1039 = arith.constant 0 : i32
      %lt3A_1040 = arith.cmpi slt, %rem3A_1036, %lt3A_1039 : i32
      %lt3A_1041 = arith.constant 0 : i32
      %lt3A_1042 = arith.cmpi slt, %select_n3A_1035, %lt3A_1041 : i32
      %ne3A_1043 = arith.xori %lt3A_1040, %lt3A_1042 : i1
      %and3A_1044 = arith.andi %ne3A_1043, %ne3A_1038 : i1
      %add3A_1045 = arith.addi %rem3A_1036, %select_n3A_1035 : i32
      %select_n3A_1046 = arith.select %and3A_1044, %add3A_1045, %rem3A_1036 : i32
      %mul3A_1047 = arith.constant 16 : i32
      %mul3A_1048 = arith.muli %select_n3A_1046, %mul3A_1047 : i32
      %swap3A_1049 = arith.index_cast %add3A_1027 : i32 to index
      %swap3A_1050 = arith.index_cast %mul3A_1048 : i32 to index
      %swap3A_1051 = tpu.vector_load %arg6[%swap3A_1049, %swap3A_1050] {strides = array<i32>} : memref<256x128xi32, #tpu.memory_space<vmem>>, vector<1x16xi32>,
      %swap3A_1052 = vector.shape_cast %swap3A_1051 : vector<1x16xi32> to vector<16xi32>
      %swap3A_1053 = vector.shape_cast %add3A_1030 : vector<16xi32> to vector<1x16xi32>
      tpu.vector_store %arg6[%swap3A_1049, %swap3A_1050], %swap3A_1053 {strides = array<i32>} : memref<256x128xi32, #tpu.memory_space<vmem>>, vector<1x16xi32>,
      %jit3A_1054 = arith.constant 8 : i32
      %div3A_1055 = arith.divsi %scan3A_20, %jit3A_1054 : i32
      %sign3A_1056 = arith.constant 0 : i32
      %sign3A_1057 = arith.cmpi sgt, %scan3A_20, %sign3A_1056 : i32
      %sign3A_1058 = arith.extui %sign3A_1057 : i1 to i32
      %sign3A_1059 = arith.constant 0 : i32
      %sign3A_1060 = arith.cmpi slt, %scan3A_20, %sign3A_1059 : i32
      %sign3A_1061 = arith.extui %sign3A_1060 : i1 to i32
      %sign3A_1062 = arith.subi %sign3A_1058, %sign3A_1061 : i32
      %sign3A_1063 = arith.constant 0 : i32
      %sign3A_1064 = arith.cmpi sgt, %jit3A_1054, %sign3A_1063 : i32
      %sign3A_1065 = arith.extui %sign3A_1064 : i1 to i32
      %sign3A_1066 = arith.constant 0 : i32
      %sign3A_1067 = arith.cmpi slt, %jit3A_1054, %sign3A_1066 : i32
      %sign3A_1068 = arith.extui %sign3A_1067 : i1 to i32
      %sign3A_1069 = arith.subi %sign3A_1065, %sign3A_1068 : i32
      %ne3A_1070 = arith.cmpi ne, %sign3A_1062, %sign3A_1069 : i32
      %rem3A_1071 = arith.remsi %scan3A_20, %jit3A_1054 : i32
      %ne3A_1072 = arith.constant 0 : i32
      %ne3A_1073 = arith.cmpi ne, %rem3A_1071, %ne3A_1072 : i32
      %and3A_1074 = arith.andi %ne3A_1070, %ne3A_1073 : i1
      %sub3A_1075 = arith.constant 1 : i32
      %sub3A_1076 = arith.subi %div3A_1055, %sub3A_1075 : i32
      %select_n3A_1077 = arith.select %and3A_1074, %sub3A_1076, %div3A_1055 : i32
      %add3A_1078 = arith.constant 80 : i32
      %add3A_1079 = arith.addi %add3A_1078, %select_n3A_1077 : i32
      %add3A_1080 = arith.constant 20000000 : i32
      %add3A_1081 = vector.broadcast %add3A_1080 : i32 to vector<16xi32>
      %add3A_1082 = arith.addi %get3A_24, %add3A_1081 : vector<16xi32>
      %jit3A_1083 = arith.constant 8 : i32
      %eq3A_1084 = arith.constant 0 : i32
      %eq3A_1085 = arith.cmpi eq, %jit3A_1083, %eq3A_1084 : i32
      %jit3A_1086 = arith.constant 1 : i32
      %select_n3A_1087 = arith.select %eq3A_1085, %jit3A_1086, %jit3A_1083 : i32
      %rem3A_1088 = arith.remsi %scan3A_20, %select_n3A_1087 : i32
      %ne3A_1089 = arith.constant 0 : i32
      %ne3A_1090 = arith.cmpi ne, %rem3A_1088, %ne3A_1089 : i32
      %lt3A_1091 = arith.constant 0 : i32
      %lt3A_1092 = arith.cmpi slt, %rem3A_1088, %lt3A_1091 : i32
      %lt3A_1093 = arith.constant 0 : i32
      %lt3A_1094 = arith.cmpi slt, %select_n3A_1087, %lt3A_1093 : i32
      %ne3A_1095 = arith.xori %lt3A_1092, %lt3A_1094 : i1
      %and3A_1096 = arith.andi %ne3A_1095, %ne3A_1090 : i1
      %add3A_1097 = arith.addi %rem3A_1088, %select_n3A_1087 : i32
      %select_n3A_1098 = arith.select %and3A_1096, %add3A_1097, %rem3A_1088 : i32
      %mul3A_1099 = arith.constant 16 : i32
      %mul3A_1100 = arith.muli %select_n3A_1098, %mul3A_1099 : i32
      %swap3A_1101 = arith.index_cast %add3A_1079 : i32 to index
      %swap3A_1102 = arith.index_cast %mul3A_1100 : i32 to index
      %swap3A_1103 = tpu.vector_load %arg6[%swap3A_1101, %swap3A_1102] {strides = array<i32>} : memref<256x128xi32, #tpu.memory_space<vmem>>, vector<1x16xi32>,
      %swap3A_1104 = vector.shape_cast %swap3A_1103 : vector<1x16xi32> to vector<16xi32>
      %swap3A_1105 = vector.shape_cast %add3A_1082 : vector<16xi32> to vector<1x16xi32>
      tpu.vector_store %arg6[%swap3A_1101, %swap3A_1102], %swap3A_1105 {strides = array<i32>} : memref<256x128xi32, #tpu.memory_space<vmem>>, vector<1x16xi32>,
      %jit3A_1106 = arith.constant 8 : i32
      %div3A_1107 = arith.divsi %scan3A_20, %jit3A_1106 : i32
      %sign3A_1108 = arith.constant 0 : i32
      %sign3A_1109 = arith.cmpi sgt, %scan3A_20, %sign3A_1108 : i32
      %sign3A_1110 = arith.extui %sign3A_1109 : i1 to i32
      %sign3A_1111 = arith.constant 0 : i32
      %sign3A_1112 = arith.cmpi slt, %scan3A_20, %sign3A_1111 : i32
      %sign3A_1113 = arith.extui %sign3A_1112 : i1 to i32
      %sign3A_1114 = arith.subi %sign3A_1110, %sign3A_1113 : i32
      %sign3A_1115 = arith.constant 0 : i32
      %sign3A_1116 = arith.cmpi sgt, %jit3A_1106, %sign3A_1115 : i32
      %sign3A_1117 = arith.extui %sign3A_1116 : i1 to i32
      %sign3A_1118 = arith.constant 0 : i32
      %sign3A_1119 = arith.cmpi slt, %jit3A_1106, %sign3A_1118 : i32
      %sign3A_1120 = arith.extui %sign3A_1119 : i1 to i32
      %sign3A_1121 = arith.subi %sign3A_1117, %sign3A_1120 : i32
      %ne3A_1122 = arith.cmpi ne, %sign3A_1114, %sign3A_1121 : i32
      %rem3A_1123 = arith.remsi %scan3A_20, %jit3A_1106 : i32
      %ne3A_1124 = arith.constant 0 : i32
      %ne3A_1125 = arith.cmpi ne, %rem3A_1123, %ne3A_1124 : i32
      %and3A_1126 = arith.andi %ne3A_1122, %ne3A_1125 : i1
      %sub3A_1127 = arith.constant 1 : i32
      %sub3A_1128 = arith.subi %div3A_1107, %sub3A_1127 : i32
      %select_n3A_1129 = arith.select %and3A_1126, %sub3A_1128, %div3A_1107 : i32
      %add3A_1130 = arith.constant 84 : i32
      %add3A_1131 = arith.addi %add3A_1130, %select_n3A_1129 : i32
      %add3A_1132 = arith.constant 21000000 : i32
      %add3A_1133 = vector.broadcast %add3A_1132 : i32 to vector<16xi32>
      %add3A_1134 = arith.addi %get3A_24, %add3A_1133 : vector<16xi32>
      %jit3A_1135 = arith.constant 8 : i32
      %eq3A_1136 = arith.constant 0 : i32
      %eq3A_1137 = arith.cmpi eq, %jit3A_1135, %eq3A_1136 : i32
      %jit3A_1138 = arith.constant 1 : i32
      %select_n3A_1139 = arith.select %eq3A_1137, %jit3A_1138, %jit3A_1135 : i32
      %rem3A_1140 = arith.remsi %scan3A_20, %select_n3A_1139 : i32
      %ne3A_1141 = arith.constant 0 : i32
      %ne3A_1142 = arith.cmpi ne, %rem3A_1140, %ne3A_1141 : i32
      %lt3A_1143 = arith.constant 0 : i32
      %lt3A_1144 = arith.cmpi slt, %rem3A_1140, %lt3A_1143 : i32
      %lt3A_1145 = arith.constant 0 : i32
      %lt3A_1146 = arith.cmpi slt, %select_n3A_1139, %lt3A_1145 : i32
      %ne3A_1147 = arith.xori %lt3A_1144, %lt3A_1146 : i1
      %and3A_1148 = arith.andi %ne3A_1147, %ne3A_1142 : i1
      %add3A_1149 = arith.addi %rem3A_1140, %select_n3A_1139 : i32
      %select_n3A_1150 = arith.select %and3A_1148, %add3A_1149, %rem3A_1140 : i32
      %mul3A_1151 = arith.constant 16 : i32
      %mul3A_1152 = arith.muli %select_n3A_1150, %mul3A_1151 : i32
      %swap3A_1153 = arith.index_cast %add3A_1131 : i32 to index
      %swap3A_1154 = arith.index_cast %mul3A_1152 : i32 to index
      %swap3A_1155 = tpu.vector_load %arg6[%swap3A_1153, %swap3A_1154] {strides = array<i32>} : memref<256x128xi32, #tpu.memory_space<vmem>>, vector<1x16xi32>,
      %swap3A_1156 = vector.shape_cast %swap3A_1155 : vector<1x16xi32> to vector<16xi32>
      %swap3A_1157 = vector.shape_cast %add3A_1134 : vector<16xi32> to vector<1x16xi32>
      tpu.vector_store %arg6[%swap3A_1153, %swap3A_1154], %swap3A_1157 {strides = array<i32>} : memref<256x128xi32, #tpu.memory_space<vmem>>, vector<1x16xi32>,
      %jit3A_1158 = arith.constant 8 : i32
      %div3A_1159 = arith.divsi %scan3A_20, %jit3A_1158 : i32
      %sign3A_1160 = arith.constant 0 : i32
      %sign3A_1161 = arith.cmpi sgt, %scan3A_20, %sign3A_1160 : i32
      %sign3A_1162 = arith.extui %sign3A_1161 : i1 to i32
      %sign3A_1163 = arith.constant 0 : i32
      %sign3A_1164 = arith.cmpi slt, %scan3A_20, %sign3A_1163 : i32
      %sign3A_1165 = arith.extui %sign3A_1164 : i1 to i32
      %sign3A_1166 = arith.subi %sign3A_1162, %sign3A_1165 : i32
      %sign3A_1167 = arith.constant 0 : i32
      %sign3A_1168 = arith.cmpi sgt, %jit3A_1158, %sign3A_1167 : i32
      %sign3A_1169 = arith.extui %sign3A_1168 : i1 to i32
      %sign3A_1170 = arith.constant 0 : i32
      %sign3A_1171 = arith.cmpi slt, %jit3A_1158, %sign3A_1170 : i32
      %sign3A_1172 = arith.extui %sign3A_1171 : i1 to i32
      %sign3A_1173 = arith.subi %sign3A_1169, %sign3A_1172 : i32
      %ne3A_1174 = arith.cmpi ne, %sign3A_1166, %sign3A_1173 : i32
      %rem3A_1175 = arith.remsi %scan3A_20, %jit3A_1158 : i32
      %ne3A_1176 = arith.constant 0 : i32
      %ne3A_1177 = arith.cmpi ne, %rem3A_1175, %ne3A_1176 : i32
      %and3A_1178 = arith.andi %ne3A_1174, %ne3A_1177 : i1
      %sub3A_1179 = arith.constant 1 : i32
      %sub3A_1180 = arith.subi %div3A_1159, %sub3A_1179 : i32
      %select_n3A_1181 = arith.select %and3A_1178, %sub3A_1180, %div3A_1159 : i32
      %add3A_1182 = arith.constant 88 : i32
      %add3A_1183 = arith.addi %add3A_1182, %select_n3A_1181 : i32
      %add3A_1184 = arith.constant 22000000 : i32
      %add3A_1185 = vector.broadcast %add3A_1184 : i32 to vector<16xi32>
      %add3A_1186 = arith.addi %get3A_24, %add3A_1185 : vector<16xi32>
      %jit3A_1187 = arith.constant 8 : i32
      %eq3A_1188 = arith.constant 0 : i32
      %eq3A_1189 = arith.cmpi eq, %jit3A_1187, %eq3A_1188 : i32
      %jit3A_1190 = arith.constant 1 : i32
      %select_n3A_1191 = arith.select %eq3A_1189, %jit3A_1190, %jit3A_1187 : i32
      %rem3A_1192 = arith.remsi %scan3A_20, %select_n3A_1191 : i32
      %ne3A_1193 = arith.constant 0 : i32
      %ne3A_1194 = arith.cmpi ne, %rem3A_1192, %ne3A_1193 : i32
      %lt3A_1195 = arith.constant 0 : i32
      %lt3A_1196 = arith.cmpi slt, %rem3A_1192, %lt3A_1195 : i32
      %lt3A_1197 = arith.constant 0 : i32
      %lt3A_1198 = arith.cmpi slt, %select_n3A_1191, %lt3A_1197 : i32
      %ne3A_1199 = arith.xori %lt3A_1196, %lt3A_1198 : i1
      %and3A_1200 = arith.andi %ne3A_1199, %ne3A_1194 : i1
      %add3A_1201 = arith.addi %rem3A_1192, %select_n3A_1191 : i32
      %select_n3A_1202 = arith.select %and3A_1200, %add3A_1201, %rem3A_1192 : i32
      %mul3A_1203 = arith.constant 16 : i32
      %mul3A_1204 = arith.muli %select_n3A_1202, %mul3A_1203 : i32
      %swap3A_1205 = arith.index_cast %add3A_1183 : i32 to index
      %swap3A_1206 = arith.index_cast %mul3A_1204 : i32 to index
      %swap3A_1207 = tpu.vector_load %arg6[%swap3A_1205, %swap3A_1206] {strides = array<i32>} : memref<256x128xi32, #tpu.memory_space<vmem>>, vector<1x16xi32>,
      %swap3A_1208 = vector.shape_cast %swap3A_1207 : vector<1x16xi32> to vector<16xi32>
      %swap3A_1209 = vector.shape_cast %add3A_1186 : vector<16xi32> to vector<1x16xi32>
      tpu.vector_store %arg6[%swap3A_1205, %swap3A_1206], %swap3A_1209 {strides = array<i32>} : memref<256x128xi32, #tpu.memory_space<vmem>>, vector<1x16xi32>,
      %jit3A_1210 = arith.constant 8 : i32
      %div3A_1211 = arith.divsi %scan3A_20, %jit3A_1210 : i32
      %sign3A_1212 = arith.constant 0 : i32
      %sign3A_1213 = arith.cmpi sgt, %scan3A_20, %sign3A_1212 : i32
      %sign3A_1214 = arith.extui %sign3A_1213 : i1 to i32
      %sign3A_1215 = arith.constant 0 : i32
      %sign3A_1216 = arith.cmpi slt, %scan3A_20, %sign3A_1215 : i32
      %sign3A_1217 = arith.extui %sign3A_1216 : i1 to i32
      %sign3A_1218 = arith.subi %sign3A_1214, %sign3A_1217 : i32
      %sign3A_1219 = arith.constant 0 : i32
      %sign3A_1220 = arith.cmpi sgt, %jit3A_1210, %sign3A_1219 : i32
      %sign3A_1221 = arith.extui %sign3A_1220 : i1 to i32
      %sign3A_1222 = arith.constant 0 : i32
      %sign3A_1223 = arith.cmpi slt, %jit3A_1210, %sign3A_1222 : i32
      %sign3A_1224 = arith.extui %sign3A_1223 : i1 to i32
      %sign3A_1225 = arith.subi %sign3A_1221, %sign3A_1224 : i32
      %ne3A_1226 = arith.cmpi ne, %sign3A_1218, %sign3A_1225 : i32
      %rem3A_1227 = arith.remsi %scan3A_20, %jit3A_1210 : i32
      %ne3A_1228 = arith.constant 0 : i32
      %ne3A_1229 = arith.cmpi ne, %rem3A_1227, %ne3A_1228 : i32
      %and3A_1230 = arith.andi %ne3A_1226, %ne3A_1229 : i1
      %sub3A_1231 = arith.constant 1 : i32
      %sub3A_1232 = arith.subi %div3A_1211, %sub3A_1231 : i32
      %select_n3A_1233 = arith.select %and3A_1230, %sub3A_1232, %div3A_1211 : i32
      %add3A_1234 = arith.constant 92 : i32
      %add3A_1235 = arith.addi %add3A_1234, %select_n3A_1233 : i32
      %add3A_1236 = arith.constant 23000000 : i32
      %add3A_1237 = vector.broadcast %add3A_1236 : i32 to vector<16xi32>
      %add3A_1238 = arith.addi %get3A_24, %add3A_1237 : vector<16xi32>
      %jit3A_1239 = arith.constant 8 : i32
      %eq3A_1240 = arith.constant 0 : i32
      %eq3A_1241 = arith.cmpi eq, %jit3A_1239, %eq3A_1240 : i32
      %jit3A_1242 = arith.constant 1 : i32
      %select_n3A_1243 = arith.select %eq3A_1241, %jit3A_1242, %jit3A_1239 : i32
      %rem3A_1244 = arith.remsi %scan3A_20, %select_n3A_1243 : i32
      %ne3A_1245 = arith.constant 0 : i32
      %ne3A_1246 = arith.cmpi ne, %rem3A_1244, %ne3A_1245 : i32
      %lt3A_1247 = arith.constant 0 : i32
      %lt3A_1248 = arith.cmpi slt, %rem3A_1244, %lt3A_1247 : i32
      %lt3A_1249 = arith.constant 0 : i32
      %lt3A_1250 = arith.cmpi slt, %select_n3A_1243, %lt3A_1249 : i32
      %ne3A_1251 = arith.xori %lt3A_1248, %lt3A_1250 : i1
      %and3A_1252 = arith.andi %ne3A_1251, %ne3A_1246 : i1
      %add3A_1253 = arith.addi %rem3A_1244, %select_n3A_1243 : i32
      %select_n3A_1254 = arith.select %and3A_1252, %add3A_1253, %rem3A_1244 : i32
      %mul3A_1255 = arith.constant 16 : i32
      %mul3A_1256 = arith.muli %select_n3A_1254, %mul3A_1255 : i32
      %swap3A_1257 = arith.index_cast %add3A_1235 : i32 to index
      %swap3A_1258 = arith.index_cast %mul3A_1256 : i32 to index
      %swap3A_1259 = tpu.vector_load %arg6[%swap3A_1257, %swap3A_1258] {strides = array<i32>} : memref<256x128xi32, #tpu.memory_space<vmem>>, vector<1x16xi32>,
      %swap3A_1260 = vector.shape_cast %swap3A_1259 : vector<1x16xi32> to vector<16xi32>
      %swap3A_1261 = vector.shape_cast %add3A_1238 : vector<16xi32> to vector<1x16xi32>
      tpu.vector_store %arg6[%swap3A_1257, %swap3A_1258], %swap3A_1261 {strides = array<i32>} : memref<256x128xi32, #tpu.memory_space<vmem>>, vector<1x16xi32>,
      %jit3A_1262 = arith.constant 8 : i32
      %div3A_1263 = arith.divsi %scan3A_20, %jit3A_1262 : i32
      %sign3A_1264 = arith.constant 0 : i32
      %sign3A_1265 = arith.cmpi sgt, %scan3A_20, %sign3A_1264 : i32
      %sign3A_1266 = arith.extui %sign3A_1265 : i1 to i32
      %sign3A_1267 = arith.constant 0 : i32
      %sign3A_1268 = arith.cmpi slt, %scan3A_20, %sign3A_1267 : i32
      %sign3A_1269 = arith.extui %sign3A_1268 : i1 to i32
      %sign3A_1270 = arith.subi %sign3A_1266, %sign3A_1269 : i32
      %sign3A_1271 = arith.constant 0 : i32
      %sign3A_1272 = arith.cmpi sgt, %jit3A_1262, %sign3A_1271 : i32
      %sign3A_1273 = arith.extui %sign3A_1272 : i1 to i32
      %sign3A_1274 = arith.constant 0 : i32
      %sign3A_1275 = arith.cmpi slt, %jit3A_1262, %sign3A_1274 : i32
      %sign3A_1276 = arith.extui %sign3A_1275 : i1 to i32
      %sign3A_1277 = arith.subi %sign3A_1273, %sign3A_1276 : i32
      %ne3A_1278 = arith.cmpi ne, %sign3A_1270, %sign3A_1277 : i32
      %rem3A_1279 = arith.remsi %scan3A_20, %jit3A_1262 : i32
      %ne3A_1280 = arith.constant 0 : i32
      %ne3A_1281 = arith.cmpi ne, %rem3A_1279, %ne3A_1280 : i32
      %and3A_1282 = arith.andi %ne3A_1278, %ne3A_1281 : i1
      %sub3A_1283 = arith.constant 1 : i32
      %sub3A_1284 = arith.subi %div3A_1263, %sub3A_1283 : i32
      %select_n3A_1285 = arith.select %and3A_1282, %sub3A_1284, %div3A_1263 : i32
      %add3A_1286 = arith.constant 96 : i32
      %add3A_1287 = arith.addi %add3A_1286, %select_n3A_1285 : i32
      %add3A_1288 = arith.constant 24000000 : i32
      %add3A_1289 = vector.broadcast %add3A_1288 : i32 to vector<16xi32>
      %add3A_1290 = arith.addi %get3A_24, %add3A_1289 : vector<16xi32>
      %jit3A_1291 = arith.constant 8 : i32
      %eq3A_1292 = arith.constant 0 : i32
      %eq3A_1293 = arith.cmpi eq, %jit3A_1291, %eq3A_1292 : i32
      %jit3A_1294 = arith.constant 1 : i32
      %select_n3A_1295 = arith.select %eq3A_1293, %jit3A_1294, %jit3A_1291 : i32
      %rem3A_1296 = arith.remsi %scan3A_20, %select_n3A_1295 : i32
      %ne3A_1297 = arith.constant 0 : i32
      %ne3A_1298 = arith.cmpi ne, %rem3A_1296, %ne3A_1297 : i32
      %lt3A_1299 = arith.constant 0 : i32
      %lt3A_1300 = arith.cmpi slt, %rem3A_1296, %lt3A_1299 : i32
      %lt3A_1301 = arith.constant 0 : i32
      %lt3A_1302 = arith.cmpi slt, %select_n3A_1295, %lt3A_1301 : i32
      %ne3A_1303 = arith.xori %lt3A_1300, %lt3A_1302 : i1
      %and3A_1304 = arith.andi %ne3A_1303, %ne3A_1298 : i1
      %add3A_1305 = arith.addi %rem3A_1296, %select_n3A_1295 : i32
      %select_n3A_1306 = arith.select %and3A_1304, %add3A_1305, %rem3A_1296 : i32
      %mul3A_1307 = arith.constant 16 : i32
      %mul3A_1308 = arith.muli %select_n3A_1306, %mul3A_1307 : i32
      %swap3A_1309 = arith.index_cast %add3A_1287 : i32 to index
      %swap3A_1310 = arith.index_cast %mul3A_1308 : i32 to index
      %swap3A_1311 = tpu.vector_load %arg6[%swap3A_1309, %swap3A_1310] {strides = array<i32>} : memref<256x128xi32, #tpu.memory_space<vmem>>, vector<1x16xi32>,
      %swap3A_1312 = vector.shape_cast %swap3A_1311 : vector<1x16xi32> to vector<16xi32>
      %swap3A_1313 = vector.shape_cast %add3A_1290 : vector<16xi32> to vector<1x16xi32>
      tpu.vector_store %arg6[%swap3A_1309, %swap3A_1310], %swap3A_1313 {strides = array<i32>} : memref<256x128xi32, #tpu.memory_space<vmem>>, vector<1x16xi32>,
      %jit3A_1314 = arith.constant 8 : i32
      %div3A_1315 = arith.divsi %scan3A_20, %jit3A_1314 : i32
      %sign3A_1316 = arith.constant 0 : i32
      %sign3A_1317 = arith.cmpi sgt, %scan3A_20, %sign3A_1316 : i32
      %sign3A_1318 = arith.extui %sign3A_1317 : i1 to i32
      %sign3A_1319 = arith.constant 0 : i32
      %sign3A_1320 = arith.cmpi slt, %scan3A_20, %sign3A_1319 : i32
      %sign3A_1321 = arith.extui %sign3A_1320 : i1 to i32
      %sign3A_1322 = arith.subi %sign3A_1318, %sign3A_1321 : i32
      %sign3A_1323 = arith.constant 0 : i32
      %sign3A_1324 = arith.cmpi sgt, %jit3A_1314, %sign3A_1323 : i32
      %sign3A_1325 = arith.extui %sign3A_1324 : i1 to i32
      %sign3A_1326 = arith.constant 0 : i32
      %sign3A_1327 = arith.cmpi slt, %jit3A_1314, %sign3A_1326 : i32
      %sign3A_1328 = arith.extui %sign3A_1327 : i1 to i32
      %sign3A_1329 = arith.subi %sign3A_1325, %sign3A_1328 : i32
      %ne3A_1330 = arith.cmpi ne, %sign3A_1322, %sign3A_1329 : i32
      %rem3A_1331 = arith.remsi %scan3A_20, %jit3A_1314 : i32
      %ne3A_1332 = arith.constant 0 : i32
      %ne3A_1333 = arith.cmpi ne, %rem3A_1331, %ne3A_1332 : i32
      %and3A_1334 = arith.andi %ne3A_1330, %ne3A_1333 : i1
      %sub3A_1335 = arith.constant 1 : i32
      %sub3A_1336 = arith.subi %div3A_1315, %sub3A_1335 : i32
      %select_n3A_1337 = arith.select %and3A_1334, %sub3A_1336, %div3A_1315 : i32
      %add3A_1338 = arith.constant 100 : i32
      %add3A_1339 = arith.addi %add3A_1338, %select_n3A_1337 : i32
      %add3A_1340 = arith.constant 25000000 : i32
      %add3A_1341 = vector.broadcast %add3A_1340 : i32 to vector<16xi32>
      %add3A_1342 = arith.addi %get3A_24, %add3A_1341 : vector<16xi32>
      %jit3A_1343 = arith.constant 8 : i32
      %eq3A_1344 = arith.constant 0 : i32
      %eq3A_1345 = arith.cmpi eq, %jit3A_1343, %eq3A_1344 : i32
      %jit3A_1346 = arith.constant 1 : i32
      %select_n3A_1347 = arith.select %eq3A_1345, %jit3A_1346, %jit3A_1343 : i32
      %rem3A_1348 = arith.remsi %scan3A_20, %select_n3A_1347 : i32
      %ne3A_1349 = arith.constant 0 : i32
      %ne3A_1350 = arith.cmpi ne, %rem3A_1348, %ne3A_1349 : i32
      %lt3A_1351 = arith.constant 0 : i32
      %lt3A_1352 = arith.cmpi slt, %rem3A_1348, %lt3A_1351 : i32
      %lt3A_1353 = arith.constant 0 : i32
      %lt3A_1354 = arith.cmpi slt, %select_n3A_1347, %lt3A_1353 : i32
      %ne3A_1355 = arith.xori %lt3A_1352, %lt3A_1354 : i1
      %and3A_1356 = arith.andi %ne3A_1355, %ne3A_1350 : i1
      %add3A_1357 = arith.addi %rem3A_1348, %select_n3A_1347 : i32
      %select_n3A_1358 = arith.select %and3A_1356, %add3A_1357, %rem3A_1348 : i32
      %mul3A_1359 = arith.constant 16 : i32
      %mul3A_1360 = arith.muli %select_n3A_1358, %mul3A_1359 : i32
      %swap3A_1361 = arith.index_cast %add3A_1339 : i32 to index
      %swap3A_1362 = arith.index_cast %mul3A_1360 : i32 to index
      %swap3A_1363 = tpu.vector_load %arg6[%swap3A_1361, %swap3A_1362] {strides = array<i32>} : memref<256x128xi32, #tpu.memory_space<vmem>>, vector<1x16xi32>,
      %swap3A_1364 = vector.shape_cast %swap3A_1363 : vector<1x16xi32> to vector<16xi32>
      %swap3A_1365 = vector.shape_cast %add3A_1342 : vector<16xi32> to vector<1x16xi32>
      tpu.vector_store %arg6[%swap3A_1361, %swap3A_1362], %swap3A_1365 {strides = array<i32>} : memref<256x128xi32, #tpu.memory_space<vmem>>, vector<1x16xi32>,
      %jit3A_1366 = arith.constant 8 : i32
      %div3A_1367 = arith.divsi %scan3A_20, %jit3A_1366 : i32
      %sign3A_1368 = arith.constant 0 : i32
      %sign3A_1369 = arith.cmpi sgt, %scan3A_20, %sign3A_1368 : i32
      %sign3A_1370 = arith.extui %sign3A_1369 : i1 to i32
      %sign3A_1371 = arith.constant 0 : i32
      %sign3A_1372 = arith.cmpi slt, %scan3A_20, %sign3A_1371 : i32
      %sign3A_1373 = arith.extui %sign3A_1372 : i1 to i32
      %sign3A_1374 = arith.subi %sign3A_1370, %sign3A_1373 : i32
      %sign3A_1375 = arith.constant 0 : i32
      %sign3A_1376 = arith.cmpi sgt, %jit3A_1366, %sign3A_1375 : i32
      %sign3A_1377 = arith.extui %sign3A_1376 : i1 to i32
      %sign3A_1378 = arith.constant 0 : i32
      %sign3A_1379 = arith.cmpi slt, %jit3A_1366, %sign3A_1378 : i32
      %sign3A_1380 = arith.extui %sign3A_1379 : i1 to i32
      %sign3A_1381 = arith.subi %sign3A_1377, %sign3A_1380 : i32
      %ne3A_1382 = arith.cmpi ne, %sign3A_1374, %sign3A_1381 : i32
      %rem3A_1383 = arith.remsi %scan3A_20, %jit3A_1366 : i32
      %ne3A_1384 = arith.constant 0 : i32
      %ne3A_1385 = arith.cmpi ne, %rem3A_1383, %ne3A_1384 : i32
      %and3A_1386 = arith.andi %ne3A_1382, %ne3A_1385 : i1
      %sub3A_1387 = arith.constant 1 : i32
      %sub3A_1388 = arith.subi %div3A_1367, %sub3A_1387 : i32
      %select_n3A_1389 = arith.select %and3A_1386, %sub3A_1388, %div3A_1367 : i32
      %add3A_1390 = arith.constant 104 : i32
      %add3A_1391 = arith.addi %add3A_1390, %select_n3A_1389 : i32
      %add3A_1392 = arith.constant 26000000 : i32
      %add3A_1393 = vector.broadcast %add3A_1392 : i32 to vector<16xi32>
      %add3A_1394 = arith.addi %get3A_24, %add3A_1393 : vector<16xi32>
      %jit3A_1395 = arith.constant 8 : i32
      %eq3A_1396 = arith.constant 0 : i32
      %eq3A_1397 = arith.cmpi eq, %jit3A_1395, %eq3A_1396 : i32
      %jit3A_1398 = arith.constant 1 : i32
      %select_n3A_1399 = arith.select %eq3A_1397, %jit3A_1398, %jit3A_1395 : i32
      %rem3A_1400 = arith.remsi %scan3A_20, %select_n3A_1399 : i32
      %ne3A_1401 = arith.constant 0 : i32
      %ne3A_1402 = arith.cmpi ne, %rem3A_1400, %ne3A_1401 : i32
      %lt3A_1403 = arith.constant 0 : i32
      %lt3A_1404 = arith.cmpi slt, %rem3A_1400, %lt3A_1403 : i32
      %lt3A_1405 = arith.constant 0 : i32
      %lt3A_1406 = arith.cmpi slt, %select_n3A_1399, %lt3A_1405 : i32
      %ne3A_1407 = arith.xori %lt3A_1404, %lt3A_1406 : i1
      %and3A_1408 = arith.andi %ne3A_1407, %ne3A_1402 : i1
      %add3A_1409 = arith.addi %rem3A_1400, %select_n3A_1399 : i32
      %select_n3A_1410 = arith.select %and3A_1408, %add3A_1409, %rem3A_1400 : i32
      %mul3A_1411 = arith.constant 16 : i32
      %mul3A_1412 = arith.muli %select_n3A_1410, %mul3A_1411 : i32
      %swap3A_1413 = arith.index_cast %add3A_1391 : i32 to index
      %swap3A_1414 = arith.index_cast %mul3A_1412 : i32 to index
      %swap3A_1415 = tpu.vector_load %arg6[%swap3A_1413, %swap3A_1414] {strides = array<i32>} : memref<256x128xi32, #tpu.memory_space<vmem>>, vector<1x16xi32>,
      %swap3A_1416 = vector.shape_cast %swap3A_1415 : vector<1x16xi32> to vector<16xi32>
      %swap3A_1417 = vector.shape_cast %add3A_1394 : vector<16xi32> to vector<1x16xi32>
      tpu.vector_store %arg6[%swap3A_1413, %swap3A_1414], %swap3A_1417 {strides = array<i32>} : memref<256x128xi32, #tpu.memory_space<vmem>>, vector<1x16xi32>,
      %jit3A_1418 = arith.constant 8 : i32
      %div3A_1419 = arith.divsi %scan3A_20, %jit3A_1418 : i32
      %sign3A_1420 = arith.constant 0 : i32
      %sign3A_1421 = arith.cmpi sgt, %scan3A_20, %sign3A_1420 : i32
      %sign3A_1422 = arith.extui %sign3A_1421 : i1 to i32
      %sign3A_1423 = arith.constant 0 : i32
      %sign3A_1424 = arith.cmpi slt, %scan3A_20, %sign3A_1423 : i32
      %sign3A_1425 = arith.extui %sign3A_1424 : i1 to i32
      %sign3A_1426 = arith.subi %sign3A_1422, %sign3A_1425 : i32
      %sign3A_1427 = arith.constant 0 : i32
      %sign3A_1428 = arith.cmpi sgt, %jit3A_1418, %sign3A_1427 : i32
      %sign3A_1429 = arith.extui %sign3A_1428 : i1 to i32
      %sign3A_1430 = arith.constant 0 : i32
      %sign3A_1431 = arith.cmpi slt, %jit3A_1418, %sign3A_1430 : i32
      %sign3A_1432 = arith.extui %sign3A_1431 : i1 to i32
      %sign3A_1433 = arith.subi %sign3A_1429, %sign3A_1432 : i32
      %ne3A_1434 = arith.cmpi ne, %sign3A_1426, %sign3A_1433 : i32
      %rem3A_1435 = arith.remsi %scan3A_20, %jit3A_1418 : i32
      %ne3A_1436 = arith.constant 0 : i32
      %ne3A_1437 = arith.cmpi ne, %rem3A_1435, %ne3A_1436 : i32
      %and3A_1438 = arith.andi %ne3A_1434, %ne3A_1437 : i1
      %sub3A_1439 = arith.constant 1 : i32
      %sub3A_1440 = arith.subi %div3A_1419, %sub3A_1439 : i32
      %select_n3A_1441 = arith.select %and3A_1438, %sub3A_1440, %div3A_1419 : i32
      %add3A_1442 = arith.constant 108 : i32
      %add3A_1443 = arith.addi %add3A_1442, %select_n3A_1441 : i32
      %add3A_1444 = arith.constant 27000000 : i32
      %add3A_1445 = vector.broadcast %add3A_1444 : i32 to vector<16xi32>
      %add3A_1446 = arith.addi %get3A_24, %add3A_1445 : vector<16xi32>
      %jit3A_1447 = arith.constant 8 : i32
      %eq3A_1448 = arith.constant 0 : i32
      %eq3A_1449 = arith.cmpi eq, %jit3A_1447, %eq3A_1448 : i32
      %jit3A_1450 = arith.constant 1 : i32
      %select_n3A_1451 = arith.select %eq3A_1449, %jit3A_1450, %jit3A_1447 : i32
      %rem3A_1452 = arith.remsi %scan3A_20, %select_n3A_1451 : i32
      %ne3A_1453 = arith.constant 0 : i32
      %ne3A_1454 = arith.cmpi ne, %rem3A_1452, %ne3A_1453 : i32
      %lt3A_1455 = arith.constant 0 : i32
      %lt3A_1456 = arith.cmpi slt, %rem3A_1452, %lt3A_1455 : i32
      %lt3A_1457 = arith.constant 0 : i32
      %lt3A_1458 = arith.cmpi slt, %select_n3A_1451, %lt3A_1457 : i32
      %ne3A_1459 = arith.xori %lt3A_1456, %lt3A_1458 : i1
      %and3A_1460 = arith.andi %ne3A_1459, %ne3A_1454 : i1
      %add3A_1461 = arith.addi %rem3A_1452, %select_n3A_1451 : i32
      %select_n3A_1462 = arith.select %and3A_1460, %add3A_1461, %rem3A_1452 : i32
      %mul3A_1463 = arith.constant 16 : i32
      %mul3A_1464 = arith.muli %select_n3A_1462, %mul3A_1463 : i32
      %swap3A_1465 = arith.index_cast %add3A_1443 : i32 to index
      %swap3A_1466 = arith.index_cast %mul3A_1464 : i32 to index
      %swap3A_1467 = tpu.vector_load %arg6[%swap3A_1465, %swap3A_1466] {strides = array<i32>} : memref<256x128xi32, #tpu.memory_space<vmem>>, vector<1x16xi32>,
      %swap3A_1468 = vector.shape_cast %swap3A_1467 : vector<1x16xi32> to vector<16xi32>
      %swap3A_1469 = vector.shape_cast %add3A_1446 : vector<16xi32> to vector<1x16xi32>
      tpu.vector_store %arg6[%swap3A_1465, %swap3A_1466], %swap3A_1469 {strides = array<i32>} : memref<256x128xi32, #tpu.memory_space<vmem>>, vector<1x16xi32>,
      %jit3A_1470 = arith.constant 8 : i32
      %div3A_1471 = arith.divsi %scan3A_20, %jit3A_1470 : i32
      %sign3A_1472 = arith.constant 0 : i32
      %sign3A_1473 = arith.cmpi sgt, %scan3A_20, %sign3A_1472 : i32
      %sign3A_1474 = arith.extui %sign3A_1473 : i1 to i32
      %sign3A_1475 = arith.constant 0 : i32
      %sign3A_1476 = arith.cmpi slt, %scan3A_20, %sign3A_1475 : i32
      %sign3A_1477 = arith.extui %sign3A_1476 : i1 to i32
      %sign3A_1478 = arith.subi %sign3A_1474, %sign3A_1477 : i32
      %sign3A_1479 = arith.constant 0 : i32
      %sign3A_1480 = arith.cmpi sgt, %jit3A_1470, %sign3A_1479 : i32
      %sign3A_1481 = arith.extui %sign3A_1480 : i1 to i32
      %sign3A_1482 = arith.constant 0 : i32
      %sign3A_1483 = arith.cmpi slt, %jit3A_1470, %sign3A_1482 : i32
      %sign3A_1484 = arith.extui %sign3A_1483 : i1 to i32
      %sign3A_1485 = arith.subi %sign3A_1481, %sign3A_1484 : i32
      %ne3A_1486 = arith.cmpi ne, %sign3A_1478, %sign3A_1485 : i32
      %rem3A_1487 = arith.remsi %scan3A_20, %jit3A_1470 : i32
      %ne3A_1488 = arith.constant 0 : i32
      %ne3A_1489 = arith.cmpi ne, %rem3A_1487, %ne3A_1488 : i32
      %and3A_1490 = arith.andi %ne3A_1486, %ne3A_1489 : i1
      %sub3A_1491 = arith.constant 1 : i32
      %sub3A_1492 = arith.subi %div3A_1471, %sub3A_1491 : i32
      %select_n3A_1493 = arith.select %and3A_1490, %sub3A_1492, %div3A_1471 : i32
      %add3A_1494 = arith.constant 112 : i32
      %add3A_1495 = arith.addi %add3A_1494, %select_n3A_1493 : i32
      %add3A_1496 = arith.constant 28000000 : i32
      %add3A_1497 = vector.broadcast %add3A_1496 : i32 to vector<16xi32>
      %add3A_1498 = arith.addi %get3A_24, %add3A_1497 : vector<16xi32>
      %jit3A_1499 = arith.constant 8 : i32
      %eq3A_1500 = arith.constant 0 : i32
      %eq3A_1501 = arith.cmpi eq, %jit3A_1499, %eq3A_1500 : i32
      %jit3A_1502 = arith.constant 1 : i32
      %select_n3A_1503 = arith.select %eq3A_1501, %jit3A_1502, %jit3A_1499 : i32
      %rem3A_1504 = arith.remsi %scan3A_20, %select_n3A_1503 : i32
      %ne3A_1505 = arith.constant 0 : i32
      %ne3A_1506 = arith.cmpi ne, %rem3A_1504, %ne3A_1505 : i32
      %lt3A_1507 = arith.constant 0 : i32
      %lt3A_1508 = arith.cmpi slt, %rem3A_1504, %lt3A_1507 : i32
      %lt3A_1509 = arith.constant 0 : i32
      %lt3A_1510 = arith.cmpi slt, %select_n3A_1503, %lt3A_1509 : i32
      %ne3A_1511 = arith.xori %lt3A_1508, %lt3A_1510 : i1
      %and3A_1512 = arith.andi %ne3A_1511, %ne3A_1506 : i1
      %add3A_1513 = arith.addi %rem3A_1504, %select_n3A_1503 : i32
      %select_n3A_1514 = arith.select %and3A_1512, %add3A_1513, %rem3A_1504 : i32
      %mul3A_1515 = arith.constant 16 : i32
      %mul3A_1516 = arith.muli %select_n3A_1514, %mul3A_1515 : i32
      %swap3A_1517 = arith.index_cast %add3A_1495 : i32 to index
      %swap3A_1518 = arith.index_cast %mul3A_1516 : i32 to index
      %swap3A_1519 = tpu.vector_load %arg6[%swap3A_1517, %swap3A_1518] {strides = array<i32>} : memref<256x128xi32, #tpu.memory_space<vmem>>, vector<1x16xi32>,
      %swap3A_1520 = vector.shape_cast %swap3A_1519 : vector<1x16xi32> to vector<16xi32>
      %swap3A_1521 = vector.shape_cast %add3A_1498 : vector<16xi32> to vector<1x16xi32>
      tpu.vector_store %arg6[%swap3A_1517, %swap3A_1518], %swap3A_1521 {strides = array<i32>} : memref<256x128xi32, #tpu.memory_space<vmem>>, vector<1x16xi32>,
      %jit3A_1522 = arith.constant 8 : i32
      %div3A_1523 = arith.divsi %scan3A_20, %jit3A_1522 : i32
      %sign3A_1524 = arith.constant 0 : i32
      %sign3A_1525 = arith.cmpi sgt, %scan3A_20, %sign3A_1524 : i32
      %sign3A_1526 = arith.extui %sign3A_1525 : i1 to i32
      %sign3A_1527 = arith.constant 0 : i32
      %sign3A_1528 = arith.cmpi slt, %scan3A_20, %sign3A_1527 : i32
      %sign3A_1529 = arith.extui %sign3A_1528 : i1 to i32
      %sign3A_1530 = arith.subi %sign3A_1526, %sign3A_1529 : i32
      %sign3A_1531 = arith.constant 0 : i32
      %sign3A_1532 = arith.cmpi sgt, %jit3A_1522, %sign3A_1531 : i32
      %sign3A_1533 = arith.extui %sign3A_1532 : i1 to i32
      %sign3A_1534 = arith.constant 0 : i32
      %sign3A_1535 = arith.cmpi slt, %jit3A_1522, %sign3A_1534 : i32
      %sign3A_1536 = arith.extui %sign3A_1535 : i1 to i32
      %sign3A_1537 = arith.subi %sign3A_1533, %sign3A_1536 : i32
      %ne3A_1538 = arith.cmpi ne, %sign3A_1530, %sign3A_1537 : i32
      %rem3A_1539 = arith.remsi %scan3A_20, %jit3A_1522 : i32
      %ne3A_1540 = arith.constant 0 : i32
      %ne3A_1541 = arith.cmpi ne, %rem3A_1539, %ne3A_1540 : i32
      %and3A_1542 = arith.andi %ne3A_1538, %ne3A_1541 : i1
      %sub3A_1543 = arith.constant 1 : i32
      %sub3A_1544 = arith.subi %div3A_1523, %sub3A_1543 : i32
      %select_n3A_1545 = arith.select %and3A_1542, %sub3A_1544, %div3A_1523 : i32
      %add3A_1546 = arith.constant 116 : i32
      %add3A_1547 = arith.addi %add3A_1546, %select_n3A_1545 : i32
      %add3A_1548 = arith.constant 29000000 : i32
      %add3A_1549 = vector.broadcast %add3A_1548 : i32 to vector<16xi32>
      %add3A_1550 = arith.addi %get3A_24, %add3A_1549 : vector<16xi32>
      %jit3A_1551 = arith.constant 8 : i32
      %eq3A_1552 = arith.constant 0 : i32
      %eq3A_1553 = arith.cmpi eq, %jit3A_1551, %eq3A_1552 : i32
      %jit3A_1554 = arith.constant 1 : i32
      %select_n3A_1555 = arith.select %eq3A_1553, %jit3A_1554, %jit3A_1551 : i32
      %rem3A_1556 = arith.remsi %scan3A_20, %select_n3A_1555 : i32
      %ne3A_1557 = arith.constant 0 : i32
      %ne3A_1558 = arith.cmpi ne, %rem3A_1556, %ne3A_1557 : i32
      %lt3A_1559 = arith.constant 0 : i32
      %lt3A_1560 = arith.cmpi slt, %rem3A_1556, %lt3A_1559 : i32
      %lt3A_1561 = arith.constant 0 : i32
      %lt3A_1562 = arith.cmpi slt, %select_n3A_1555, %lt3A_1561 : i32
      %ne3A_1563 = arith.xori %lt3A_1560, %lt3A_1562 : i1
      %and3A_1564 = arith.andi %ne3A_1563, %ne3A_1558 : i1
      %add3A_1565 = arith.addi %rem3A_1556, %select_n3A_1555 : i32
      %select_n3A_1566 = arith.select %and3A_1564, %add3A_1565, %rem3A_1556 : i32
      %mul3A_1567 = arith.constant 16 : i32
      %mul3A_1568 = arith.muli %select_n3A_1566, %mul3A_1567 : i32
      %swap3A_1569 = arith.index_cast %add3A_1547 : i32 to index
      %swap3A_1570 = arith.index_cast %mul3A_1568 : i32 to index
      %swap3A_1571 = tpu.vector_load %arg6[%swap3A_1569, %swap3A_1570] {strides = array<i32>} : memref<256x128xi32, #tpu.memory_space<vmem>>, vector<1x16xi32>,
      %swap3A_1572 = vector.shape_cast %swap3A_1571 : vector<1x16xi32> to vector<16xi32>
      %swap3A_1573 = vector.shape_cast %add3A_1550 : vector<16xi32> to vector<1x16xi32>
      tpu.vector_store %arg6[%swap3A_1569, %swap3A_1570], %swap3A_1573 {strides = array<i32>} : memref<256x128xi32, #tpu.memory_space<vmem>>, vector<1x16xi32>,
      %jit3A_1574 = arith.constant 8 : i32
      %div3A_1575 = arith.divsi %scan3A_20, %jit3A_1574 : i32
      %sign3A_1576 = arith.constant 0 : i32
      %sign3A_1577 = arith.cmpi sgt, %scan3A_20, %sign3A_1576 : i32
      %sign3A_1578 = arith.extui %sign3A_1577 : i1 to i32
      %sign3A_1579 = arith.constant 0 : i32
      %sign3A_1580 = arith.cmpi slt, %scan3A_20, %sign3A_1579 : i32
      %sign3A_1581 = arith.extui %sign3A_1580 : i1 to i32
      %sign3A_1582 = arith.subi %sign3A_1578, %sign3A_1581 : i32
      %sign3A_1583 = arith.constant 0 : i32
      %sign3A_1584 = arith.cmpi sgt, %jit3A_1574, %sign3A_1583 : i32
      %sign3A_1585 = arith.extui %sign3A_1584 : i1 to i32
      %sign3A_1586 = arith.constant 0 : i32
      %sign3A_1587 = arith.cmpi slt, %jit3A_1574, %sign3A_1586 : i32
      %sign3A_1588 = arith.extui %sign3A_1587 : i1 to i32
      %sign3A_1589 = arith.subi %sign3A_1585, %sign3A_1588 : i32
      %ne3A_1590 = arith.cmpi ne, %sign3A_1582, %sign3A_1589 : i32
      %rem3A_1591 = arith.remsi %scan3A_20, %jit3A_1574 : i32
      %ne3A_1592 = arith.constant 0 : i32
      %ne3A_1593 = arith.cmpi ne, %rem3A_1591, %ne3A_1592 : i32
      %and3A_1594 = arith.andi %ne3A_1590, %ne3A_1593 : i1
      %sub3A_1595 = arith.constant 1 : i32
      %sub3A_1596 = arith.subi %div3A_1575, %sub3A_1595 : i32
      %select_n3A_1597 = arith.select %and3A_1594, %sub3A_1596, %div3A_1575 : i32
      %add3A_1598 = arith.constant 120 : i32
      %add3A_1599 = arith.addi %add3A_1598, %select_n3A_1597 : i32
      %add3A_1600 = arith.constant 30000000 : i32
      %add3A_1601 = vector.broadcast %add3A_1600 : i32 to vector<16xi32>
      %add3A_1602 = arith.addi %get3A_24, %add3A_1601 : vector<16xi32>
      %jit3A_1603 = arith.constant 8 : i32
      %eq3A_1604 = arith.constant 0 : i32
      %eq3A_1605 = arith.cmpi eq, %jit3A_1603, %eq3A_1604 : i32
      %jit3A_1606 = arith.constant 1 : i32
      %select_n3A_1607 = arith.select %eq3A_1605, %jit3A_1606, %jit3A_1603 : i32
      %rem3A_1608 = arith.remsi %scan3A_20, %select_n3A_1607 : i32
      %ne3A_1609 = arith.constant 0 : i32
      %ne3A_1610 = arith.cmpi ne, %rem3A_1608, %ne3A_1609 : i32
      %lt3A_1611 = arith.constant 0 : i32
      %lt3A_1612 = arith.cmpi slt, %rem3A_1608, %lt3A_1611 : i32
      %lt3A_1613 = arith.constant 0 : i32
      %lt3A_1614 = arith.cmpi slt, %select_n3A_1607, %lt3A_1613 : i32
      %ne3A_1615 = arith.xori %lt3A_1612, %lt3A_1614 : i1
      %and3A_1616 = arith.andi %ne3A_1615, %ne3A_1610 : i1
      %add3A_1617 = arith.addi %rem3A_1608, %select_n3A_1607 : i32
      %select_n3A_1618 = arith.select %and3A_1616, %add3A_1617, %rem3A_1608 : i32
      %mul3A_1619 = arith.constant 16 : i32
      %mul3A_1620 = arith.muli %select_n3A_1618, %mul3A_1619 : i32
      %swap3A_1621 = arith.index_cast %add3A_1599 : i32 to index
      %swap3A_1622 = arith.index_cast %mul3A_1620 : i32 to index
      %swap3A_1623 = tpu.vector_load %arg6[%swap3A_1621, %swap3A_1622] {strides = array<i32>} : memref<256x128xi32, #tpu.memory_space<vmem>>, vector<1x16xi32>,
      %swap3A_1624 = vector.shape_cast %swap3A_1623 : vector<1x16xi32> to vector<16xi32>
      %swap3A_1625 = vector.shape_cast %add3A_1602 : vector<16xi32> to vector<1x16xi32>
      tpu.vector_store %arg6[%swap3A_1621, %swap3A_1622], %swap3A_1625 {strides = array<i32>} : memref<256x128xi32, #tpu.memory_space<vmem>>, vector<1x16xi32>,
      %jit3A_1626 = arith.constant 8 : i32
      %div3A_1627 = arith.divsi %scan3A_20, %jit3A_1626 : i32
      %sign3A_1628 = arith.constant 0 : i32
      %sign3A_1629 = arith.cmpi sgt, %scan3A_20, %sign3A_1628 : i32
      %sign3A_1630 = arith.extui %sign3A_1629 : i1 to i32
      %sign3A_1631 = arith.constant 0 : i32
      %sign3A_1632 = arith.cmpi slt, %scan3A_20, %sign3A_1631 : i32
      %sign3A_1633 = arith.extui %sign3A_1632 : i1 to i32
      %sign3A_1634 = arith.subi %sign3A_1630, %sign3A_1633 : i32
      %sign3A_1635 = arith.constant 0 : i32
      %sign3A_1636 = arith.cmpi sgt, %jit3A_1626, %sign3A_1635 : i32
      %sign3A_1637 = arith.extui %sign3A_1636 : i1 to i32
      %sign3A_1638 = arith.constant 0 : i32
      %sign3A_1639 = arith.cmpi slt, %jit3A_1626, %sign3A_1638 : i32
      %sign3A_1640 = arith.extui %sign3A_1639 : i1 to i32
      %sign3A_1641 = arith.subi %sign3A_1637, %sign3A_1640 : i32
      %ne3A_1642 = arith.cmpi ne, %sign3A_1634, %sign3A_1641 : i32
      %rem3A_1643 = arith.remsi %scan3A_20, %jit3A_1626 : i32
      %ne3A_1644 = arith.constant 0 : i32
      %ne3A_1645 = arith.cmpi ne, %rem3A_1643, %ne3A_1644 : i32
      %and3A_1646 = arith.andi %ne3A_1642, %ne3A_1645 : i1
      %sub3A_1647 = arith.constant 1 : i32
      %sub3A_1648 = arith.subi %div3A_1627, %sub3A_1647 : i32
      %select_n3A_1649 = arith.select %and3A_1646, %sub3A_1648, %div3A_1627 : i32
      %add3A_1650 = arith.constant 124 : i32
      %add3A_1651 = arith.addi %add3A_1650, %select_n3A_1649 : i32
      %add3A_1652 = arith.constant 31000000 : i32
      %add3A_1653 = vector.broadcast %add3A_1652 : i32 to vector<16xi32>
      %add3A_1654 = arith.addi %get3A_24, %add3A_1653 : vector<16xi32>
      %jit3A_1655 = arith.constant 8 : i32
      %eq3A_1656 = arith.constant 0 : i32
      %eq3A_1657 = arith.cmpi eq, %jit3A_1655, %eq3A_1656 : i32
      %jit3A_1658 = arith.constant 1 : i32
      %select_n3A_1659 = arith.select %eq3A_1657, %jit3A_1658, %jit3A_1655 : i32
      %rem3A_1660 = arith.remsi %scan3A_20, %select_n3A_1659 : i32
      %ne3A_1661 = arith.constant 0 : i32
      %ne3A_1662 = arith.cmpi ne, %rem3A_1660, %ne3A_1661 : i32
      %lt3A_1663 = arith.constant 0 : i32
      %lt3A_1664 = arith.cmpi slt, %rem3A_1660, %lt3A_1663 : i32
      %lt3A_1665 = arith.constant 0 : i32
      %lt3A_1666 = arith.cmpi slt, %select_n3A_1659, %lt3A_1665 : i32
      %ne3A_1667 = arith.xori %lt3A_1664, %lt3A_1666 : i1
      %and3A_1668 = arith.andi %ne3A_1667, %ne3A_1662 : i1
      %add3A_1669 = arith.addi %rem3A_1660, %select_n3A_1659 : i32
      %select_n3A_1670 = arith.select %and3A_1668, %add3A_1669, %rem3A_1660 : i32
      %mul3A_1671 = arith.constant 16 : i32
      %mul3A_1672 = arith.muli %select_n3A_1670, %mul3A_1671 : i32
      %swap3A_1673 = arith.index_cast %add3A_1651 : i32 to index
      %swap3A_1674 = arith.index_cast %mul3A_1672 : i32 to index
      %swap3A_1675 = tpu.vector_load %arg6[%swap3A_1673, %swap3A_1674] {strides = array<i32>} : memref<256x128xi32, #tpu.memory_space<vmem>>, vector<1x16xi32>,
      %swap3A_1676 = vector.shape_cast %swap3A_1675 : vector<1x16xi32> to vector<16xi32>
      %swap3A_1677 = vector.shape_cast %add3A_1654 : vector<16xi32> to vector<1x16xi32>
      tpu.vector_store %arg6[%swap3A_1673, %swap3A_1674], %swap3A_1677 {strides = array<i32>} : memref<256x128xi32, #tpu.memory_space<vmem>>, vector<1x16xi32>,
      %jit3A_1678 = arith.constant 8 : i32
      %div3A_1679 = arith.divsi %scan3A_20, %jit3A_1678 : i32
      %sign3A_1680 = arith.constant 0 : i32
      %sign3A_1681 = arith.cmpi sgt, %scan3A_20, %sign3A_1680 : i32
      %sign3A_1682 = arith.extui %sign3A_1681 : i1 to i32
      %sign3A_1683 = arith.constant 0 : i32
      %sign3A_1684 = arith.cmpi slt, %scan3A_20, %sign3A_1683 : i32
      %sign3A_1685 = arith.extui %sign3A_1684 : i1 to i32
      %sign3A_1686 = arith.subi %sign3A_1682, %sign3A_1685 : i32
      %sign3A_1687 = arith.constant 0 : i32
      %sign3A_1688 = arith.cmpi sgt, %jit3A_1678, %sign3A_1687 : i32
      %sign3A_1689 = arith.extui %sign3A_1688 : i1 to i32
      %sign3A_1690 = arith.constant 0 : i32
      %sign3A_1691 = arith.cmpi slt, %jit3A_1678, %sign3A_1690 : i32
      %sign3A_1692 = arith.extui %sign3A_1691 : i1 to i32
      %sign3A_1693 = arith.subi %sign3A_1689, %sign3A_1692 : i32
      %ne3A_1694 = arith.cmpi ne, %sign3A_1686, %sign3A_1693 : i32
      %rem3A_1695 = arith.remsi %scan3A_20, %jit3A_1678 : i32
      %ne3A_1696 = arith.constant 0 : i32
      %ne3A_1697 = arith.cmpi ne, %rem3A_1695, %ne3A_1696 : i32
      %and3A_1698 = arith.andi %ne3A_1694, %ne3A_1697 : i1
      %sub3A_1699 = arith.constant 1 : i32
      %sub3A_1700 = arith.subi %div3A_1679, %sub3A_1699 : i32
      %select_n3A_1701 = arith.select %and3A_1698, %sub3A_1700, %div3A_1679 : i32
      %add3A_1702 = arith.constant 128 : i32
      %add3A_1703 = arith.addi %add3A_1702, %select_n3A_1701 : i32
      %add3A_1704 = arith.constant 32000000 : i32
      %add3A_1705 = vector.broadcast %add3A_1704 : i32 to vector<16xi32>
      %add3A_1706 = arith.addi %get3A_24, %add3A_1705 : vector<16xi32>
      %jit3A_1707 = arith.constant 8 : i32
      %eq3A_1708 = arith.constant 0 : i32
      %eq3A_1709 = arith.cmpi eq, %jit3A_1707, %eq3A_1708 : i32
      %jit3A_1710 = arith.constant 1 : i32
      %select_n3A_1711 = arith.select %eq3A_1709, %jit3A_1710, %jit3A_1707 : i32
      %rem3A_1712 = arith.remsi %scan3A_20, %select_n3A_1711 : i32
      %ne3A_1713 = arith.constant 0 : i32
      %ne3A_1714 = arith.cmpi ne, %rem3A_1712, %ne3A_1713 : i32
      %lt3A_1715 = arith.constant 0 : i32
      %lt3A_1716 = arith.cmpi slt, %rem3A_1712, %lt3A_1715 : i32
      %lt3A_1717 = arith.constant 0 : i32
      %lt3A_1718 = arith.cmpi slt, %select_n3A_1711, %lt3A_1717 : i32
      %ne3A_1719 = arith.xori %lt3A_1716, %lt3A_1718 : i1
      %and3A_1720 = arith.andi %ne3A_1719, %ne3A_1714 : i1
      %add3A_1721 = arith.addi %rem3A_1712, %select_n3A_1711 : i32
      %select_n3A_1722 = arith.select %and3A_1720, %add3A_1721, %rem3A_1712 : i32
      %mul3A_1723 = arith.constant 16 : i32
      %mul3A_1724 = arith.muli %select_n3A_1722, %mul3A_1723 : i32
      %swap3A_1725 = arith.index_cast %add3A_1703 : i32 to index
      %swap3A_1726 = arith.index_cast %mul3A_1724 : i32 to index
      %swap3A_1727 = tpu.vector_load %arg6[%swap3A_1725, %swap3A_1726] {strides = array<i32>} : memref<256x128xi32, #tpu.memory_space<vmem>>, vector<1x16xi32>,
      %swap3A_1728 = vector.shape_cast %swap3A_1727 : vector<1x16xi32> to vector<16xi32>
      %swap3A_1729 = vector.shape_cast %add3A_1706 : vector<16xi32> to vector<1x16xi32>
      tpu.vector_store %arg6[%swap3A_1725, %swap3A_1726], %swap3A_1729 {strides = array<i32>} : memref<256x128xi32, #tpu.memory_space<vmem>>, vector<1x16xi32>,
      %jit3A_1730 = arith.constant 8 : i32
      %div3A_1731 = arith.divsi %scan3A_20, %jit3A_1730 : i32
      %sign3A_1732 = arith.constant 0 : i32
      %sign3A_1733 = arith.cmpi sgt, %scan3A_20, %sign3A_1732 : i32
      %sign3A_1734 = arith.extui %sign3A_1733 : i1 to i32
      %sign3A_1735 = arith.constant 0 : i32
      %sign3A_1736 = arith.cmpi slt, %scan3A_20, %sign3A_1735 : i32
      %sign3A_1737 = arith.extui %sign3A_1736 : i1 to i32
      %sign3A_1738 = arith.subi %sign3A_1734, %sign3A_1737 : i32
      %sign3A_1739 = arith.constant 0 : i32
      %sign3A_1740 = arith.cmpi sgt, %jit3A_1730, %sign3A_1739 : i32
      %sign3A_1741 = arith.extui %sign3A_1740 : i1 to i32
      %sign3A_1742 = arith.constant 0 : i32
      %sign3A_1743 = arith.cmpi slt, %jit3A_1730, %sign3A_1742 : i32
      %sign3A_1744 = arith.extui %sign3A_1743 : i1 to i32
      %sign3A_1745 = arith.subi %sign3A_1741, %sign3A_1744 : i32
      %ne3A_1746 = arith.cmpi ne, %sign3A_1738, %sign3A_1745 : i32
      %rem3A_1747 = arith.remsi %scan3A_20, %jit3A_1730 : i32
      %ne3A_1748 = arith.constant 0 : i32
      %ne3A_1749 = arith.cmpi ne, %rem3A_1747, %ne3A_1748 : i32
      %and3A_1750 = arith.andi %ne3A_1746, %ne3A_1749 : i1
      %sub3A_1751 = arith.constant 1 : i32
      %sub3A_1752 = arith.subi %div3A_1731, %sub3A_1751 : i32
      %select_n3A_1753 = arith.select %and3A_1750, %sub3A_1752, %div3A_1731 : i32
      %add3A_1754 = arith.constant 132 : i32
      %add3A_1755 = arith.addi %add3A_1754, %select_n3A_1753 : i32
      %add3A_1756 = arith.constant 33000000 : i32
      %add3A_1757 = vector.broadcast %add3A_1756 : i32 to vector<16xi32>
      %add3A_1758 = arith.addi %get3A_24, %add3A_1757 : vector<16xi32>
      %jit3A_1759 = arith.constant 8 : i32
      %eq3A_1760 = arith.constant 0 : i32
      %eq3A_1761 = arith.cmpi eq, %jit3A_1759, %eq3A_1760 : i32
      %jit3A_1762 = arith.constant 1 : i32
      %select_n3A_1763 = arith.select %eq3A_1761, %jit3A_1762, %jit3A_1759 : i32
      %rem3A_1764 = arith.remsi %scan3A_20, %select_n3A_1763 : i32
      %ne3A_1765 = arith.constant 0 : i32
      %ne3A_1766 = arith.cmpi ne, %rem3A_1764, %ne3A_1765 : i32
      %lt3A_1767 = arith.constant 0 : i32
      %lt3A_1768 = arith.cmpi slt, %rem3A_1764, %lt3A_1767 : i32
      %lt3A_1769 = arith.constant 0 : i32
      %lt3A_1770 = arith.cmpi slt, %select_n3A_1763, %lt3A_1769 : i32
      %ne3A_1771 = arith.xori %lt3A_1768, %lt3A_1770 : i1
      %and3A_1772 = arith.andi %ne3A_1771, %ne3A_1766 : i1
      %add3A_1773 = arith.addi %rem3A_1764, %select_n3A_1763 : i32
      %select_n3A_1774 = arith.select %and3A_1772, %add3A_1773, %rem3A_1764 : i32
      %mul3A_1775 = arith.constant 16 : i32
      %mul3A_1776 = arith.muli %select_n3A_1774, %mul3A_1775 : i32
      %swap3A_1777 = arith.index_cast %add3A_1755 : i32 to index
      %swap3A_1778 = arith.index_cast %mul3A_1776 : i32 to index
      %swap3A_1779 = tpu.vector_load %arg6[%swap3A_1777, %swap3A_1778] {strides = array<i32>} : memref<256x128xi32, #tpu.memory_space<vmem>>, vector<1x16xi32>,
      %swap3A_1780 = vector.shape_cast %swap3A_1779 : vector<1x16xi32> to vector<16xi32>
      %swap3A_1781 = vector.shape_cast %add3A_1758 : vector<16xi32> to vector<1x16xi32>
      tpu.vector_store %arg6[%swap3A_1777, %swap3A_1778], %swap3A_1781 {strides = array<i32>} : memref<256x128xi32, #tpu.memory_space<vmem>>, vector<1x16xi32>,
      %jit3A_1782 = arith.constant 8 : i32
      %div3A_1783 = arith.divsi %scan3A_20, %jit3A_1782 : i32
      %sign3A_1784 = arith.constant 0 : i32
      %sign3A_1785 = arith.cmpi sgt, %scan3A_20, %sign3A_1784 : i32
      %sign3A_1786 = arith.extui %sign3A_1785 : i1 to i32
      %sign3A_1787 = arith.constant 0 : i32
      %sign3A_1788 = arith.cmpi slt, %scan3A_20, %sign3A_1787 : i32
      %sign3A_1789 = arith.extui %sign3A_1788 : i1 to i32
      %sign3A_1790 = arith.subi %sign3A_1786, %sign3A_1789 : i32
      %sign3A_1791 = arith.constant 0 : i32
      %sign3A_1792 = arith.cmpi sgt, %jit3A_1782, %sign3A_1791 : i32
      %sign3A_1793 = arith.extui %sign3A_1792 : i1 to i32
      %sign3A_1794 = arith.constant 0 : i32
      %sign3A_1795 = arith.cmpi slt, %jit3A_1782, %sign3A_1794 : i32
      %sign3A_1796 = arith.extui %sign3A_1795 : i1 to i32
      %sign3A_1797 = arith.subi %sign3A_1793, %sign3A_1796 : i32
      %ne3A_1798 = arith.cmpi ne, %sign3A_1790, %sign3A_1797 : i32
      %rem3A_1799 = arith.remsi %scan3A_20, %jit3A_1782 : i32
      %ne3A_1800 = arith.constant 0 : i32
      %ne3A_1801 = arith.cmpi ne, %rem3A_1799, %ne3A_1800 : i32
      %and3A_1802 = arith.andi %ne3A_1798, %ne3A_1801 : i1
      %sub3A_1803 = arith.constant 1 : i32
      %sub3A_1804 = arith.subi %div3A_1783, %sub3A_1803 : i32
      %select_n3A_1805 = arith.select %and3A_1802, %sub3A_1804, %div3A_1783 : i32
      %add3A_1806 = arith.constant 136 : i32
      %add3A_1807 = arith.addi %add3A_1806, %select_n3A_1805 : i32
      %add3A_1808 = arith.constant 34000000 : i32
      %add3A_1809 = vector.broadcast %add3A_1808 : i32 to vector<16xi32>
      %add3A_1810 = arith.addi %get3A_24, %add3A_1809 : vector<16xi32>
      %jit3A_1811 = arith.constant 8 : i32
      %eq3A_1812 = arith.constant 0 : i32
      %eq3A_1813 = arith.cmpi eq, %jit3A_1811, %eq3A_1812 : i32
      %jit3A_1814 = arith.constant 1 : i32
      %select_n3A_1815 = arith.select %eq3A_1813, %jit3A_1814, %jit3A_1811 : i32
      %rem3A_1816 = arith.remsi %scan3A_20, %select_n3A_1815 : i32
      %ne3A_1817 = arith.constant 0 : i32
      %ne3A_1818 = arith.cmpi ne, %rem3A_1816, %ne3A_1817 : i32
      %lt3A_1819 = arith.constant 0 : i32
      %lt3A_1820 = arith.cmpi slt, %rem3A_1816, %lt3A_1819 : i32
      %lt3A_1821 = arith.constant 0 : i32
      %lt3A_1822 = arith.cmpi slt, %select_n3A_1815, %lt3A_1821 : i32
      %ne3A_1823 = arith.xori %lt3A_1820, %lt3A_1822 : i1
      %and3A_1824 = arith.andi %ne3A_1823, %ne3A_1818 : i1
      %add3A_1825 = arith.addi %rem3A_1816, %select_n3A_1815 : i32
      %select_n3A_1826 = arith.select %and3A_1824, %add3A_1825, %rem3A_1816 : i32
      %mul3A_1827 = arith.constant 16 : i32
      %mul3A_1828 = arith.muli %select_n3A_1826, %mul3A_1827 : i32
      %swap3A_1829 = arith.index_cast %add3A_1807 : i32 to index
      %swap3A_1830 = arith.index_cast %mul3A_1828 : i32 to index
      %swap3A_1831 = tpu.vector_load %arg6[%swap3A_1829, %swap3A_1830] {strides = array<i32>} : memref<256x128xi32, #tpu.memory_space<vmem>>, vector<1x16xi32>,
      %swap3A_1832 = vector.shape_cast %swap3A_1831 : vector<1x16xi32> to vector<16xi32>
      %swap3A_1833 = vector.shape_cast %add3A_1810 : vector<16xi32> to vector<1x16xi32>
      tpu.vector_store %arg6[%swap3A_1829, %swap3A_1830], %swap3A_1833 {strides = array<i32>} : memref<256x128xi32, #tpu.memory_space<vmem>>, vector<1x16xi32>,
      %jit3A_1834 = arith.constant 8 : i32
      %div3A_1835 = arith.divsi %scan3A_20, %jit3A_1834 : i32
      %sign3A_1836 = arith.constant 0 : i32
      %sign3A_1837 = arith.cmpi sgt, %scan3A_20, %sign3A_1836 : i32
      %sign3A_1838 = arith.extui %sign3A_1837 : i1 to i32
      %sign3A_1839 = arith.constant 0 : i32
      %sign3A_1840 = arith.cmpi slt, %scan3A_20, %sign3A_1839 : i32
      %sign3A_1841 = arith.extui %sign3A_1840 : i1 to i32
      %sign3A_1842 = arith.subi %sign3A_1838, %sign3A_1841 : i32
      %sign3A_1843 = arith.constant 0 : i32
      %sign3A_1844 = arith.cmpi sgt, %jit3A_1834, %sign3A_1843 : i32
      %sign3A_1845 = arith.extui %sign3A_1844 : i1 to i32
      %sign3A_1846 = arith.constant 0 : i32
      %sign3A_1847 = arith.cmpi slt, %jit3A_1834, %sign3A_1846 : i32
      %sign3A_1848 = arith.extui %sign3A_1847 : i1 to i32
      %sign3A_1849 = arith.subi %sign3A_1845, %sign3A_1848 : i32
      %ne3A_1850 = arith.cmpi ne, %sign3A_1842, %sign3A_1849 : i32
      %rem3A_1851 = arith.remsi %scan3A_20, %jit3A_1834 : i32
      %ne3A_1852 = arith.constant 0 : i32
      %ne3A_1853 = arith.cmpi ne, %rem3A_1851, %ne3A_1852 : i32
      %and3A_1854 = arith.andi %ne3A_1850, %ne3A_1853 : i1
      %sub3A_1855 = arith.constant 1 : i32
      %sub3A_1856 = arith.subi %div3A_1835, %sub3A_1855 : i32
      %select_n3A_1857 = arith.select %and3A_1854, %sub3A_1856, %div3A_1835 : i32
      %add3A_1858 = arith.constant 140 : i32
      %add3A_1859 = arith.addi %add3A_1858, %select_n3A_1857 : i32
      %add3A_1860 = arith.constant 35000000 : i32
      %add3A_1861 = vector.broadcast %add3A_1860 : i32 to vector<16xi32>
      %add3A_1862 = arith.addi %get3A_24, %add3A_1861 : vector<16xi32>
      %jit3A_1863 = arith.constant 8 : i32
      %eq3A_1864 = arith.constant 0 : i32
      %eq3A_1865 = arith.cmpi eq, %jit3A_1863, %eq3A_1864 : i32
      %jit3A_1866 = arith.constant 1 : i32
      %select_n3A_1867 = arith.select %eq3A_1865, %jit3A_1866, %jit3A_1863 : i32
      %rem3A_1868 = arith.remsi %scan3A_20, %select_n3A_1867 : i32
      %ne3A_1869 = arith.constant 0 : i32
      %ne3A_1870 = arith.cmpi ne, %rem3A_1868, %ne3A_1869 : i32
      %lt3A_1871 = arith.constant 0 : i32
      %lt3A_1872 = arith.cmpi slt, %rem3A_1868, %lt3A_1871 : i32
      %lt3A_1873 = arith.constant 0 : i32
      %lt3A_1874 = arith.cmpi slt, %select_n3A_1867, %lt3A_1873 : i32
      %ne3A_1875 = arith.xori %lt3A_1872, %lt3A_1874 : i1
      %and3A_1876 = arith.andi %ne3A_1875, %ne3A_1870 : i1
      %add3A_1877 = arith.addi %rem3A_1868, %select_n3A_1867 : i32
      %select_n3A_1878 = arith.select %and3A_1876, %add3A_1877, %rem3A_1868 : i32
      %mul3A_1879 = arith.constant 16 : i32
      %mul3A_1880 = arith.muli %select_n3A_1878, %mul3A_1879 : i32
      %swap3A_1881 = arith.index_cast %add3A_1859 : i32 to index
      %swap3A_1882 = arith.index_cast %mul3A_1880 : i32 to index
      %swap3A_1883 = tpu.vector_load %arg6[%swap3A_1881, %swap3A_1882] {strides = array<i32>} : memref<256x128xi32, #tpu.memory_space<vmem>>, vector<1x16xi32>,
      %swap3A_1884 = vector.shape_cast %swap3A_1883 : vector<1x16xi32> to vector<16xi32>
      %swap3A_1885 = vector.shape_cast %add3A_1862 : vector<16xi32> to vector<1x16xi32>
      tpu.vector_store %arg6[%swap3A_1881, %swap3A_1882], %swap3A_1885 {strides = array<i32>} : memref<256x128xi32, #tpu.memory_space<vmem>>, vector<1x16xi32>,
      %jit3A_1886 = arith.constant 8 : i32
      %div3A_1887 = arith.divsi %scan3A_20, %jit3A_1886 : i32
      %sign3A_1888 = arith.constant 0 : i32
      %sign3A_1889 = arith.cmpi sgt, %scan3A_20, %sign3A_1888 : i32
      %sign3A_1890 = arith.extui %sign3A_1889 : i1 to i32
      %sign3A_1891 = arith.constant 0 : i32
      %sign3A_1892 = arith.cmpi slt, %scan3A_20, %sign3A_1891 : i32
      %sign3A_1893 = arith.extui %sign3A_1892 : i1 to i32
      %sign3A_1894 = arith.subi %sign3A_1890, %sign3A_1893 : i32
      %sign3A_1895 = arith.constant 0 : i32
      %sign3A_1896 = arith.cmpi sgt, %jit3A_1886, %sign3A_1895 : i32
      %sign3A_1897 = arith.extui %sign3A_1896 : i1 to i32
      %sign3A_1898 = arith.constant 0 : i32
      %sign3A_1899 = arith.cmpi slt, %jit3A_1886, %sign3A_1898 : i32
      %sign3A_1900 = arith.extui %sign3A_1899 : i1 to i32
      %sign3A_1901 = arith.subi %sign3A_1897, %sign3A_1900 : i32
      %ne3A_1902 = arith.cmpi ne, %sign3A_1894, %sign3A_1901 : i32
      %rem3A_1903 = arith.remsi %scan3A_20, %jit3A_1886 : i32
      %ne3A_1904 = arith.constant 0 : i32
      %ne3A_1905 = arith.cmpi ne, %rem3A_1903, %ne3A_1904 : i32
      %and3A_1906 = arith.andi %ne3A_1902, %ne3A_1905 : i1
      %sub3A_1907 = arith.constant 1 : i32
      %sub3A_1908 = arith.subi %div3A_1887, %sub3A_1907 : i32
      %select_n3A_1909 = arith.select %and3A_1906, %sub3A_1908, %div3A_1887 : i32
      %add3A_1910 = arith.constant 144 : i32
      %add3A_1911 = arith.addi %add3A_1910, %select_n3A_1909 : i32
      %add3A_1912 = arith.constant 36000000 : i32
      %add3A_1913 = vector.broadcast %add3A_1912 : i32 to vector<16xi32>
      %add3A_1914 = arith.addi %get3A_24, %add3A_1913 : vector<16xi32>
      %jit3A_1915 = arith.constant 8 : i32
      %eq3A_1916 = arith.constant 0 : i32
      %eq3A_1917 = arith.cmpi eq, %jit3A_1915, %eq3A_1916 : i32
      %jit3A_1918 = arith.constant 1 : i32
      %select_n3A_1919 = arith.select %eq3A_1917, %jit3A_1918, %jit3A_1915 : i32
      %rem3A_1920 = arith.remsi %scan3A_20, %select_n3A_1919 : i32
      %ne3A_1921 = arith.constant 0 : i32
      %ne3A_1922 = arith.cmpi ne, %rem3A_1920, %ne3A_1921 : i32
      %lt3A_1923 = arith.constant 0 : i32
      %lt3A_1924 = arith.cmpi slt, %rem3A_1920, %lt3A_1923 : i32
      %lt3A_1925 = arith.constant 0 : i32
      %lt3A_1926 = arith.cmpi slt, %select_n3A_1919, %lt3A_1925 : i32
      %ne3A_1927 = arith.xori %lt3A_1924, %lt3A_1926 : i1
      %and3A_1928 = arith.andi %ne3A_1927, %ne3A_1922 : i1
      %add3A_1929 = arith.addi %rem3A_1920, %select_n3A_1919 : i32
      %select_n3A_1930 = arith.select %and3A_1928, %add3A_1929, %rem3A_1920 : i32
      %mul3A_1931 = arith.constant 16 : i32
      %mul3A_1932 = arith.muli %select_n3A_1930, %mul3A_1931 : i32
      %swap3A_1933 = arith.index_cast %add3A_1911 : i32 to index
      %swap3A_1934 = arith.index_cast %mul3A_1932 : i32 to index
      %swap3A_1935 = tpu.vector_load %arg6[%swap3A_1933, %swap3A_1934] {strides = array<i32>} : memref<256x128xi32, #tpu.memory_space<vmem>>, vector<1x16xi32>,
      %swap3A_1936 = vector.shape_cast %swap3A_1935 : vector<1x16xi32> to vector<16xi32>
      %swap3A_1937 = vector.shape_cast %add3A_1914 : vector<16xi32> to vector<1x16xi32>
      tpu.vector_store %arg6[%swap3A_1933, %swap3A_1934], %swap3A_1937 {strides = array<i32>} : memref<256x128xi32, #tpu.memory_space<vmem>>, vector<1x16xi32>,
      %jit3A_1938 = arith.constant 8 : i32
      %div3A_1939 = arith.divsi %scan3A_20, %jit3A_1938 : i32
      %sign3A_1940 = arith.constant 0 : i32
      %sign3A_1941 = arith.cmpi sgt, %scan3A_20, %sign3A_1940 : i32
      %sign3A_1942 = arith.extui %sign3A_1941 : i1 to i32
      %sign3A_1943 = arith.constant 0 : i32
      %sign3A_1944 = arith.cmpi slt, %scan3A_20, %sign3A_1943 : i32
      %sign3A_1945 = arith.extui %sign3A_1944 : i1 to i32
      %sign3A_1946 = arith.subi %sign3A_1942, %sign3A_1945 : i32
      %sign3A_1947 = arith.constant 0 : i32
      %sign3A_1948 = arith.cmpi sgt, %jit3A_1938, %sign3A_1947 : i32
      %sign3A_1949 = arith.extui %sign3A_1948 : i1 to i32
      %sign3A_1950 = arith.constant 0 : i32
      %sign3A_1951 = arith.cmpi slt, %jit3A_1938, %sign3A_1950 : i32
      %sign3A_1952 = arith.extui %sign3A_1951 : i1 to i32
      %sign3A_1953 = arith.subi %sign3A_1949, %sign3A_1952 : i32
      %ne3A_1954 = arith.cmpi ne, %sign3A_1946, %sign3A_1953 : i32
      %rem3A_1955 = arith.remsi %scan3A_20, %jit3A_1938 : i32
      %ne3A_1956 = arith.constant 0 : i32
      %ne3A_1957 = arith.cmpi ne, %rem3A_1955, %ne3A_1956 : i32
      %and3A_1958 = arith.andi %ne3A_1954, %ne3A_1957 : i1
      %sub3A_1959 = arith.constant 1 : i32
      %sub3A_1960 = arith.subi %div3A_1939, %sub3A_1959 : i32
      %select_n3A_1961 = arith.select %and3A_1958, %sub3A_1960, %div3A_1939 : i32
      %add3A_1962 = arith.constant 148 : i32
      %add3A_1963 = arith.addi %add3A_1962, %select_n3A_1961 : i32
      %add3A_1964 = arith.constant 37000000 : i32
      %add3A_1965 = vector.broadcast %add3A_1964 : i32 to vector<16xi32>
      %add3A_1966 = arith.addi %get3A_24, %add3A_1965 : vector<16xi32>
      %jit3A_1967 = arith.constant 8 : i32
      %eq3A_1968 = arith.constant 0 : i32
      %eq3A_1969 = arith.cmpi eq, %jit3A_1967, %eq3A_1968 : i32
      %jit3A_1970 = arith.constant 1 : i32
      %select_n3A_1971 = arith.select %eq3A_1969, %jit3A_1970, %jit3A_1967 : i32
      %rem3A_1972 = arith.remsi %scan3A_20, %select_n3A_1971 : i32
      %ne3A_1973 = arith.constant 0 : i32
      %ne3A_1974 = arith.cmpi ne, %rem3A_1972, %ne3A_1973 : i32
      %lt3A_1975 = arith.constant 0 : i32
      %lt3A_1976 = arith.cmpi slt, %rem3A_1972, %lt3A_1975 : i32
      %lt3A_1977 = arith.constant 0 : i32
      %lt3A_1978 = arith.cmpi slt, %select_n3A_1971, %lt3A_1977 : i32
      %ne3A_1979 = arith.xori %lt3A_1976, %lt3A_1978 : i1
      %and3A_1980 = arith.andi %ne3A_1979, %ne3A_1974 : i1
      %add3A_1981 = arith.addi %rem3A_1972, %select_n3A_1971 : i32
      %select_n3A_1982 = arith.select %and3A_1980, %add3A_1981, %rem3A_1972 : i32
      %mul3A_1983 = arith.constant 16 : i32
      %mul3A_1984 = arith.muli %select_n3A_1982, %mul3A_1983 : i32
      %swap3A_1985 = arith.index_cast %add3A_1963 : i32 to index
      %swap3A_1986 = arith.index_cast %mul3A_1984 : i32 to index
      %swap3A_1987 = tpu.vector_load %arg6[%swap3A_1985, %swap3A_1986] {strides = array<i32>} : memref<256x128xi32, #tpu.memory_space<vmem>>, vector<1x16xi32>,
      %swap3A_1988 = vector.shape_cast %swap3A_1987 : vector<1x16xi32> to vector<16xi32>
      %swap3A_1989 = vector.shape_cast %add3A_1966 : vector<16xi32> to vector<1x16xi32>
      tpu.vector_store %arg6[%swap3A_1985, %swap3A_1986], %swap3A_1989 {strides = array<i32>} : memref<256x128xi32, #tpu.memory_space<vmem>>, vector<1x16xi32>,
      %jit3A_1990 = arith.constant 8 : i32
      %div3A_1991 = arith.divsi %scan3A_20, %jit3A_1990 : i32
      %sign3A_1992 = arith.constant 0 : i32
      %sign3A_1993 = arith.cmpi sgt, %scan3A_20, %sign3A_1992 : i32
      %sign3A_1994 = arith.extui %sign3A_1993 : i1 to i32
      %sign3A_1995 = arith.constant 0 : i32
      %sign3A_1996 = arith.cmpi slt, %scan3A_20, %sign3A_1995 : i32
      %sign3A_1997 = arith.extui %sign3A_1996 : i1 to i32
      %sign3A_1998 = arith.subi %sign3A_1994, %sign3A_1997 : i32
      %sign3A_1999 = arith.constant 0 : i32
      %sign3A_2000 = arith.cmpi sgt, %jit3A_1990, %sign3A_1999 : i32
      %sign3A_2001 = arith.extui %sign3A_2000 : i1 to i32
      %sign3A_2002 = arith.constant 0 : i32
      %sign3A_2003 = arith.cmpi slt, %jit3A_1990, %sign3A_2002 : i32
      %sign3A_2004 = arith.extui %sign3A_2003 : i1 to i32
      %sign3A_2005 = arith.subi %sign3A_2001, %sign3A_2004 : i32
      %ne3A_2006 = arith.cmpi ne, %sign3A_1998, %sign3A_2005 : i32
      %rem3A_2007 = arith.remsi %scan3A_20, %jit3A_1990 : i32
      %ne3A_2008 = arith.constant 0 : i32
      %ne3A_2009 = arith.cmpi ne, %rem3A_2007, %ne3A_2008 : i32
      %and3A_2010 = arith.andi %ne3A_2006, %ne3A_2009 : i1
      %sub3A_2011 = arith.constant 1 : i32
      %sub3A_2012 = arith.subi %div3A_1991, %sub3A_2011 : i32
      %select_n3A_2013 = arith.select %and3A_2010, %sub3A_2012, %div3A_1991 : i32
      %add3A_2014 = arith.constant 152 : i32
      %add3A_2015 = arith.addi %add3A_2014, %select_n3A_2013 : i32
      %add3A_2016 = arith.constant 38000000 : i32
      %add3A_2017 = vector.broadcast %add3A_2016 : i32 to vector<16xi32>
      %add3A_2018 = arith.addi %get3A_24, %add3A_2017 : vector<16xi32>
      %jit3A_2019 = arith.constant 8 : i32
      %eq3A_2020 = arith.constant 0 : i32
      %eq3A_2021 = arith.cmpi eq, %jit3A_2019, %eq3A_2020 : i32
      %jit3A_2022 = arith.constant 1 : i32
      %select_n3A_2023 = arith.select %eq3A_2021, %jit3A_2022, %jit3A_2019 : i32
      %rem3A_2024 = arith.remsi %scan3A_20, %select_n3A_2023 : i32
      %ne3A_2025 = arith.constant 0 : i32
      %ne3A_2026 = arith.cmpi ne, %rem3A_2024, %ne3A_2025 : i32
      %lt3A_2027 = arith.constant 0 : i32
      %lt3A_2028 = arith.cmpi slt, %rem3A_2024, %lt3A_2027 : i32
      %lt3A_2029 = arith.constant 0 : i32
      %lt3A_2030 = arith.cmpi slt, %select_n3A_2023, %lt3A_2029 : i32
      %ne3A_2031 = arith.xori %lt3A_2028, %lt3A_2030 : i1
      %and3A_2032 = arith.andi %ne3A_2031, %ne3A_2026 : i1
      %add3A_2033 = arith.addi %rem3A_2024, %select_n3A_2023 : i32
      %select_n3A_2034 = arith.select %and3A_2032, %add3A_2033, %rem3A_2024 : i32
      %mul3A_2035 = arith.constant 16 : i32
      %mul3A_2036 = arith.muli %select_n3A_2034, %mul3A_2035 : i32
      %swap3A_2037 = arith.index_cast %add3A_2015 : i32 to index
      %swap3A_2038 = arith.index_cast %mul3A_2036 : i32 to index
      %swap3A_2039 = tpu.vector_load %arg6[%swap3A_2037, %swap3A_2038] {strides = array<i32>} : memref<256x128xi32, #tpu.memory_space<vmem>>, vector<1x16xi32>,
      %swap3A_2040 = vector.shape_cast %swap3A_2039 : vector<1x16xi32> to vector<16xi32>
      %swap3A_2041 = vector.shape_cast %add3A_2018 : vector<16xi32> to vector<1x16xi32>
      tpu.vector_store %arg6[%swap3A_2037, %swap3A_2038], %swap3A_2041 {strides = array<i32>} : memref<256x128xi32, #tpu.memory_space<vmem>>, vector<1x16xi32>,
      %jit3A_2042 = arith.constant 8 : i32
      %div3A_2043 = arith.divsi %scan3A_20, %jit3A_2042 : i32
      %sign3A_2044 = arith.constant 0 : i32
      %sign3A_2045 = arith.cmpi sgt, %scan3A_20, %sign3A_2044 : i32
      %sign3A_2046 = arith.extui %sign3A_2045 : i1 to i32
      %sign3A_2047 = arith.constant 0 : i32
      %sign3A_2048 = arith.cmpi slt, %scan3A_20, %sign3A_2047 : i32
      %sign3A_2049 = arith.extui %sign3A_2048 : i1 to i32
      %sign3A_2050 = arith.subi %sign3A_2046, %sign3A_2049 : i32
      %sign3A_2051 = arith.constant 0 : i32
      %sign3A_2052 = arith.cmpi sgt, %jit3A_2042, %sign3A_2051 : i32
      %sign3A_2053 = arith.extui %sign3A_2052 : i1 to i32
      %sign3A_2054 = arith.constant 0 : i32
      %sign3A_2055 = arith.cmpi slt, %jit3A_2042, %sign3A_2054 : i32
      %sign3A_2056 = arith.extui %sign3A_2055 : i1 to i32
      %sign3A_2057 = arith.subi %sign3A_2053, %sign3A_2056 : i32
      %ne3A_2058 = arith.cmpi ne, %sign3A_2050, %sign3A_2057 : i32
      %rem3A_2059 = arith.remsi %scan3A_20, %jit3A_2042 : i32
      %ne3A_2060 = arith.constant 0 : i32
      %ne3A_2061 = arith.cmpi ne, %rem3A_2059, %ne3A_2060 : i32
      %and3A_2062 = arith.andi %ne3A_2058, %ne3A_2061 : i1
      %sub3A_2063 = arith.constant 1 : i32
      %sub3A_2064 = arith.subi %div3A_2043, %sub3A_2063 : i32
      %select_n3A_2065 = arith.select %and3A_2062, %sub3A_2064, %div3A_2043 : i32
      %add3A_2066 = arith.constant 156 : i32
      %add3A_2067 = arith.addi %add3A_2066, %select_n3A_2065 : i32
      %add3A_2068 = arith.constant 39000000 : i32
      %add3A_2069 = vector.broadcast %add3A_2068 : i32 to vector<16xi32>
      %add3A_2070 = arith.addi %get3A_24, %add3A_2069 : vector<16xi32>
      %jit3A_2071 = arith.constant 8 : i32
      %eq3A_2072 = arith.constant 0 : i32
      %eq3A_2073 = arith.cmpi eq, %jit3A_2071, %eq3A_2072 : i32
      %jit3A_2074 = arith.constant 1 : i32
      %select_n3A_2075 = arith.select %eq3A_2073, %jit3A_2074, %jit3A_2071 : i32
      %rem3A_2076 = arith.remsi %scan3A_20, %select_n3A_2075 : i32
      %ne3A_2077 = arith.constant 0 : i32
      %ne3A_2078 = arith.cmpi ne, %rem3A_2076, %ne3A_2077 : i32
      %lt3A_2079 = arith.constant 0 : i32
      %lt3A_2080 = arith.cmpi slt, %rem3A_2076, %lt3A_2079 : i32
      %lt3A_2081 = arith.constant 0 : i32
      %lt3A_2082 = arith.cmpi slt, %select_n3A_2075, %lt3A_2081 : i32
      %ne3A_2083 = arith.xori %lt3A_2080, %lt3A_2082 : i1
      %and3A_2084 = arith.andi %ne3A_2083, %ne3A_2078 : i1
      %add3A_2085 = arith.addi %rem3A_2076, %select_n3A_2075 : i32
      %select_n3A_2086 = arith.select %and3A_2084, %add3A_2085, %rem3A_2076 : i32
      %mul3A_2087 = arith.constant 16 : i32
      %mul3A_2088 = arith.muli %select_n3A_2086, %mul3A_2087 : i32
      %swap3A_2089 = arith.index_cast %add3A_2067 : i32 to index
      %swap3A_2090 = arith.index_cast %mul3A_2088 : i32 to index
      %swap3A_2091 = tpu.vector_load %arg6[%swap3A_2089, %swap3A_2090] {strides = array<i32>} : memref<256x128xi32, #tpu.memory_space<vmem>>, vector<1x16xi32>,
      %swap3A_2092 = vector.shape_cast %swap3A_2091 : vector<1x16xi32> to vector<16xi32>
      %swap3A_2093 = vector.shape_cast %add3A_2070 : vector<16xi32> to vector<1x16xi32>
      tpu.vector_store %arg6[%swap3A_2089, %swap3A_2090], %swap3A_2093 {strides = array<i32>} : memref<256x128xi32, #tpu.memory_space<vmem>>, vector<1x16xi32>,
      %jit3A_2094 = arith.constant 8 : i32
      %div3A_2095 = arith.divsi %scan3A_20, %jit3A_2094 : i32
      %sign3A_2096 = arith.constant 0 : i32
      %sign3A_2097 = arith.cmpi sgt, %scan3A_20, %sign3A_2096 : i32
      %sign3A_2098 = arith.extui %sign3A_2097 : i1 to i32
      %sign3A_2099 = arith.constant 0 : i32
      %sign3A_2100 = arith.cmpi slt, %scan3A_20, %sign3A_2099 : i32
      %sign3A_2101 = arith.extui %sign3A_2100 : i1 to i32
      %sign3A_2102 = arith.subi %sign3A_2098, %sign3A_2101 : i32
      %sign3A_2103 = arith.constant 0 : i32
      %sign3A_2104 = arith.cmpi sgt, %jit3A_2094, %sign3A_2103 : i32
      %sign3A_2105 = arith.extui %sign3A_2104 : i1 to i32
      %sign3A_2106 = arith.constant 0 : i32
      %sign3A_2107 = arith.cmpi slt, %jit3A_2094, %sign3A_2106 : i32
      %sign3A_2108 = arith.extui %sign3A_2107 : i1 to i32
      %sign3A_2109 = arith.subi %sign3A_2105, %sign3A_2108 : i32
      %ne3A_2110 = arith.cmpi ne, %sign3A_2102, %sign3A_2109 : i32
      %rem3A_2111 = arith.remsi %scan3A_20, %jit3A_2094 : i32
      %ne3A_2112 = arith.constant 0 : i32
      %ne3A_2113 = arith.cmpi ne, %rem3A_2111, %ne3A_2112 : i32
      %and3A_2114 = arith.andi %ne3A_2110, %ne3A_2113 : i1
      %sub3A_2115 = arith.constant 1 : i32
      %sub3A_2116 = arith.subi %div3A_2095, %sub3A_2115 : i32
      %select_n3A_2117 = arith.select %and3A_2114, %sub3A_2116, %div3A_2095 : i32
      %add3A_2118 = arith.constant 160 : i32
      %add3A_2119 = arith.addi %add3A_2118, %select_n3A_2117 : i32
      %add3A_2120 = arith.constant 40000000 : i32
      %add3A_2121 = vector.broadcast %add3A_2120 : i32 to vector<16xi32>
      %add3A_2122 = arith.addi %get3A_24, %add3A_2121 : vector<16xi32>
      %jit3A_2123 = arith.constant 8 : i32
      %eq3A_2124 = arith.constant 0 : i32
      %eq3A_2125 = arith.cmpi eq, %jit3A_2123, %eq3A_2124 : i32
      %jit3A_2126 = arith.constant 1 : i32
      %select_n3A_2127 = arith.select %eq3A_2125, %jit3A_2126, %jit3A_2123 : i32
      %rem3A_2128 = arith.remsi %scan3A_20, %select_n3A_2127 : i32
      %ne3A_2129 = arith.constant 0 : i32
      %ne3A_2130 = arith.cmpi ne, %rem3A_2128, %ne3A_2129 : i32
      %lt3A_2131 = arith.constant 0 : i32
      %lt3A_2132 = arith.cmpi slt, %rem3A_2128, %lt3A_2131 : i32
      %lt3A_2133 = arith.constant 0 : i32
      %lt3A_2134 = arith.cmpi slt, %select_n3A_2127, %lt3A_2133 : i32
      %ne3A_2135 = arith.xori %lt3A_2132, %lt3A_2134 : i1
      %and3A_2136 = arith.andi %ne3A_2135, %ne3A_2130 : i1
      %add3A_2137 = arith.addi %rem3A_2128, %select_n3A_2127 : i32
      %select_n3A_2138 = arith.select %and3A_2136, %add3A_2137, %rem3A_2128 : i32
      %mul3A_2139 = arith.constant 16 : i32
      %mul3A_2140 = arith.muli %select_n3A_2138, %mul3A_2139 : i32
      %swap3A_2141 = arith.index_cast %add3A_2119 : i32 to index
      %swap3A_2142 = arith.index_cast %mul3A_2140 : i32 to index
      %swap3A_2143 = tpu.vector_load %arg6[%swap3A_2141, %swap3A_2142] {strides = array<i32>} : memref<256x128xi32, #tpu.memory_space<vmem>>, vector<1x16xi32>,
      %swap3A_2144 = vector.shape_cast %swap3A_2143 : vector<1x16xi32> to vector<16xi32>
      %swap3A_2145 = vector.shape_cast %add3A_2122 : vector<16xi32> to vector<1x16xi32>
      tpu.vector_store %arg6[%swap3A_2141, %swap3A_2142], %swap3A_2145 {strides = array<i32>} : memref<256x128xi32, #tpu.memory_space<vmem>>, vector<1x16xi32>,
      %jit3A_2146 = arith.constant 8 : i32
      %div3A_2147 = arith.divsi %scan3A_20, %jit3A_2146 : i32
      %sign3A_2148 = arith.constant 0 : i32
      %sign3A_2149 = arith.cmpi sgt, %scan3A_20, %sign3A_2148 : i32
      %sign3A_2150 = arith.extui %sign3A_2149 : i1 to i32
      %sign3A_2151 = arith.constant 0 : i32
      %sign3A_2152 = arith.cmpi slt, %scan3A_20, %sign3A_2151 : i32
      %sign3A_2153 = arith.extui %sign3A_2152 : i1 to i32
      %sign3A_2154 = arith.subi %sign3A_2150, %sign3A_2153 : i32
      %sign3A_2155 = arith.constant 0 : i32
      %sign3A_2156 = arith.cmpi sgt, %jit3A_2146, %sign3A_2155 : i32
      %sign3A_2157 = arith.extui %sign3A_2156 : i1 to i32
      %sign3A_2158 = arith.constant 0 : i32
      %sign3A_2159 = arith.cmpi slt, %jit3A_2146, %sign3A_2158 : i32
      %sign3A_2160 = arith.extui %sign3A_2159 : i1 to i32
      %sign3A_2161 = arith.subi %sign3A_2157, %sign3A_2160 : i32
      %ne3A_2162 = arith.cmpi ne, %sign3A_2154, %sign3A_2161 : i32
      %rem3A_2163 = arith.remsi %scan3A_20, %jit3A_2146 : i32
      %ne3A_2164 = arith.constant 0 : i32
      %ne3A_2165 = arith.cmpi ne, %rem3A_2163, %ne3A_2164 : i32
      %and3A_2166 = arith.andi %ne3A_2162, %ne3A_2165 : i1
      %sub3A_2167 = arith.constant 1 : i32
      %sub3A_2168 = arith.subi %div3A_2147, %sub3A_2167 : i32
      %select_n3A_2169 = arith.select %and3A_2166, %sub3A_2168, %div3A_2147 : i32
      %add3A_2170 = arith.constant 164 : i32
      %add3A_2171 = arith.addi %add3A_2170, %select_n3A_2169 : i32
      %add3A_2172 = arith.constant 41000000 : i32
      %add3A_2173 = vector.broadcast %add3A_2172 : i32 to vector<16xi32>
      %add3A_2174 = arith.addi %get3A_24, %add3A_2173 : vector<16xi32>
      %jit3A_2175 = arith.constant 8 : i32
      %eq3A_2176 = arith.constant 0 : i32
      %eq3A_2177 = arith.cmpi eq, %jit3A_2175, %eq3A_2176 : i32
      %jit3A_2178 = arith.constant 1 : i32
      %select_n3A_2179 = arith.select %eq3A_2177, %jit3A_2178, %jit3A_2175 : i32
      %rem3A_2180 = arith.remsi %scan3A_20, %select_n3A_2179 : i32
      %ne3A_2181 = arith.constant 0 : i32
      %ne3A_2182 = arith.cmpi ne, %rem3A_2180, %ne3A_2181 : i32
      %lt3A_2183 = arith.constant 0 : i32
      %lt3A_2184 = arith.cmpi slt, %rem3A_2180, %lt3A_2183 : i32
      %lt3A_2185 = arith.constant 0 : i32
      %lt3A_2186 = arith.cmpi slt, %select_n3A_2179, %lt3A_2185 : i32
      %ne3A_2187 = arith.xori %lt3A_2184, %lt3A_2186 : i1
      %and3A_2188 = arith.andi %ne3A_2187, %ne3A_2182 : i1
      %add3A_2189 = arith.addi %rem3A_2180, %select_n3A_2179 : i32
      %select_n3A_2190 = arith.select %and3A_2188, %add3A_2189, %rem3A_2180 : i32
      %mul3A_2191 = arith.constant 16 : i32
      %mul3A_2192 = arith.muli %select_n3A_2190, %mul3A_2191 : i32
      %swap3A_2193 = arith.index_cast %add3A_2171 : i32 to index
      %swap3A_2194 = arith.index_cast %mul3A_2192 : i32 to index
      %swap3A_2195 = tpu.vector_load %arg6[%swap3A_2193, %swap3A_2194] {strides = array<i32>} : memref<256x128xi32, #tpu.memory_space<vmem>>, vector<1x16xi32>,
      %swap3A_2196 = vector.shape_cast %swap3A_2195 : vector<1x16xi32> to vector<16xi32>
      %swap3A_2197 = vector.shape_cast %add3A_2174 : vector<16xi32> to vector<1x16xi32>
      tpu.vector_store %arg6[%swap3A_2193, %swap3A_2194], %swap3A_2197 {strides = array<i32>} : memref<256x128xi32, #tpu.memory_space<vmem>>, vector<1x16xi32>,
      %jit3A_2198 = arith.constant 8 : i32
      %div3A_2199 = arith.divsi %scan3A_20, %jit3A_2198 : i32
      %sign3A_2200 = arith.constant 0 : i32
      %sign3A_2201 = arith.cmpi sgt, %scan3A_20, %sign3A_2200 : i32
      %sign3A_2202 = arith.extui %sign3A_2201 : i1 to i32
      %sign3A_2203 = arith.constant 0 : i32
      %sign3A_2204 = arith.cmpi slt, %scan3A_20, %sign3A_2203 : i32
      %sign3A_2205 = arith.extui %sign3A_2204 : i1 to i32
      %sign3A_2206 = arith.subi %sign3A_2202, %sign3A_2205 : i32
      %sign3A_2207 = arith.constant 0 : i32
      %sign3A_2208 = arith.cmpi sgt, %jit3A_2198, %sign3A_2207 : i32
      %sign3A_2209 = arith.extui %sign3A_2208 : i1 to i32
      %sign3A_2210 = arith.constant 0 : i32
      %sign3A_2211 = arith.cmpi slt, %jit3A_2198, %sign3A_2210 : i32
      %sign3A_2212 = arith.extui %sign3A_2211 : i1 to i32
      %sign3A_2213 = arith.subi %sign3A_2209, %sign3A_2212 : i32
      %ne3A_2214 = arith.cmpi ne, %sign3A_2206, %sign3A_2213 : i32
      %rem3A_2215 = arith.remsi %scan3A_20, %jit3A_2198 : i32
      %ne3A_2216 = arith.constant 0 : i32
      %ne3A_2217 = arith.cmpi ne, %rem3A_2215, %ne3A_2216 : i32
      %and3A_2218 = arith.andi %ne3A_2214, %ne3A_2217 : i1
      %sub3A_2219 = arith.constant 1 : i32
      %sub3A_2220 = arith.subi %div3A_2199, %sub3A_2219 : i32
      %select_n3A_2221 = arith.select %and3A_2218, %sub3A_2220, %div3A_2199 : i32
      %add3A_2222 = arith.constant 168 : i32
      %add3A_2223 = arith.addi %add3A_2222, %select_n3A_2221 : i32
      %add3A_2224 = arith.constant 42000000 : i32
      %add3A_2225 = vector.broadcast %add3A_2224 : i32 to vector<16xi32>
      %add3A_2226 = arith.addi %get3A_24, %add3A_2225 : vector<16xi32>
      %jit3A_2227 = arith.constant 8 : i32
      %eq3A_2228 = arith.constant 0 : i32
      %eq3A_2229 = arith.cmpi eq, %jit3A_2227, %eq3A_2228 : i32
      %jit3A_2230 = arith.constant 1 : i32
      %select_n3A_2231 = arith.select %eq3A_2229, %jit3A_2230, %jit3A_2227 : i32
      %rem3A_2232 = arith.remsi %scan3A_20, %select_n3A_2231 : i32
      %ne3A_2233 = arith.constant 0 : i32
      %ne3A_2234 = arith.cmpi ne, %rem3A_2232, %ne3A_2233 : i32
      %lt3A_2235 = arith.constant 0 : i32
      %lt3A_2236 = arith.cmpi slt, %rem3A_2232, %lt3A_2235 : i32
      %lt3A_2237 = arith.constant 0 : i32
      %lt3A_2238 = arith.cmpi slt, %select_n3A_2231, %lt3A_2237 : i32
      %ne3A_2239 = arith.xori %lt3A_2236, %lt3A_2238 : i1
      %and3A_2240 = arith.andi %ne3A_2239, %ne3A_2234 : i1
      %add3A_2241 = arith.addi %rem3A_2232, %select_n3A_2231 : i32
      %select_n3A_2242 = arith.select %and3A_2240, %add3A_2241, %rem3A_2232 : i32
      %mul3A_2243 = arith.constant 16 : i32
      %mul3A_2244 = arith.muli %select_n3A_2242, %mul3A_2243 : i32
      %swap3A_2245 = arith.index_cast %add3A_2223 : i32 to index
      %swap3A_2246 = arith.index_cast %mul3A_2244 : i32 to index
      %swap3A_2247 = tpu.vector_load %arg6[%swap3A_2245, %swap3A_2246] {strides = array<i32>} : memref<256x128xi32, #tpu.memory_space<vmem>>, vector<1x16xi32>,
      %swap3A_2248 = vector.shape_cast %swap3A_2247 : vector<1x16xi32> to vector<16xi32>
      %swap3A_2249 = vector.shape_cast %add3A_2226 : vector<16xi32> to vector<1x16xi32>
      tpu.vector_store %arg6[%swap3A_2245, %swap3A_2246], %swap3A_2249 {strides = array<i32>} : memref<256x128xi32, #tpu.memory_space<vmem>>, vector<1x16xi32>,
      %jit3A_2250 = arith.constant 8 : i32
      %div3A_2251 = arith.divsi %scan3A_20, %jit3A_2250 : i32
      %sign3A_2252 = arith.constant 0 : i32
      %sign3A_2253 = arith.cmpi sgt, %scan3A_20, %sign3A_2252 : i32
      %sign3A_2254 = arith.extui %sign3A_2253 : i1 to i32
      %sign3A_2255 = arith.constant 0 : i32
      %sign3A_2256 = arith.cmpi slt, %scan3A_20, %sign3A_2255 : i32
      %sign3A_2257 = arith.extui %sign3A_2256 : i1 to i32
      %sign3A_2258 = arith.subi %sign3A_2254, %sign3A_2257 : i32
      %sign3A_2259 = arith.constant 0 : i32
      %sign3A_2260 = arith.cmpi sgt, %jit3A_2250, %sign3A_2259 : i32
      %sign3A_2261 = arith.extui %sign3A_2260 : i1 to i32
      %sign3A_2262 = arith.constant 0 : i32
      %sign3A_2263 = arith.cmpi slt, %jit3A_2250, %sign3A_2262 : i32
      %sign3A_2264 = arith.extui %sign3A_2263 : i1 to i32
      %sign3A_2265 = arith.subi %sign3A_2261, %sign3A_2264 : i32
      %ne3A_2266 = arith.cmpi ne, %sign3A_2258, %sign3A_2265 : i32
      %rem3A_2267 = arith.remsi %scan3A_20, %jit3A_2250 : i32
      %ne3A_2268 = arith.constant 0 : i32
      %ne3A_2269 = arith.cmpi ne, %rem3A_2267, %ne3A_2268 : i32
      %and3A_2270 = arith.andi %ne3A_2266, %ne3A_2269 : i1
      %sub3A_2271 = arith.constant 1 : i32
      %sub3A_2272 = arith.subi %div3A_2251, %sub3A_2271 : i32
      %select_n3A_2273 = arith.select %and3A_2270, %sub3A_2272, %div3A_2251 : i32
      %add3A_2274 = arith.constant 172 : i32
      %add3A_2275 = arith.addi %add3A_2274, %select_n3A_2273 : i32
      %add3A_2276 = arith.constant 43000000 : i32
      %add3A_2277 = vector.broadcast %add3A_2276 : i32 to vector<16xi32>
      %add3A_2278 = arith.addi %get3A_24, %add3A_2277 : vector<16xi32>
      %jit3A_2279 = arith.constant 8 : i32
      %eq3A_2280 = arith.constant 0 : i32
      %eq3A_2281 = arith.cmpi eq, %jit3A_2279, %eq3A_2280 : i32
      %jit3A_2282 = arith.constant 1 : i32
      %select_n3A_2283 = arith.select %eq3A_2281, %jit3A_2282, %jit3A_2279 : i32
      %rem3A_2284 = arith.remsi %scan3A_20, %select_n3A_2283 : i32
      %ne3A_2285 = arith.constant 0 : i32
      %ne3A_2286 = arith.cmpi ne, %rem3A_2284, %ne3A_2285 : i32
      %lt3A_2287 = arith.constant 0 : i32
      %lt3A_2288 = arith.cmpi slt, %rem3A_2284, %lt3A_2287 : i32
      %lt3A_2289 = arith.constant 0 : i32
      %lt3A_2290 = arith.cmpi slt, %select_n3A_2283, %lt3A_2289 : i32
      %ne3A_2291 = arith.xori %lt3A_2288, %lt3A_2290 : i1
      %and3A_2292 = arith.andi %ne3A_2291, %ne3A_2286 : i1
      %add3A_2293 = arith.addi %rem3A_2284, %select_n3A_2283 : i32
      %select_n3A_2294 = arith.select %and3A_2292, %add3A_2293, %rem3A_2284 : i32
      %mul3A_2295 = arith.constant 16 : i32
      %mul3A_2296 = arith.muli %select_n3A_2294, %mul3A_2295 : i32
      %swap3A_2297 = arith.index_cast %add3A_2275 : i32 to index
      %swap3A_2298 = arith.index_cast %mul3A_2296 : i32 to index
      %swap3A_2299 = tpu.vector_load %arg6[%swap3A_2297, %swap3A_2298] {strides = array<i32>} : memref<256x128xi32, #tpu.memory_space<vmem>>, vector<1x16xi32>,
      %swap3A_2300 = vector.shape_cast %swap3A_2299 : vector<1x16xi32> to vector<16xi32>
      %swap3A_2301 = vector.shape_cast %add3A_2278 : vector<16xi32> to vector<1x16xi32>
      tpu.vector_store %arg6[%swap3A_2297, %swap3A_2298], %swap3A_2301 {strides = array<i32>} : memref<256x128xi32, #tpu.memory_space<vmem>>, vector<1x16xi32>,
      %jit3A_2302 = arith.constant 8 : i32
      %div3A_2303 = arith.divsi %scan3A_20, %jit3A_2302 : i32
      %sign3A_2304 = arith.constant 0 : i32
      %sign3A_2305 = arith.cmpi sgt, %scan3A_20, %sign3A_2304 : i32
      %sign3A_2306 = arith.extui %sign3A_2305 : i1 to i32
      %sign3A_2307 = arith.constant 0 : i32
      %sign3A_2308 = arith.cmpi slt, %scan3A_20, %sign3A_2307 : i32
      %sign3A_2309 = arith.extui %sign3A_2308 : i1 to i32
      %sign3A_2310 = arith.subi %sign3A_2306, %sign3A_2309 : i32
      %sign3A_2311 = arith.constant 0 : i32
      %sign3A_2312 = arith.cmpi sgt, %jit3A_2302, %sign3A_2311 : i32
      %sign3A_2313 = arith.extui %sign3A_2312 : i1 to i32
      %sign3A_2314 = arith.constant 0 : i32
      %sign3A_2315 = arith.cmpi slt, %jit3A_2302, %sign3A_2314 : i32
      %sign3A_2316 = arith.extui %sign3A_2315 : i1 to i32
      %sign3A_2317 = arith.subi %sign3A_2313, %sign3A_2316 : i32
      %ne3A_2318 = arith.cmpi ne, %sign3A_2310, %sign3A_2317 : i32
      %rem3A_2319 = arith.remsi %scan3A_20, %jit3A_2302 : i32
      %ne3A_2320 = arith.constant 0 : i32
      %ne3A_2321 = arith.cmpi ne, %rem3A_2319, %ne3A_2320 : i32
      %and3A_2322 = arith.andi %ne3A_2318, %ne3A_2321 : i1
      %sub3A_2323 = arith.constant 1 : i32
      %sub3A_2324 = arith.subi %div3A_2303, %sub3A_2323 : i32
      %select_n3A_2325 = arith.select %and3A_2322, %sub3A_2324, %div3A_2303 : i32
      %add3A_2326 = arith.constant 176 : i32
      %add3A_2327 = arith.addi %add3A_2326, %select_n3A_2325 : i32
      %add3A_2328 = arith.constant 44000000 : i32
      %add3A_2329 = vector.broadcast %add3A_2328 : i32 to vector<16xi32>
      %add3A_2330 = arith.addi %get3A_24, %add3A_2329 : vector<16xi32>
      %jit3A_2331 = arith.constant 8 : i32
      %eq3A_2332 = arith.constant 0 : i32
      %eq3A_2333 = arith.cmpi eq, %jit3A_2331, %eq3A_2332 : i32
      %jit3A_2334 = arith.constant 1 : i32
      %select_n3A_2335 = arith.select %eq3A_2333, %jit3A_2334, %jit3A_2331 : i32
      %rem3A_2336 = arith.remsi %scan3A_20, %select_n3A_2335 : i32
      %ne3A_2337 = arith.constant 0 : i32
      %ne3A_2338 = arith.cmpi ne, %rem3A_2336, %ne3A_2337 : i32
      %lt3A_2339 = arith.constant 0 : i32
      %lt3A_2340 = arith.cmpi slt, %rem3A_2336, %lt3A_2339 : i32
      %lt3A_2341 = arith.constant 0 : i32
      %lt3A_2342 = arith.cmpi slt, %select_n3A_2335, %lt3A_2341 : i32
      %ne3A_2343 = arith.xori %lt3A_2340, %lt3A_2342 : i1
      %and3A_2344 = arith.andi %ne3A_2343, %ne3A_2338 : i1
      %add3A_2345 = arith.addi %rem3A_2336, %select_n3A_2335 : i32
      %select_n3A_2346 = arith.select %and3A_2344, %add3A_2345, %rem3A_2336 : i32
      %mul3A_2347 = arith.constant 16 : i32
      %mul3A_2348 = arith.muli %select_n3A_2346, %mul3A_2347 : i32
      %swap3A_2349 = arith.index_cast %add3A_2327 : i32 to index
      %swap3A_2350 = arith.index_cast %mul3A_2348 : i32 to index
      %swap3A_2351 = tpu.vector_load %arg6[%swap3A_2349, %swap3A_2350] {strides = array<i32>} : memref<256x128xi32, #tpu.memory_space<vmem>>, vector<1x16xi32>,
      %swap3A_2352 = vector.shape_cast %swap3A_2351 : vector<1x16xi32> to vector<16xi32>
      %swap3A_2353 = vector.shape_cast %add3A_2330 : vector<16xi32> to vector<1x16xi32>
      tpu.vector_store %arg6[%swap3A_2349, %swap3A_2350], %swap3A_2353 {strides = array<i32>} : memref<256x128xi32, #tpu.memory_space<vmem>>, vector<1x16xi32>,
      %jit3A_2354 = arith.constant 8 : i32
      %div3A_2355 = arith.divsi %scan3A_20, %jit3A_2354 : i32
      %sign3A_2356 = arith.constant 0 : i32
      %sign3A_2357 = arith.cmpi sgt, %scan3A_20, %sign3A_2356 : i32
      %sign3A_2358 = arith.extui %sign3A_2357 : i1 to i32
      %sign3A_2359 = arith.constant 0 : i32
      %sign3A_2360 = arith.cmpi slt, %scan3A_20, %sign3A_2359 : i32
      %sign3A_2361 = arith.extui %sign3A_2360 : i1 to i32
      %sign3A_2362 = arith.subi %sign3A_2358, %sign3A_2361 : i32
      %sign3A_2363 = arith.constant 0 : i32
      %sign3A_2364 = arith.cmpi sgt, %jit3A_2354, %sign3A_2363 : i32
      %sign3A_2365 = arith.extui %sign3A_2364 : i1 to i32
      %sign3A_2366 = arith.constant 0 : i32
      %sign3A_2367 = arith.cmpi slt, %jit3A_2354, %sign3A_2366 : i32
      %sign3A_2368 = arith.extui %sign3A_2367 : i1 to i32
      %sign3A_2369 = arith.subi %sign3A_2365, %sign3A_2368 : i32
      %ne3A_2370 = arith.cmpi ne, %sign3A_2362, %sign3A_2369 : i32
      %rem3A_2371 = arith.remsi %scan3A_20, %jit3A_2354 : i32
      %ne3A_2372 = arith.constant 0 : i32
      %ne3A_2373 = arith.cmpi ne, %rem3A_2371, %ne3A_2372 : i32
      %and3A_2374 = arith.andi %ne3A_2370, %ne3A_2373 : i1
      %sub3A_2375 = arith.constant 1 : i32
      %sub3A_2376 = arith.subi %div3A_2355, %sub3A_2375 : i32
      %select_n3A_2377 = arith.select %and3A_2374, %sub3A_2376, %div3A_2355 : i32
      %add3A_2378 = arith.constant 180 : i32
      %add3A_2379 = arith.addi %add3A_2378, %select_n3A_2377 : i32
      %add3A_2380 = arith.constant 45000000 : i32
      %add3A_2381 = vector.broadcast %add3A_2380 : i32 to vector<16xi32>
      %add3A_2382 = arith.addi %get3A_24, %add3A_2381 : vector<16xi32>
      %jit3A_2383 = arith.constant 8 : i32
      %eq3A_2384 = arith.constant 0 : i32
      %eq3A_2385 = arith.cmpi eq, %jit3A_2383, %eq3A_2384 : i32
      %jit3A_2386 = arith.constant 1 : i32
      %select_n3A_2387 = arith.select %eq3A_2385, %jit3A_2386, %jit3A_2383 : i32
      %rem3A_2388 = arith.remsi %scan3A_20, %select_n3A_2387 : i32
      %ne3A_2389 = arith.constant 0 : i32
      %ne3A_2390 = arith.cmpi ne, %rem3A_2388, %ne3A_2389 : i32
      %lt3A_2391 = arith.constant 0 : i32
      %lt3A_2392 = arith.cmpi slt, %rem3A_2388, %lt3A_2391 : i32
      %lt3A_2393 = arith.constant 0 : i32
      %lt3A_2394 = arith.cmpi slt, %select_n3A_2387, %lt3A_2393 : i32
      %ne3A_2395 = arith.xori %lt3A_2392, %lt3A_2394 : i1
      %and3A_2396 = arith.andi %ne3A_2395, %ne3A_2390 : i1
      %add3A_2397 = arith.addi %rem3A_2388, %select_n3A_2387 : i32
      %select_n3A_2398 = arith.select %and3A_2396, %add3A_2397, %rem3A_2388 : i32
      %mul3A_2399 = arith.constant 16 : i32
      %mul3A_2400 = arith.muli %select_n3A_2398, %mul3A_2399 : i32
      %swap3A_2401 = arith.index_cast %add3A_2379 : i32 to index
      %swap3A_2402 = arith.index_cast %mul3A_2400 : i32 to index
      %swap3A_2403 = tpu.vector_load %arg6[%swap3A_2401, %swap3A_2402] {strides = array<i32>} : memref<256x128xi32, #tpu.memory_space<vmem>>, vector<1x16xi32>,
      %swap3A_2404 = vector.shape_cast %swap3A_2403 : vector<1x16xi32> to vector<16xi32>
      %swap3A_2405 = vector.shape_cast %add3A_2382 : vector<16xi32> to vector<1x16xi32>
      tpu.vector_store %arg6[%swap3A_2401, %swap3A_2402], %swap3A_2405 {strides = array<i32>} : memref<256x128xi32, #tpu.memory_space<vmem>>, vector<1x16xi32>,
      %jit3A_2406 = arith.constant 8 : i32
      %div3A_2407 = arith.divsi %scan3A_20, %jit3A_2406 : i32
      %sign3A_2408 = arith.constant 0 : i32
      %sign3A_2409 = arith.cmpi sgt, %scan3A_20, %sign3A_2408 : i32
      %sign3A_2410 = arith.extui %sign3A_2409 : i1 to i32
      %sign3A_2411 = arith.constant 0 : i32
      %sign3A_2412 = arith.cmpi slt, %scan3A_20, %sign3A_2411 : i32
      %sign3A_2413 = arith.extui %sign3A_2412 : i1 to i32
      %sign3A_2414 = arith.subi %sign3A_2410, %sign3A_2413 : i32
      %sign3A_2415 = arith.constant 0 : i32
      %sign3A_2416 = arith.cmpi sgt, %jit3A_2406, %sign3A_2415 : i32
      %sign3A_2417 = arith.extui %sign3A_2416 : i1 to i32
      %sign3A_2418 = arith.constant 0 : i32
      %sign3A_2419 = arith.cmpi slt, %jit3A_2406, %sign3A_2418 : i32
      %sign3A_2420 = arith.extui %sign3A_2419 : i1 to i32
      %sign3A_2421 = arith.subi %sign3A_2417, %sign3A_2420 : i32
      %ne3A_2422 = arith.cmpi ne, %sign3A_2414, %sign3A_2421 : i32
      %rem3A_2423 = arith.remsi %scan3A_20, %jit3A_2406 : i32
      %ne3A_2424 = arith.constant 0 : i32
      %ne3A_2425 = arith.cmpi ne, %rem3A_2423, %ne3A_2424 : i32
      %and3A_2426 = arith.andi %ne3A_2422, %ne3A_2425 : i1
      %sub3A_2427 = arith.constant 1 : i32
      %sub3A_2428 = arith.subi %div3A_2407, %sub3A_2427 : i32
      %select_n3A_2429 = arith.select %and3A_2426, %sub3A_2428, %div3A_2407 : i32
      %add3A_2430 = arith.constant 184 : i32
      %add3A_2431 = arith.addi %add3A_2430, %select_n3A_2429 : i32
      %add3A_2432 = arith.constant 46000000 : i32
      %add3A_2433 = vector.broadcast %add3A_2432 : i32 to vector<16xi32>
      %add3A_2434 = arith.addi %get3A_24, %add3A_2433 : vector<16xi32>
      %jit3A_2435 = arith.constant 8 : i32
      %eq3A_2436 = arith.constant 0 : i32
      %eq3A_2437 = arith.cmpi eq, %jit3A_2435, %eq3A_2436 : i32
      %jit3A_2438 = arith.constant 1 : i32
      %select_n3A_2439 = arith.select %eq3A_2437, %jit3A_2438, %jit3A_2435 : i32
      %rem3A_2440 = arith.remsi %scan3A_20, %select_n3A_2439 : i32
      %ne3A_2441 = arith.constant 0 : i32
      %ne3A_2442 = arith.cmpi ne, %rem3A_2440, %ne3A_2441 : i32
      %lt3A_2443 = arith.constant 0 : i32
      %lt3A_2444 = arith.cmpi slt, %rem3A_2440, %lt3A_2443 : i32
      %lt3A_2445 = arith.constant 0 : i32
      %lt3A_2446 = arith.cmpi slt, %select_n3A_2439, %lt3A_2445 : i32
      %ne3A_2447 = arith.xori %lt3A_2444, %lt3A_2446 : i1
      %and3A_2448 = arith.andi %ne3A_2447, %ne3A_2442 : i1
      %add3A_2449 = arith.addi %rem3A_2440, %select_n3A_2439 : i32
      %select_n3A_2450 = arith.select %and3A_2448, %add3A_2449, %rem3A_2440 : i32
      %mul3A_2451 = arith.constant 16 : i32
      %mul3A_2452 = arith.muli %select_n3A_2450, %mul3A_2451 : i32
      %swap3A_2453 = arith.index_cast %add3A_2431 : i32 to index
      %swap3A_2454 = arith.index_cast %mul3A_2452 : i32 to index
      %swap3A_2455 = tpu.vector_load %arg6[%swap3A_2453, %swap3A_2454] {strides = array<i32>} : memref<256x128xi32, #tpu.memory_space<vmem>>, vector<1x16xi32>,
      %swap3A_2456 = vector.shape_cast %swap3A_2455 : vector<1x16xi32> to vector<16xi32>
      %swap3A_2457 = vector.shape_cast %add3A_2434 : vector<16xi32> to vector<1x16xi32>
      tpu.vector_store %arg6[%swap3A_2453, %swap3A_2454], %swap3A_2457 {strides = array<i32>} : memref<256x128xi32, #tpu.memory_space<vmem>>, vector<1x16xi32>,
      %jit3A_2458 = arith.constant 8 : i32
      %div3A_2459 = arith.divsi %scan3A_20, %jit3A_2458 : i32
      %sign3A_2460 = arith.constant 0 : i32
      %sign3A_2461 = arith.cmpi sgt, %scan3A_20, %sign3A_2460 : i32
      %sign3A_2462 = arith.extui %sign3A_2461 : i1 to i32
      %sign3A_2463 = arith.constant 0 : i32
      %sign3A_2464 = arith.cmpi slt, %scan3A_20, %sign3A_2463 : i32
      %sign3A_2465 = arith.extui %sign3A_2464 : i1 to i32
      %sign3A_2466 = arith.subi %sign3A_2462, %sign3A_2465 : i32
      %sign3A_2467 = arith.constant 0 : i32
      %sign3A_2468 = arith.cmpi sgt, %jit3A_2458, %sign3A_2467 : i32
      %sign3A_2469 = arith.extui %sign3A_2468 : i1 to i32
      %sign3A_2470 = arith.constant 0 : i32
      %sign3A_2471 = arith.cmpi slt, %jit3A_2458, %sign3A_2470 : i32
      %sign3A_2472 = arith.extui %sign3A_2471 : i1 to i32
      %sign3A_2473 = arith.subi %sign3A_2469, %sign3A_2472 : i32
      %ne3A_2474 = arith.cmpi ne, %sign3A_2466, %sign3A_2473 : i32
      %rem3A_2475 = arith.remsi %scan3A_20, %jit3A_2458 : i32
      %ne3A_2476 = arith.constant 0 : i32
      %ne3A_2477 = arith.cmpi ne, %rem3A_2475, %ne3A_2476 : i32
      %and3A_2478 = arith.andi %ne3A_2474, %ne3A_2477 : i1
      %sub3A_2479 = arith.constant 1 : i32
      %sub3A_2480 = arith.subi %div3A_2459, %sub3A_2479 : i32
      %select_n3A_2481 = arith.select %and3A_2478, %sub3A_2480, %div3A_2459 : i32
      %add3A_2482 = arith.constant 188 : i32
      %add3A_2483 = arith.addi %add3A_2482, %select_n3A_2481 : i32
      %add3A_2484 = arith.constant 47000000 : i32
      %add3A_2485 = vector.broadcast %add3A_2484 : i32 to vector<16xi32>
      %add3A_2486 = arith.addi %get3A_24, %add3A_2485 : vector<16xi32>
      %jit3A_2487 = arith.constant 8 : i32
      %eq3A_2488 = arith.constant 0 : i32
      %eq3A_2489 = arith.cmpi eq, %jit3A_2487, %eq3A_2488 : i32
      %jit3A_2490 = arith.constant 1 : i32
      %select_n3A_2491 = arith.select %eq3A_2489, %jit3A_2490, %jit3A_2487 : i32
      %rem3A_2492 = arith.remsi %scan3A_20, %select_n3A_2491 : i32
      %ne3A_2493 = arith.constant 0 : i32
      %ne3A_2494 = arith.cmpi ne, %rem3A_2492, %ne3A_2493 : i32
      %lt3A_2495 = arith.constant 0 : i32
      %lt3A_2496 = arith.cmpi slt, %rem3A_2492, %lt3A_2495 : i32
      %lt3A_2497 = arith.constant 0 : i32
      %lt3A_2498 = arith.cmpi slt, %select_n3A_2491, %lt3A_2497 : i32
      %ne3A_2499 = arith.xori %lt3A_2496, %lt3A_2498 : i1
      %and3A_2500 = arith.andi %ne3A_2499, %ne3A_2494 : i1
      %add3A_2501 = arith.addi %rem3A_2492, %select_n3A_2491 : i32
      %select_n3A_2502 = arith.select %and3A_2500, %add3A_2501, %rem3A_2492 : i32
      %mul3A_2503 = arith.constant 16 : i32
      %mul3A_2504 = arith.muli %select_n3A_2502, %mul3A_2503 : i32
      %swap3A_2505 = arith.index_cast %add3A_2483 : i32 to index
      %swap3A_2506 = arith.index_cast %mul3A_2504 : i32 to index
      %swap3A_2507 = tpu.vector_load %arg6[%swap3A_2505, %swap3A_2506] {strides = array<i32>} : memref<256x128xi32, #tpu.memory_space<vmem>>, vector<1x16xi32>,
      %swap3A_2508 = vector.shape_cast %swap3A_2507 : vector<1x16xi32> to vector<16xi32>
      %swap3A_2509 = vector.shape_cast %add3A_2486 : vector<16xi32> to vector<1x16xi32>
      tpu.vector_store %arg6[%swap3A_2505, %swap3A_2506], %swap3A_2509 {strides = array<i32>} : memref<256x128xi32, #tpu.memory_space<vmem>>, vector<1x16xi32>,
      %jit3A_2510 = arith.constant 8 : i32
      %div3A_2511 = arith.divsi %scan3A_20, %jit3A_2510 : i32
      %sign3A_2512 = arith.constant 0 : i32
      %sign3A_2513 = arith.cmpi sgt, %scan3A_20, %sign3A_2512 : i32
      %sign3A_2514 = arith.extui %sign3A_2513 : i1 to i32
      %sign3A_2515 = arith.constant 0 : i32
      %sign3A_2516 = arith.cmpi slt, %scan3A_20, %sign3A_2515 : i32
      %sign3A_2517 = arith.extui %sign3A_2516 : i1 to i32
      %sign3A_2518 = arith.subi %sign3A_2514, %sign3A_2517 : i32
      %sign3A_2519 = arith.constant 0 : i32
      %sign3A_2520 = arith.cmpi sgt, %jit3A_2510, %sign3A_2519 : i32
      %sign3A_2521 = arith.extui %sign3A_2520 : i1 to i32
      %sign3A_2522 = arith.constant 0 : i32
      %sign3A_2523 = arith.cmpi slt, %jit3A_2510, %sign3A_2522 : i32
      %sign3A_2524 = arith.extui %sign3A_2523 : i1 to i32
      %sign3A_2525 = arith.subi %sign3A_2521, %sign3A_2524 : i32
      %ne3A_2526 = arith.cmpi ne, %sign3A_2518, %sign3A_2525 : i32
      %rem3A_2527 = arith.remsi %scan3A_20, %jit3A_2510 : i32
      %ne3A_2528 = arith.constant 0 : i32
      %ne3A_2529 = arith.cmpi ne, %rem3A_2527, %ne3A_2528 : i32
      %and3A_2530 = arith.andi %ne3A_2526, %ne3A_2529 : i1
      %sub3A_2531 = arith.constant 1 : i32
      %sub3A_2532 = arith.subi %div3A_2511, %sub3A_2531 : i32
      %select_n3A_2533 = arith.select %and3A_2530, %sub3A_2532, %div3A_2511 : i32
      %add3A_2534 = arith.constant 192 : i32
      %add3A_2535 = arith.addi %add3A_2534, %select_n3A_2533 : i32
      %add3A_2536 = arith.constant 48000000 : i32
      %add3A_2537 = vector.broadcast %add3A_2536 : i32 to vector<16xi32>
      %add3A_2538 = arith.addi %get3A_24, %add3A_2537 : vector<16xi32>
      %jit3A_2539 = arith.constant 8 : i32
      %eq3A_2540 = arith.constant 0 : i32
      %eq3A_2541 = arith.cmpi eq, %jit3A_2539, %eq3A_2540 : i32
      %jit3A_2542 = arith.constant 1 : i32
      %select_n3A_2543 = arith.select %eq3A_2541, %jit3A_2542, %jit3A_2539 : i32
      %rem3A_2544 = arith.remsi %scan3A_20, %select_n3A_2543 : i32
      %ne3A_2545 = arith.constant 0 : i32
      %ne3A_2546 = arith.cmpi ne, %rem3A_2544, %ne3A_2545 : i32
      %lt3A_2547 = arith.constant 0 : i32
      %lt3A_2548 = arith.cmpi slt, %rem3A_2544, %lt3A_2547 : i32
      %lt3A_2549 = arith.constant 0 : i32
      %lt3A_2550 = arith.cmpi slt, %select_n3A_2543, %lt3A_2549 : i32
      %ne3A_2551 = arith.xori %lt3A_2548, %lt3A_2550 : i1
      %and3A_2552 = arith.andi %ne3A_2551, %ne3A_2546 : i1
      %add3A_2553 = arith.addi %rem3A_2544, %select_n3A_2543 : i32
      %select_n3A_2554 = arith.select %and3A_2552, %add3A_2553, %rem3A_2544 : i32
      %mul3A_2555 = arith.constant 16 : i32
      %mul3A_2556 = arith.muli %select_n3A_2554, %mul3A_2555 : i32
      %swap3A_2557 = arith.index_cast %add3A_2535 : i32 to index
      %swap3A_2558 = arith.index_cast %mul3A_2556 : i32 to index
      %swap3A_2559 = tpu.vector_load %arg6[%swap3A_2557, %swap3A_2558] {strides = array<i32>} : memref<256x128xi32, #tpu.memory_space<vmem>>, vector<1x16xi32>,
      %swap3A_2560 = vector.shape_cast %swap3A_2559 : vector<1x16xi32> to vector<16xi32>
      %swap3A_2561 = vector.shape_cast %add3A_2538 : vector<16xi32> to vector<1x16xi32>
      tpu.vector_store %arg6[%swap3A_2557, %swap3A_2558], %swap3A_2561 {strides = array<i32>} : memref<256x128xi32, #tpu.memory_space<vmem>>, vector<1x16xi32>,
      %jit3A_2562 = arith.constant 8 : i32
      %div3A_2563 = arith.divsi %scan3A_20, %jit3A_2562 : i32
      %sign3A_2564 = arith.constant 0 : i32
      %sign3A_2565 = arith.cmpi sgt, %scan3A_20, %sign3A_2564 : i32
      %sign3A_2566 = arith.extui %sign3A_2565 : i1 to i32
      %sign3A_2567 = arith.constant 0 : i32
      %sign3A_2568 = arith.cmpi slt, %scan3A_20, %sign3A_2567 : i32
      %sign3A_2569 = arith.extui %sign3A_2568 : i1 to i32
      %sign3A_2570 = arith.subi %sign3A_2566, %sign3A_2569 : i32
      %sign3A_2571 = arith.constant 0 : i32
      %sign3A_2572 = arith.cmpi sgt, %jit3A_2562, %sign3A_2571 : i32
      %sign3A_2573 = arith.extui %sign3A_2572 : i1 to i32
      %sign3A_2574 = arith.constant 0 : i32
      %sign3A_2575 = arith.cmpi slt, %jit3A_2562, %sign3A_2574 : i32
      %sign3A_2576 = arith.extui %sign3A_2575 : i1 to i32
      %sign3A_2577 = arith.subi %sign3A_2573, %sign3A_2576 : i32
      %ne3A_2578 = arith.cmpi ne, %sign3A_2570, %sign3A_2577 : i32
      %rem3A_2579 = arith.remsi %scan3A_20, %jit3A_2562 : i32
      %ne3A_2580 = arith.constant 0 : i32
      %ne3A_2581 = arith.cmpi ne, %rem3A_2579, %ne3A_2580 : i32
      %and3A_2582 = arith.andi %ne3A_2578, %ne3A_2581 : i1
      %sub3A_2583 = arith.constant 1 : i32
      %sub3A_2584 = arith.subi %div3A_2563, %sub3A_2583 : i32
      %select_n3A_2585 = arith.select %and3A_2582, %sub3A_2584, %div3A_2563 : i32
      %add3A_2586 = arith.constant 196 : i32
      %add3A_2587 = arith.addi %add3A_2586, %select_n3A_2585 : i32
      %add3A_2588 = arith.constant 49000000 : i32
      %add3A_2589 = vector.broadcast %add3A_2588 : i32 to vector<16xi32>
      %add3A_2590 = arith.addi %get3A_24, %add3A_2589 : vector<16xi32>
      %jit3A_2591 = arith.constant 8 : i32
      %eq3A_2592 = arith.constant 0 : i32
      %eq3A_2593 = arith.cmpi eq, %jit3A_2591, %eq3A_2592 : i32
      %jit3A_2594 = arith.constant 1 : i32
      %select_n3A_2595 = arith.select %eq3A_2593, %jit3A_2594, %jit3A_2591 : i32
      %rem3A_2596 = arith.remsi %scan3A_20, %select_n3A_2595 : i32
      %ne3A_2597 = arith.constant 0 : i32
      %ne3A_2598 = arith.cmpi ne, %rem3A_2596, %ne3A_2597 : i32
      %lt3A_2599 = arith.constant 0 : i32
      %lt3A_2600 = arith.cmpi slt, %rem3A_2596, %lt3A_2599 : i32
      %lt3A_2601 = arith.constant 0 : i32
      %lt3A_2602 = arith.cmpi slt, %select_n3A_2595, %lt3A_2601 : i32
      %ne3A_2603 = arith.xori %lt3A_2600, %lt3A_2602 : i1
      %and3A_2604 = arith.andi %ne3A_2603, %ne3A_2598 : i1
      %add3A_2605 = arith.addi %rem3A_2596, %select_n3A_2595 : i32
      %select_n3A_2606 = arith.select %and3A_2604, %add3A_2605, %rem3A_2596 : i32
      %mul3A_2607 = arith.constant 16 : i32
      %mul3A_2608 = arith.muli %select_n3A_2606, %mul3A_2607 : i32
      %swap3A_2609 = arith.index_cast %add3A_2587 : i32 to index
      %swap3A_2610 = arith.index_cast %mul3A_2608 : i32 to index
      %swap3A_2611 = tpu.vector_load %arg6[%swap3A_2609, %swap3A_2610] {strides = array<i32>} : memref<256x128xi32, #tpu.memory_space<vmem>>, vector<1x16xi32>,
      %swap3A_2612 = vector.shape_cast %swap3A_2611 : vector<1x16xi32> to vector<16xi32>
      %swap3A_2613 = vector.shape_cast %add3A_2590 : vector<16xi32> to vector<1x16xi32>
      tpu.vector_store %arg6[%swap3A_2609, %swap3A_2610], %swap3A_2613 {strides = array<i32>} : memref<256x128xi32, #tpu.memory_space<vmem>>, vector<1x16xi32>,
      %jit3A_2614 = arith.constant 8 : i32
      %div3A_2615 = arith.divsi %scan3A_20, %jit3A_2614 : i32
      %sign3A_2616 = arith.constant 0 : i32
      %sign3A_2617 = arith.cmpi sgt, %scan3A_20, %sign3A_2616 : i32
      %sign3A_2618 = arith.extui %sign3A_2617 : i1 to i32
      %sign3A_2619 = arith.constant 0 : i32
      %sign3A_2620 = arith.cmpi slt, %scan3A_20, %sign3A_2619 : i32
      %sign3A_2621 = arith.extui %sign3A_2620 : i1 to i32
      %sign3A_2622 = arith.subi %sign3A_2618, %sign3A_2621 : i32
      %sign3A_2623 = arith.constant 0 : i32
      %sign3A_2624 = arith.cmpi sgt, %jit3A_2614, %sign3A_2623 : i32
      %sign3A_2625 = arith.extui %sign3A_2624 : i1 to i32
      %sign3A_2626 = arith.constant 0 : i32
      %sign3A_2627 = arith.cmpi slt, %jit3A_2614, %sign3A_2626 : i32
      %sign3A_2628 = arith.extui %sign3A_2627 : i1 to i32
      %sign3A_2629 = arith.subi %sign3A_2625, %sign3A_2628 : i32
      %ne3A_2630 = arith.cmpi ne, %sign3A_2622, %sign3A_2629 : i32
      %rem3A_2631 = arith.remsi %scan3A_20, %jit3A_2614 : i32
      %ne3A_2632 = arith.constant 0 : i32
      %ne3A_2633 = arith.cmpi ne, %rem3A_2631, %ne3A_2632 : i32
      %and3A_2634 = arith.andi %ne3A_2630, %ne3A_2633 : i1
      %sub3A_2635 = arith.constant 1 : i32
      %sub3A_2636 = arith.subi %div3A_2615, %sub3A_2635 : i32
      %select_n3A_2637 = arith.select %and3A_2634, %sub3A_2636, %div3A_2615 : i32
      %add3A_2638 = arith.constant 200 : i32
      %add3A_2639 = arith.addi %add3A_2638, %select_n3A_2637 : i32
      %add3A_2640 = arith.constant 50000000 : i32
      %add3A_2641 = vector.broadcast %add3A_2640 : i32 to vector<16xi32>
      %add3A_2642 = arith.addi %get3A_24, %add3A_2641 : vector<16xi32>
      %jit3A_2643 = arith.constant 8 : i32
      %eq3A_2644 = arith.constant 0 : i32
      %eq3A_2645 = arith.cmpi eq, %jit3A_2643, %eq3A_2644 : i32
      %jit3A_2646 = arith.constant 1 : i32
      %select_n3A_2647 = arith.select %eq3A_2645, %jit3A_2646, %jit3A_2643 : i32
      %rem3A_2648 = arith.remsi %scan3A_20, %select_n3A_2647 : i32
      %ne3A_2649 = arith.constant 0 : i32
      %ne3A_2650 = arith.cmpi ne, %rem3A_2648, %ne3A_2649 : i32
      %lt3A_2651 = arith.constant 0 : i32
      %lt3A_2652 = arith.cmpi slt, %rem3A_2648, %lt3A_2651 : i32
      %lt3A_2653 = arith.constant 0 : i32
      %lt3A_2654 = arith.cmpi slt, %select_n3A_2647, %lt3A_2653 : i32
      %ne3A_2655 = arith.xori %lt3A_2652, %lt3A_2654 : i1
      %and3A_2656 = arith.andi %ne3A_2655, %ne3A_2650 : i1
      %add3A_2657 = arith.addi %rem3A_2648, %select_n3A_2647 : i32
      %select_n3A_2658 = arith.select %and3A_2656, %add3A_2657, %rem3A_2648 : i32
      %mul3A_2659 = arith.constant 16 : i32
      %mul3A_2660 = arith.muli %select_n3A_2658, %mul3A_2659 : i32
      %swap3A_2661 = arith.index_cast %add3A_2639 : i32 to index
      %swap3A_2662 = arith.index_cast %mul3A_2660 : i32 to index
      %swap3A_2663 = tpu.vector_load %arg6[%swap3A_2661, %swap3A_2662] {strides = array<i32>} : memref<256x128xi32, #tpu.memory_space<vmem>>, vector<1x16xi32>,
      %swap3A_2664 = vector.shape_cast %swap3A_2663 : vector<1x16xi32> to vector<16xi32>
      %swap3A_2665 = vector.shape_cast %add3A_2642 : vector<16xi32> to vector<1x16xi32>
      tpu.vector_store %arg6[%swap3A_2661, %swap3A_2662], %swap3A_2665 {strides = array<i32>} : memref<256x128xi32, #tpu.memory_space<vmem>>, vector<1x16xi32>,
      %jit3A_2666 = arith.constant 8 : i32
      %div3A_2667 = arith.divsi %scan3A_20, %jit3A_2666 : i32
      %sign3A_2668 = arith.constant 0 : i32
      %sign3A_2669 = arith.cmpi sgt, %scan3A_20, %sign3A_2668 : i32
      %sign3A_2670 = arith.extui %sign3A_2669 : i1 to i32
      %sign3A_2671 = arith.constant 0 : i32
      %sign3A_2672 = arith.cmpi slt, %scan3A_20, %sign3A_2671 : i32
      %sign3A_2673 = arith.extui %sign3A_2672 : i1 to i32
      %sign3A_2674 = arith.subi %sign3A_2670, %sign3A_2673 : i32
      %sign3A_2675 = arith.constant 0 : i32
      %sign3A_2676 = arith.cmpi sgt, %jit3A_2666, %sign3A_2675 : i32
      %sign3A_2677 = arith.extui %sign3A_2676 : i1 to i32
      %sign3A_2678 = arith.constant 0 : i32
      %sign3A_2679 = arith.cmpi slt, %jit3A_2666, %sign3A_2678 : i32
      %sign3A_2680 = arith.extui %sign3A_2679 : i1 to i32
      %sign3A_2681 = arith.subi %sign3A_2677, %sign3A_2680 : i32
      %ne3A_2682 = arith.cmpi ne, %sign3A_2674, %sign3A_2681 : i32
      %rem3A_2683 = arith.remsi %scan3A_20, %jit3A_2666 : i32
      %ne3A_2684 = arith.constant 0 : i32
      %ne3A_2685 = arith.cmpi ne, %rem3A_2683, %ne3A_2684 : i32
      %and3A_2686 = arith.andi %ne3A_2682, %ne3A_2685 : i1
      %sub3A_2687 = arith.constant 1 : i32
      %sub3A_2688 = arith.subi %div3A_2667, %sub3A_2687 : i32
      %select_n3A_2689 = arith.select %and3A_2686, %sub3A_2688, %div3A_2667 : i32
      %add3A_2690 = arith.constant 204 : i32
      %add3A_2691 = arith.addi %add3A_2690, %select_n3A_2689 : i32
      %add3A_2692 = arith.constant 51000000 : i32
      %add3A_2693 = vector.broadcast %add3A_2692 : i32 to vector<16xi32>
      %add3A_2694 = arith.addi %get3A_24, %add3A_2693 : vector<16xi32>
      %jit3A_2695 = arith.constant 8 : i32
      %eq3A_2696 = arith.constant 0 : i32
      %eq3A_2697 = arith.cmpi eq, %jit3A_2695, %eq3A_2696 : i32
      %jit3A_2698 = arith.constant 1 : i32
      %select_n3A_2699 = arith.select %eq3A_2697, %jit3A_2698, %jit3A_2695 : i32
      %rem3A_2700 = arith.remsi %scan3A_20, %select_n3A_2699 : i32
      %ne3A_2701 = arith.constant 0 : i32
      %ne3A_2702 = arith.cmpi ne, %rem3A_2700, %ne3A_2701 : i32
      %lt3A_2703 = arith.constant 0 : i32
      %lt3A_2704 = arith.cmpi slt, %rem3A_2700, %lt3A_2703 : i32
      %lt3A_2705 = arith.constant 0 : i32
      %lt3A_2706 = arith.cmpi slt, %select_n3A_2699, %lt3A_2705 : i32
      %ne3A_2707 = arith.xori %lt3A_2704, %lt3A_2706 : i1
      %and3A_2708 = arith.andi %ne3A_2707, %ne3A_2702 : i1
      %add3A_2709 = arith.addi %rem3A_2700, %select_n3A_2699 : i32
      %select_n3A_2710 = arith.select %and3A_2708, %add3A_2709, %rem3A_2700 : i32
      %mul3A_2711 = arith.constant 16 : i32
      %mul3A_2712 = arith.muli %select_n3A_2710, %mul3A_2711 : i32
      %swap3A_2713 = arith.index_cast %add3A_2691 : i32 to index
      %swap3A_2714 = arith.index_cast %mul3A_2712 : i32 to index
      %swap3A_2715 = tpu.vector_load %arg6[%swap3A_2713, %swap3A_2714] {strides = array<i32>} : memref<256x128xi32, #tpu.memory_space<vmem>>, vector<1x16xi32>,
      %swap3A_2716 = vector.shape_cast %swap3A_2715 : vector<1x16xi32> to vector<16xi32>
      %swap3A_2717 = vector.shape_cast %add3A_2694 : vector<16xi32> to vector<1x16xi32>
      tpu.vector_store %arg6[%swap3A_2713, %swap3A_2714], %swap3A_2717 {strides = array<i32>} : memref<256x128xi32, #tpu.memory_space<vmem>>, vector<1x16xi32>,
      %jit3A_2718 = arith.constant 8 : i32
      %div3A_2719 = arith.divsi %scan3A_20, %jit3A_2718 : i32
      %sign3A_2720 = arith.constant 0 : i32
      %sign3A_2721 = arith.cmpi sgt, %scan3A_20, %sign3A_2720 : i32
      %sign3A_2722 = arith.extui %sign3A_2721 : i1 to i32
      %sign3A_2723 = arith.constant 0 : i32
      %sign3A_2724 = arith.cmpi slt, %scan3A_20, %sign3A_2723 : i32
      %sign3A_2725 = arith.extui %sign3A_2724 : i1 to i32
      %sign3A_2726 = arith.subi %sign3A_2722, %sign3A_2725 : i32
      %sign3A_2727 = arith.constant 0 : i32
      %sign3A_2728 = arith.cmpi sgt, %jit3A_2718, %sign3A_2727 : i32
      %sign3A_2729 = arith.extui %sign3A_2728 : i1 to i32
      %sign3A_2730 = arith.constant 0 : i32
      %sign3A_2731 = arith.cmpi slt, %jit3A_2718, %sign3A_2730 : i32
      %sign3A_2732 = arith.extui %sign3A_2731 : i1 to i32
      %sign3A_2733 = arith.subi %sign3A_2729, %sign3A_2732 : i32
      %ne3A_2734 = arith.cmpi ne, %sign3A_2726, %sign3A_2733 : i32
      %rem3A_2735 = arith.remsi %scan3A_20, %jit3A_2718 : i32
      %ne3A_2736 = arith.constant 0 : i32
      %ne3A_2737 = arith.cmpi ne, %rem3A_2735, %ne3A_2736 : i32
      %and3A_2738 = arith.andi %ne3A_2734, %ne3A_2737 : i1
      %sub3A_2739 = arith.constant 1 : i32
      %sub3A_2740 = arith.subi %div3A_2719, %sub3A_2739 : i32
      %select_n3A_2741 = arith.select %and3A_2738, %sub3A_2740, %div3A_2719 : i32
      %add3A_2742 = arith.constant 208 : i32
      %add3A_2743 = arith.addi %add3A_2742, %select_n3A_2741 : i32
      %add3A_2744 = arith.constant 52000000 : i32
      %add3A_2745 = vector.broadcast %add3A_2744 : i32 to vector<16xi32>
      %add3A_2746 = arith.addi %get3A_24, %add3A_2745 : vector<16xi32>
      %jit3A_2747 = arith.constant 8 : i32
      %eq3A_2748 = arith.constant 0 : i32
      %eq3A_2749 = arith.cmpi eq, %jit3A_2747, %eq3A_2748 : i32
      %jit3A_2750 = arith.constant 1 : i32
      %select_n3A_2751 = arith.select %eq3A_2749, %jit3A_2750, %jit3A_2747 : i32
      %rem3A_2752 = arith.remsi %scan3A_20, %select_n3A_2751 : i32
      %ne3A_2753 = arith.constant 0 : i32
      %ne3A_2754 = arith.cmpi ne, %rem3A_2752, %ne3A_2753 : i32
      %lt3A_2755 = arith.constant 0 : i32
      %lt3A_2756 = arith.cmpi slt, %rem3A_2752, %lt3A_2755 : i32
      %lt3A_2757 = arith.constant 0 : i32
      %lt3A_2758 = arith.cmpi slt, %select_n3A_2751, %lt3A_2757 : i32
      %ne3A_2759 = arith.xori %lt3A_2756, %lt3A_2758 : i1
      %and3A_2760 = arith.andi %ne3A_2759, %ne3A_2754 : i1
      %add3A_2761 = arith.addi %rem3A_2752, %select_n3A_2751 : i32
      %select_n3A_2762 = arith.select %and3A_2760, %add3A_2761, %rem3A_2752 : i32
      %mul3A_2763 = arith.constant 16 : i32
      %mul3A_2764 = arith.muli %select_n3A_2762, %mul3A_2763 : i32
      %swap3A_2765 = arith.index_cast %add3A_2743 : i32 to index
      %swap3A_2766 = arith.index_cast %mul3A_2764 : i32 to index
      %swap3A_2767 = tpu.vector_load %arg6[%swap3A_2765, %swap3A_2766] {strides = array<i32>} : memref<256x128xi32, #tpu.memory_space<vmem>>, vector<1x16xi32>,
      %swap3A_2768 = vector.shape_cast %swap3A_2767 : vector<1x16xi32> to vector<16xi32>
      %swap3A_2769 = vector.shape_cast %add3A_2746 : vector<16xi32> to vector<1x16xi32>
      tpu.vector_store %arg6[%swap3A_2765, %swap3A_2766], %swap3A_2769 {strides = array<i32>} : memref<256x128xi32, #tpu.memory_space<vmem>>, vector<1x16xi32>,
      %jit3A_2770 = arith.constant 8 : i32
      %div3A_2771 = arith.divsi %scan3A_20, %jit3A_2770 : i32
      %sign3A_2772 = arith.constant 0 : i32
      %sign3A_2773 = arith.cmpi sgt, %scan3A_20, %sign3A_2772 : i32
      %sign3A_2774 = arith.extui %sign3A_2773 : i1 to i32
      %sign3A_2775 = arith.constant 0 : i32
      %sign3A_2776 = arith.cmpi slt, %scan3A_20, %sign3A_2775 : i32
      %sign3A_2777 = arith.extui %sign3A_2776 : i1 to i32
      %sign3A_2778 = arith.subi %sign3A_2774, %sign3A_2777 : i32
      %sign3A_2779 = arith.constant 0 : i32
      %sign3A_2780 = arith.cmpi sgt, %jit3A_2770, %sign3A_2779 : i32
      %sign3A_2781 = arith.extui %sign3A_2780 : i1 to i32
      %sign3A_2782 = arith.constant 0 : i32
      %sign3A_2783 = arith.cmpi slt, %jit3A_2770, %sign3A_2782 : i32
      %sign3A_2784 = arith.extui %sign3A_2783 : i1 to i32
      %sign3A_2785 = arith.subi %sign3A_2781, %sign3A_2784 : i32
      %ne3A_2786 = arith.cmpi ne, %sign3A_2778, %sign3A_2785 : i32
      %rem3A_2787 = arith.remsi %scan3A_20, %jit3A_2770 : i32
      %ne3A_2788 = arith.constant 0 : i32
      %ne3A_2789 = arith.cmpi ne, %rem3A_2787, %ne3A_2788 : i32
      %and3A_2790 = arith.andi %ne3A_2786, %ne3A_2789 : i1
      %sub3A_2791 = arith.constant 1 : i32
      %sub3A_2792 = arith.subi %div3A_2771, %sub3A_2791 : i32
      %select_n3A_2793 = arith.select %and3A_2790, %sub3A_2792, %div3A_2771 : i32
      %add3A_2794 = arith.constant 212 : i32
      %add3A_2795 = arith.addi %add3A_2794, %select_n3A_2793 : i32
      %add3A_2796 = arith.constant 53000000 : i32
      %add3A_2797 = vector.broadcast %add3A_2796 : i32 to vector<16xi32>
      %add3A_2798 = arith.addi %get3A_24, %add3A_2797 : vector<16xi32>
      %jit3A_2799 = arith.constant 8 : i32
      %eq3A_2800 = arith.constant 0 : i32
      %eq3A_2801 = arith.cmpi eq, %jit3A_2799, %eq3A_2800 : i32
      %jit3A_2802 = arith.constant 1 : i32
      %select_n3A_2803 = arith.select %eq3A_2801, %jit3A_2802, %jit3A_2799 : i32
      %rem3A_2804 = arith.remsi %scan3A_20, %select_n3A_2803 : i32
      %ne3A_2805 = arith.constant 0 : i32
      %ne3A_2806 = arith.cmpi ne, %rem3A_2804, %ne3A_2805 : i32
      %lt3A_2807 = arith.constant 0 : i32
      %lt3A_2808 = arith.cmpi slt, %rem3A_2804, %lt3A_2807 : i32
      %lt3A_2809 = arith.constant 0 : i32
      %lt3A_2810 = arith.cmpi slt, %select_n3A_2803, %lt3A_2809 : i32
      %ne3A_2811 = arith.xori %lt3A_2808, %lt3A_2810 : i1
      %and3A_2812 = arith.andi %ne3A_2811, %ne3A_2806 : i1
      %add3A_2813 = arith.addi %rem3A_2804, %select_n3A_2803 : i32
      %select_n3A_2814 = arith.select %and3A_2812, %add3A_2813, %rem3A_2804 : i32
      %mul3A_2815 = arith.constant 16 : i32
      %mul3A_2816 = arith.muli %select_n3A_2814, %mul3A_2815 : i32
      %swap3A_2817 = arith.index_cast %add3A_2795 : i32 to index
      %swap3A_2818 = arith.index_cast %mul3A_2816 : i32 to index
      %swap3A_2819 = tpu.vector_load %arg6[%swap3A_2817, %swap3A_2818] {strides = array<i32>} : memref<256x128xi32, #tpu.memory_space<vmem>>, vector<1x16xi32>,
      %swap3A_2820 = vector.shape_cast %swap3A_2819 : vector<1x16xi32> to vector<16xi32>
      %swap3A_2821 = vector.shape_cast %add3A_2798 : vector<16xi32> to vector<1x16xi32>
      tpu.vector_store %arg6[%swap3A_2817, %swap3A_2818], %swap3A_2821 {strides = array<i32>} : memref<256x128xi32, #tpu.memory_space<vmem>>, vector<1x16xi32>,
      %jit3A_2822 = arith.constant 8 : i32
      %div3A_2823 = arith.divsi %scan3A_20, %jit3A_2822 : i32
      %sign3A_2824 = arith.constant 0 : i32
      %sign3A_2825 = arith.cmpi sgt, %scan3A_20, %sign3A_2824 : i32
      %sign3A_2826 = arith.extui %sign3A_2825 : i1 to i32
      %sign3A_2827 = arith.constant 0 : i32
      %sign3A_2828 = arith.cmpi slt, %scan3A_20, %sign3A_2827 : i32
      %sign3A_2829 = arith.extui %sign3A_2828 : i1 to i32
      %sign3A_2830 = arith.subi %sign3A_2826, %sign3A_2829 : i32
      %sign3A_2831 = arith.constant 0 : i32
      %sign3A_2832 = arith.cmpi sgt, %jit3A_2822, %sign3A_2831 : i32
      %sign3A_2833 = arith.extui %sign3A_2832 : i1 to i32
      %sign3A_2834 = arith.constant 0 : i32
      %sign3A_2835 = arith.cmpi slt, %jit3A_2822, %sign3A_2834 : i32
      %sign3A_2836 = arith.extui %sign3A_2835 : i1 to i32
      %sign3A_2837 = arith.subi %sign3A_2833, %sign3A_2836 : i32
      %ne3A_2838 = arith.cmpi ne, %sign3A_2830, %sign3A_2837 : i32
      %rem3A_2839 = arith.remsi %scan3A_20, %jit3A_2822 : i32
      %ne3A_2840 = arith.constant 0 : i32
      %ne3A_2841 = arith.cmpi ne, %rem3A_2839, %ne3A_2840 : i32
      %and3A_2842 = arith.andi %ne3A_2838, %ne3A_2841 : i1
      %sub3A_2843 = arith.constant 1 : i32
      %sub3A_2844 = arith.subi %div3A_2823, %sub3A_2843 : i32
      %select_n3A_2845 = arith.select %and3A_2842, %sub3A_2844, %div3A_2823 : i32
      %add3A_2846 = arith.constant 216 : i32
      %add3A_2847 = arith.addi %add3A_2846, %select_n3A_2845 : i32
      %add3A_2848 = arith.constant 54000000 : i32
      %add3A_2849 = vector.broadcast %add3A_2848 : i32 to vector<16xi32>
      %add3A_2850 = arith.addi %get3A_24, %add3A_2849 : vector<16xi32>
      %jit3A_2851 = arith.constant 8 : i32
      %eq3A_2852 = arith.constant 0 : i32
      %eq3A_2853 = arith.cmpi eq, %jit3A_2851, %eq3A_2852 : i32
      %jit3A_2854 = arith.constant 1 : i32
      %select_n3A_2855 = arith.select %eq3A_2853, %jit3A_2854, %jit3A_2851 : i32
      %rem3A_2856 = arith.remsi %scan3A_20, %select_n3A_2855 : i32
      %ne3A_2857 = arith.constant 0 : i32
      %ne3A_2858 = arith.cmpi ne, %rem3A_2856, %ne3A_2857 : i32
      %lt3A_2859 = arith.constant 0 : i32
      %lt3A_2860 = arith.cmpi slt, %rem3A_2856, %lt3A_2859 : i32
      %lt3A_2861 = arith.constant 0 : i32
      %lt3A_2862 = arith.cmpi slt, %select_n3A_2855, %lt3A_2861 : i32
      %ne3A_2863 = arith.xori %lt3A_2860, %lt3A_2862 : i1
      %and3A_2864 = arith.andi %ne3A_2863, %ne3A_2858 : i1
      %add3A_2865 = arith.addi %rem3A_2856, %select_n3A_2855 : i32
      %select_n3A_2866 = arith.select %and3A_2864, %add3A_2865, %rem3A_2856 : i32
      %mul3A_2867 = arith.constant 16 : i32
      %mul3A_2868 = arith.muli %select_n3A_2866, %mul3A_2867 : i32
      %swap3A_2869 = arith.index_cast %add3A_2847 : i32 to index
      %swap3A_2870 = arith.index_cast %mul3A_2868 : i32 to index
      %swap3A_2871 = tpu.vector_load %arg6[%swap3A_2869, %swap3A_2870] {strides = array<i32>} : memref<256x128xi32, #tpu.memory_space<vmem>>, vector<1x16xi32>,
      %swap3A_2872 = vector.shape_cast %swap3A_2871 : vector<1x16xi32> to vector<16xi32>
      %swap3A_2873 = vector.shape_cast %add3A_2850 : vector<16xi32> to vector<1x16xi32>
      tpu.vector_store %arg6[%swap3A_2869, %swap3A_2870], %swap3A_2873 {strides = array<i32>} : memref<256x128xi32, #tpu.memory_space<vmem>>, vector<1x16xi32>,
      %jit3A_2874 = arith.constant 8 : i32
      %div3A_2875 = arith.divsi %scan3A_20, %jit3A_2874 : i32
      %sign3A_2876 = arith.constant 0 : i32
      %sign3A_2877 = arith.cmpi sgt, %scan3A_20, %sign3A_2876 : i32
      %sign3A_2878 = arith.extui %sign3A_2877 : i1 to i32
      %sign3A_2879 = arith.constant 0 : i32
      %sign3A_2880 = arith.cmpi slt, %scan3A_20, %sign3A_2879 : i32
      %sign3A_2881 = arith.extui %sign3A_2880 : i1 to i32
      %sign3A_2882 = arith.subi %sign3A_2878, %sign3A_2881 : i32
      %sign3A_2883 = arith.constant 0 : i32
      %sign3A_2884 = arith.cmpi sgt, %jit3A_2874, %sign3A_2883 : i32
      %sign3A_2885 = arith.extui %sign3A_2884 : i1 to i32
      %sign3A_2886 = arith.constant 0 : i32
      %sign3A_2887 = arith.cmpi slt, %jit3A_2874, %sign3A_2886 : i32
      %sign3A_2888 = arith.extui %sign3A_2887 : i1 to i32
      %sign3A_2889 = arith.subi %sign3A_2885, %sign3A_2888 : i32
      %ne3A_2890 = arith.cmpi ne, %sign3A_2882, %sign3A_2889 : i32
      %rem3A_2891 = arith.remsi %scan3A_20, %jit3A_2874 : i32
      %ne3A_2892 = arith.constant 0 : i32
      %ne3A_2893 = arith.cmpi ne, %rem3A_2891, %ne3A_2892 : i32
      %and3A_2894 = arith.andi %ne3A_2890, %ne3A_2893 : i1
      %sub3A_2895 = arith.constant 1 : i32
      %sub3A_2896 = arith.subi %div3A_2875, %sub3A_2895 : i32
      %select_n3A_2897 = arith.select %and3A_2894, %sub3A_2896, %div3A_2875 : i32
      %add3A_2898 = arith.constant 220 : i32
      %add3A_2899 = arith.addi %add3A_2898, %select_n3A_2897 : i32
      %add3A_2900 = arith.constant 55000000 : i32
      %add3A_2901 = vector.broadcast %add3A_2900 : i32 to vector<16xi32>
      %add3A_2902 = arith.addi %get3A_24, %add3A_2901 : vector<16xi32>
      %jit3A_2903 = arith.constant 8 : i32
      %eq3A_2904 = arith.constant 0 : i32
      %eq3A_2905 = arith.cmpi eq, %jit3A_2903, %eq3A_2904 : i32
      %jit3A_2906 = arith.constant 1 : i32
      %select_n3A_2907 = arith.select %eq3A_2905, %jit3A_2906, %jit3A_2903 : i32
      %rem3A_2908 = arith.remsi %scan3A_20, %select_n3A_2907 : i32
      %ne3A_2909 = arith.constant 0 : i32
      %ne3A_2910 = arith.cmpi ne, %rem3A_2908, %ne3A_2909 : i32
      %lt3A_2911 = arith.constant 0 : i32
      %lt3A_2912 = arith.cmpi slt, %rem3A_2908, %lt3A_2911 : i32
      %lt3A_2913 = arith.constant 0 : i32
      %lt3A_2914 = arith.cmpi slt, %select_n3A_2907, %lt3A_2913 : i32
      %ne3A_2915 = arith.xori %lt3A_2912, %lt3A_2914 : i1
      %and3A_2916 = arith.andi %ne3A_2915, %ne3A_2910 : i1
      %add3A_2917 = arith.addi %rem3A_2908, %select_n3A_2907 : i32
      %select_n3A_2918 = arith.select %and3A_2916, %add3A_2917, %rem3A_2908 : i32
      %mul3A_2919 = arith.constant 16 : i32
      %mul3A_2920 = arith.muli %select_n3A_2918, %mul3A_2919 : i32
      %swap3A_2921 = arith.index_cast %add3A_2899 : i32 to index
      %swap3A_2922 = arith.index_cast %mul3A_2920 : i32 to index
      %swap3A_2923 = tpu.vector_load %arg6[%swap3A_2921, %swap3A_2922] {strides = array<i32>} : memref<256x128xi32, #tpu.memory_space<vmem>>, vector<1x16xi32>,
      %swap3A_2924 = vector.shape_cast %swap3A_2923 : vector<1x16xi32> to vector<16xi32>
      %swap3A_2925 = vector.shape_cast %add3A_2902 : vector<16xi32> to vector<1x16xi32>
      tpu.vector_store %arg6[%swap3A_2921, %swap3A_2922], %swap3A_2925 {strides = array<i32>} : memref<256x128xi32, #tpu.memory_space<vmem>>, vector<1x16xi32>,
      %jit3A_2926 = arith.constant 8 : i32
      %div3A_2927 = arith.divsi %scan3A_20, %jit3A_2926 : i32
      %sign3A_2928 = arith.constant 0 : i32
      %sign3A_2929 = arith.cmpi sgt, %scan3A_20, %sign3A_2928 : i32
      %sign3A_2930 = arith.extui %sign3A_2929 : i1 to i32
      %sign3A_2931 = arith.constant 0 : i32
      %sign3A_2932 = arith.cmpi slt, %scan3A_20, %sign3A_2931 : i32
      %sign3A_2933 = arith.extui %sign3A_2932 : i1 to i32
      %sign3A_2934 = arith.subi %sign3A_2930, %sign3A_2933 : i32
      %sign3A_2935 = arith.constant 0 : i32
      %sign3A_2936 = arith.cmpi sgt, %jit3A_2926, %sign3A_2935 : i32
      %sign3A_2937 = arith.extui %sign3A_2936 : i1 to i32
      %sign3A_2938 = arith.constant 0 : i32
      %sign3A_2939 = arith.cmpi slt, %jit3A_2926, %sign3A_2938 : i32
      %sign3A_2940 = arith.extui %sign3A_2939 : i1 to i32
      %sign3A_2941 = arith.subi %sign3A_2937, %sign3A_2940 : i32
      %ne3A_2942 = arith.cmpi ne, %sign3A_2934, %sign3A_2941 : i32
      %rem3A_2943 = arith.remsi %scan3A_20, %jit3A_2926 : i32
      %ne3A_2944 = arith.constant 0 : i32
      %ne3A_2945 = arith.cmpi ne, %rem3A_2943, %ne3A_2944 : i32
      %and3A_2946 = arith.andi %ne3A_2942, %ne3A_2945 : i1
      %sub3A_2947 = arith.constant 1 : i32
      %sub3A_2948 = arith.subi %div3A_2927, %sub3A_2947 : i32
      %select_n3A_2949 = arith.select %and3A_2946, %sub3A_2948, %div3A_2927 : i32
      %add3A_2950 = arith.constant 224 : i32
      %add3A_2951 = arith.addi %add3A_2950, %select_n3A_2949 : i32
      %add3A_2952 = arith.constant 56000000 : i32
      %add3A_2953 = vector.broadcast %add3A_2952 : i32 to vector<16xi32>
      %add3A_2954 = arith.addi %get3A_24, %add3A_2953 : vector<16xi32>
      %jit3A_2955 = arith.constant 8 : i32
      %eq3A_2956 = arith.constant 0 : i32
      %eq3A_2957 = arith.cmpi eq, %jit3A_2955, %eq3A_2956 : i32
      %jit3A_2958 = arith.constant 1 : i32
      %select_n3A_2959 = arith.select %eq3A_2957, %jit3A_2958, %jit3A_2955 : i32
      %rem3A_2960 = arith.remsi %scan3A_20, %select_n3A_2959 : i32
      %ne3A_2961 = arith.constant 0 : i32
      %ne3A_2962 = arith.cmpi ne, %rem3A_2960, %ne3A_2961 : i32
      %lt3A_2963 = arith.constant 0 : i32
      %lt3A_2964 = arith.cmpi slt, %rem3A_2960, %lt3A_2963 : i32
      %lt3A_2965 = arith.constant 0 : i32
      %lt3A_2966 = arith.cmpi slt, %select_n3A_2959, %lt3A_2965 : i32
      %ne3A_2967 = arith.xori %lt3A_2964, %lt3A_2966 : i1
      %and3A_2968 = arith.andi %ne3A_2967, %ne3A_2962 : i1
      %add3A_2969 = arith.addi %rem3A_2960, %select_n3A_2959 : i32
      %select_n3A_2970 = arith.select %and3A_2968, %add3A_2969, %rem3A_2960 : i32
      %mul3A_2971 = arith.constant 16 : i32
      %mul3A_2972 = arith.muli %select_n3A_2970, %mul3A_2971 : i32
      %swap3A_2973 = arith.index_cast %add3A_2951 : i32 to index
      %swap3A_2974 = arith.index_cast %mul3A_2972 : i32 to index
      %swap3A_2975 = tpu.vector_load %arg6[%swap3A_2973, %swap3A_2974] {strides = array<i32>} : memref<256x128xi32, #tpu.memory_space<vmem>>, vector<1x16xi32>,
      %swap3A_2976 = vector.shape_cast %swap3A_2975 : vector<1x16xi32> to vector<16xi32>
      %swap3A_2977 = vector.shape_cast %add3A_2954 : vector<16xi32> to vector<1x16xi32>
      tpu.vector_store %arg6[%swap3A_2973, %swap3A_2974], %swap3A_2977 {strides = array<i32>} : memref<256x128xi32, #tpu.memory_space<vmem>>, vector<1x16xi32>,
      %jit3A_2978 = arith.constant 8 : i32
      %div3A_2979 = arith.divsi %scan3A_20, %jit3A_2978 : i32
      %sign3A_2980 = arith.constant 0 : i32
      %sign3A_2981 = arith.cmpi sgt, %scan3A_20, %sign3A_2980 : i32
      %sign3A_2982 = arith.extui %sign3A_2981 : i1 to i32
      %sign3A_2983 = arith.constant 0 : i32
      %sign3A_2984 = arith.cmpi slt, %scan3A_20, %sign3A_2983 : i32
      %sign3A_2985 = arith.extui %sign3A_2984 : i1 to i32
      %sign3A_2986 = arith.subi %sign3A_2982, %sign3A_2985 : i32
      %sign3A_2987 = arith.constant 0 : i32
      %sign3A_2988 = arith.cmpi sgt, %jit3A_2978, %sign3A_2987 : i32
      %sign3A_2989 = arith.extui %sign3A_2988 : i1 to i32
      %sign3A_2990 = arith.constant 0 : i32
      %sign3A_2991 = arith.cmpi slt, %jit3A_2978, %sign3A_2990 : i32
      %sign3A_2992 = arith.extui %sign3A_2991 : i1 to i32
      %sign3A_2993 = arith.subi %sign3A_2989, %sign3A_2992 : i32
      %ne3A_2994 = arith.cmpi ne, %sign3A_2986, %sign3A_2993 : i32
      %rem3A_2995 = arith.remsi %scan3A_20, %jit3A_2978 : i32
      %ne3A_2996 = arith.constant 0 : i32
      %ne3A_2997 = arith.cmpi ne, %rem3A_2995, %ne3A_2996 : i32
      %and3A_2998 = arith.andi %ne3A_2994, %ne3A_2997 : i1
      %sub3A_2999 = arith.constant 1 : i32
      %sub3A_3000 = arith.subi %div3A_2979, %sub3A_2999 : i32
      %select_n3A_3001 = arith.select %and3A_2998, %sub3A_3000, %div3A_2979 : i32
      %add3A_3002 = arith.constant 228 : i32
      %add3A_3003 = arith.addi %add3A_3002, %select_n3A_3001 : i32
      %add3A_3004 = arith.constant 57000000 : i32
      %add3A_3005 = vector.broadcast %add3A_3004 : i32 to vector<16xi32>
      %add3A_3006 = arith.addi %get3A_24, %add3A_3005 : vector<16xi32>
      %jit3A_3007 = arith.constant 8 : i32
      %eq3A_3008 = arith.constant 0 : i32
      %eq3A_3009 = arith.cmpi eq, %jit3A_3007, %eq3A_3008 : i32
      %jit3A_3010 = arith.constant 1 : i32
      %select_n3A_3011 = arith.select %eq3A_3009, %jit3A_3010, %jit3A_3007 : i32
      %rem3A_3012 = arith.remsi %scan3A_20, %select_n3A_3011 : i32
      %ne3A_3013 = arith.constant 0 : i32
      %ne3A_3014 = arith.cmpi ne, %rem3A_3012, %ne3A_3013 : i32
      %lt3A_3015 = arith.constant 0 : i32
      %lt3A_3016 = arith.cmpi slt, %rem3A_3012, %lt3A_3015 : i32
      %lt3A_3017 = arith.constant 0 : i32
      %lt3A_3018 = arith.cmpi slt, %select_n3A_3011, %lt3A_3017 : i32
      %ne3A_3019 = arith.xori %lt3A_3016, %lt3A_3018 : i1
      %and3A_3020 = arith.andi %ne3A_3019, %ne3A_3014 : i1
      %add3A_3021 = arith.addi %rem3A_3012, %select_n3A_3011 : i32
      %select_n3A_3022 = arith.select %and3A_3020, %add3A_3021, %rem3A_3012 : i32
      %mul3A_3023 = arith.constant 16 : i32
      %mul3A_3024 = arith.muli %select_n3A_3022, %mul3A_3023 : i32
      %swap3A_3025 = arith.index_cast %add3A_3003 : i32 to index
      %swap3A_3026 = arith.index_cast %mul3A_3024 : i32 to index
      %swap3A_3027 = tpu.vector_load %arg6[%swap3A_3025, %swap3A_3026] {strides = array<i32>} : memref<256x128xi32, #tpu.memory_space<vmem>>, vector<1x16xi32>,
      %swap3A_3028 = vector.shape_cast %swap3A_3027 : vector<1x16xi32> to vector<16xi32>
      %swap3A_3029 = vector.shape_cast %add3A_3006 : vector<16xi32> to vector<1x16xi32>
      tpu.vector_store %arg6[%swap3A_3025, %swap3A_3026], %swap3A_3029 {strides = array<i32>} : memref<256x128xi32, #tpu.memory_space<vmem>>, vector<1x16xi32>,
      %jit3A_3030 = arith.constant 8 : i32
      %div3A_3031 = arith.divsi %scan3A_20, %jit3A_3030 : i32
      %sign3A_3032 = arith.constant 0 : i32
      %sign3A_3033 = arith.cmpi sgt, %scan3A_20, %sign3A_3032 : i32
      %sign3A_3034 = arith.extui %sign3A_3033 : i1 to i32
      %sign3A_3035 = arith.constant 0 : i32
      %sign3A_3036 = arith.cmpi slt, %scan3A_20, %sign3A_3035 : i32
      %sign3A_3037 = arith.extui %sign3A_3036 : i1 to i32
      %sign3A_3038 = arith.subi %sign3A_3034, %sign3A_3037 : i32
      %sign3A_3039 = arith.constant 0 : i32
      %sign3A_3040 = arith.cmpi sgt, %jit3A_3030, %sign3A_3039 : i32
      %sign3A_3041 = arith.extui %sign3A_3040 : i1 to i32
      %sign3A_3042 = arith.constant 0 : i32
      %sign3A_3043 = arith.cmpi slt, %jit3A_3030, %sign3A_3042 : i32
      %sign3A_3044 = arith.extui %sign3A_3043 : i1 to i32
      %sign3A_3045 = arith.subi %sign3A_3041, %sign3A_3044 : i32
      %ne3A_3046 = arith.cmpi ne, %sign3A_3038, %sign3A_3045 : i32
      %rem3A_3047 = arith.remsi %scan3A_20, %jit3A_3030 : i32
      %ne3A_3048 = arith.constant 0 : i32
      %ne3A_3049 = arith.cmpi ne, %rem3A_3047, %ne3A_3048 : i32
      %and3A_3050 = arith.andi %ne3A_3046, %ne3A_3049 : i1
      %sub3A_3051 = arith.constant 1 : i32
      %sub3A_3052 = arith.subi %div3A_3031, %sub3A_3051 : i32
      %select_n3A_3053 = arith.select %and3A_3050, %sub3A_3052, %div3A_3031 : i32
      %add3A_3054 = arith.constant 232 : i32
      %add3A_3055 = arith.addi %add3A_3054, %select_n3A_3053 : i32
      %add3A_3056 = arith.constant 58000000 : i32
      %add3A_3057 = vector.broadcast %add3A_3056 : i32 to vector<16xi32>
      %add3A_3058 = arith.addi %get3A_24, %add3A_3057 : vector<16xi32>
      %jit3A_3059 = arith.constant 8 : i32
      %eq3A_3060 = arith.constant 0 : i32
      %eq3A_3061 = arith.cmpi eq, %jit3A_3059, %eq3A_3060 : i32
      %jit3A_3062 = arith.constant 1 : i32
      %select_n3A_3063 = arith.select %eq3A_3061, %jit3A_3062, %jit3A_3059 : i32
      %rem3A_3064 = arith.remsi %scan3A_20, %select_n3A_3063 : i32
      %ne3A_3065 = arith.constant 0 : i32
      %ne3A_3066 = arith.cmpi ne, %rem3A_3064, %ne3A_3065 : i32
      %lt3A_3067 = arith.constant 0 : i32
      %lt3A_3068 = arith.cmpi slt, %rem3A_3064, %lt3A_3067 : i32
      %lt3A_3069 = arith.constant 0 : i32
      %lt3A_3070 = arith.cmpi slt, %select_n3A_3063, %lt3A_3069 : i32
      %ne3A_3071 = arith.xori %lt3A_3068, %lt3A_3070 : i1
      %and3A_3072 = arith.andi %ne3A_3071, %ne3A_3066 : i1
      %add3A_3073 = arith.addi %rem3A_3064, %select_n3A_3063 : i32
      %select_n3A_3074 = arith.select %and3A_3072, %add3A_3073, %rem3A_3064 : i32
      %mul3A_3075 = arith.constant 16 : i32
      %mul3A_3076 = arith.muli %select_n3A_3074, %mul3A_3075 : i32
      %swap3A_3077 = arith.index_cast %add3A_3055 : i32 to index
      %swap3A_3078 = arith.index_cast %mul3A_3076 : i32 to index
      %swap3A_3079 = tpu.vector_load %arg6[%swap3A_3077, %swap3A_3078] {strides = array<i32>} : memref<256x128xi32, #tpu.memory_space<vmem>>, vector<1x16xi32>,
      %swap3A_3080 = vector.shape_cast %swap3A_3079 : vector<1x16xi32> to vector<16xi32>
      %swap3A_3081 = vector.shape_cast %add3A_3058 : vector<16xi32> to vector<1x16xi32>
      tpu.vector_store %arg6[%swap3A_3077, %swap3A_3078], %swap3A_3081 {strides = array<i32>} : memref<256x128xi32, #tpu.memory_space<vmem>>, vector<1x16xi32>,
      %jit3A_3082 = arith.constant 8 : i32
      %div3A_3083 = arith.divsi %scan3A_20, %jit3A_3082 : i32
      %sign3A_3084 = arith.constant 0 : i32
      %sign3A_3085 = arith.cmpi sgt, %scan3A_20, %sign3A_3084 : i32
      %sign3A_3086 = arith.extui %sign3A_3085 : i1 to i32
      %sign3A_3087 = arith.constant 0 : i32
      %sign3A_3088 = arith.cmpi slt, %scan3A_20, %sign3A_3087 : i32
      %sign3A_3089 = arith.extui %sign3A_3088 : i1 to i32
      %sign3A_3090 = arith.subi %sign3A_3086, %sign3A_3089 : i32
      %sign3A_3091 = arith.constant 0 : i32
      %sign3A_3092 = arith.cmpi sgt, %jit3A_3082, %sign3A_3091 : i32
      %sign3A_3093 = arith.extui %sign3A_3092 : i1 to i32
      %sign3A_3094 = arith.constant 0 : i32
      %sign3A_3095 = arith.cmpi slt, %jit3A_3082, %sign3A_3094 : i32
      %sign3A_3096 = arith.extui %sign3A_3095 : i1 to i32
      %sign3A_3097 = arith.subi %sign3A_3093, %sign3A_3096 : i32
      %ne3A_3098 = arith.cmpi ne, %sign3A_3090, %sign3A_3097 : i32
      %rem3A_3099 = arith.remsi %scan3A_20, %jit3A_3082 : i32
      %ne3A_3100 = arith.constant 0 : i32
      %ne3A_3101 = arith.cmpi ne, %rem3A_3099, %ne3A_3100 : i32
      %and3A_3102 = arith.andi %ne3A_3098, %ne3A_3101 : i1
      %sub3A_3103 = arith.constant 1 : i32
      %sub3A_3104 = arith.subi %div3A_3083, %sub3A_3103 : i32
      %select_n3A_3105 = arith.select %and3A_3102, %sub3A_3104, %div3A_3083 : i32
      %add3A_3106 = arith.constant 236 : i32
      %add3A_3107 = arith.addi %add3A_3106, %select_n3A_3105 : i32
      %add3A_3108 = arith.constant 59000000 : i32
      %add3A_3109 = vector.broadcast %add3A_3108 : i32 to vector<16xi32>
      %add3A_3110 = arith.addi %get3A_24, %add3A_3109 : vector<16xi32>
      %jit3A_3111 = arith.constant 8 : i32
      %eq3A_3112 = arith.constant 0 : i32
      %eq3A_3113 = arith.cmpi eq, %jit3A_3111, %eq3A_3112 : i32
      %jit3A_3114 = arith.constant 1 : i32
      %select_n3A_3115 = arith.select %eq3A_3113, %jit3A_3114, %jit3A_3111 : i32
      %rem3A_3116 = arith.remsi %scan3A_20, %select_n3A_3115 : i32
      %ne3A_3117 = arith.constant 0 : i32
      %ne3A_3118 = arith.cmpi ne, %rem3A_3116, %ne3A_3117 : i32
      %lt3A_3119 = arith.constant 0 : i32
      %lt3A_3120 = arith.cmpi slt, %rem3A_3116, %lt3A_3119 : i32
      %lt3A_3121 = arith.constant 0 : i32
      %lt3A_3122 = arith.cmpi slt, %select_n3A_3115, %lt3A_3121 : i32
      %ne3A_3123 = arith.xori %lt3A_3120, %lt3A_3122 : i1
      %and3A_3124 = arith.andi %ne3A_3123, %ne3A_3118 : i1
      %add3A_3125 = arith.addi %rem3A_3116, %select_n3A_3115 : i32
      %select_n3A_3126 = arith.select %and3A_3124, %add3A_3125, %rem3A_3116 : i32
      %mul3A_3127 = arith.constant 16 : i32
      %mul3A_3128 = arith.muli %select_n3A_3126, %mul3A_3127 : i32
      %swap3A_3129 = arith.index_cast %add3A_3107 : i32 to index
      %swap3A_3130 = arith.index_cast %mul3A_3128 : i32 to index
      %swap3A_3131 = tpu.vector_load %arg6[%swap3A_3129, %swap3A_3130] {strides = array<i32>} : memref<256x128xi32, #tpu.memory_space<vmem>>, vector<1x16xi32>,
      %swap3A_3132 = vector.shape_cast %swap3A_3131 : vector<1x16xi32> to vector<16xi32>
      %swap3A_3133 = vector.shape_cast %add3A_3110 : vector<16xi32> to vector<1x16xi32>
      tpu.vector_store %arg6[%swap3A_3129, %swap3A_3130], %swap3A_3133 {strides = array<i32>} : memref<256x128xi32, #tpu.memory_space<vmem>>, vector<1x16xi32>,
      %jit3A_3134 = arith.constant 8 : i32
      %div3A_3135 = arith.divsi %scan3A_20, %jit3A_3134 : i32
      %sign3A_3136 = arith.constant 0 : i32
      %sign3A_3137 = arith.cmpi sgt, %scan3A_20, %sign3A_3136 : i32
      %sign3A_3138 = arith.extui %sign3A_3137 : i1 to i32
      %sign3A_3139 = arith.constant 0 : i32
      %sign3A_3140 = arith.cmpi slt, %scan3A_20, %sign3A_3139 : i32
      %sign3A_3141 = arith.extui %sign3A_3140 : i1 to i32
      %sign3A_3142 = arith.subi %sign3A_3138, %sign3A_3141 : i32
      %sign3A_3143 = arith.constant 0 : i32
      %sign3A_3144 = arith.cmpi sgt, %jit3A_3134, %sign3A_3143 : i32
      %sign3A_3145 = arith.extui %sign3A_3144 : i1 to i32
      %sign3A_3146 = arith.constant 0 : i32
      %sign3A_3147 = arith.cmpi slt, %jit3A_3134, %sign3A_3146 : i32
      %sign3A_3148 = arith.extui %sign3A_3147 : i1 to i32
      %sign3A_3149 = arith.subi %sign3A_3145, %sign3A_3148 : i32
      %ne3A_3150 = arith.cmpi ne, %sign3A_3142, %sign3A_3149 : i32
      %rem3A_3151 = arith.remsi %scan3A_20, %jit3A_3134 : i32
      %ne3A_3152 = arith.constant 0 : i32
      %ne3A_3153 = arith.cmpi ne, %rem3A_3151, %ne3A_3152 : i32
      %and3A_3154 = arith.andi %ne3A_3150, %ne3A_3153 : i1
      %sub3A_3155 = arith.constant 1 : i32
      %sub3A_3156 = arith.subi %div3A_3135, %sub3A_3155 : i32
      %select_n3A_3157 = arith.select %and3A_3154, %sub3A_3156, %div3A_3135 : i32
      %add3A_3158 = arith.constant 240 : i32
      %add3A_3159 = arith.addi %add3A_3158, %select_n3A_3157 : i32
      %add3A_3160 = arith.constant 60000000 : i32
      %add3A_3161 = vector.broadcast %add3A_3160 : i32 to vector<16xi32>
      %add3A_3162 = arith.addi %get3A_24, %add3A_3161 : vector<16xi32>
      %jit3A_3163 = arith.constant 8 : i32
      %eq3A_3164 = arith.constant 0 : i32
      %eq3A_3165 = arith.cmpi eq, %jit3A_3163, %eq3A_3164 : i32
      %jit3A_3166 = arith.constant 1 : i32
      %select_n3A_3167 = arith.select %eq3A_3165, %jit3A_3166, %jit3A_3163 : i32
      %rem3A_3168 = arith.remsi %scan3A_20, %select_n3A_3167 : i32
      %ne3A_3169 = arith.constant 0 : i32
      %ne3A_3170 = arith.cmpi ne, %rem3A_3168, %ne3A_3169 : i32
      %lt3A_3171 = arith.constant 0 : i32
      %lt3A_3172 = arith.cmpi slt, %rem3A_3168, %lt3A_3171 : i32
      %lt3A_3173 = arith.constant 0 : i32
      %lt3A_3174 = arith.cmpi slt, %select_n3A_3167, %lt3A_3173 : i32
      %ne3A_3175 = arith.xori %lt3A_3172, %lt3A_3174 : i1
      %and3A_3176 = arith.andi %ne3A_3175, %ne3A_3170 : i1
      %add3A_3177 = arith.addi %rem3A_3168, %select_n3A_3167 : i32
      %select_n3A_3178 = arith.select %and3A_3176, %add3A_3177, %rem3A_3168 : i32
      %mul3A_3179 = arith.constant 16 : i32
      %mul3A_3180 = arith.muli %select_n3A_3178, %mul3A_3179 : i32
      %swap3A_3181 = arith.index_cast %add3A_3159 : i32 to index
      %swap3A_3182 = arith.index_cast %mul3A_3180 : i32 to index
      %swap3A_3183 = tpu.vector_load %arg6[%swap3A_3181, %swap3A_3182] {strides = array<i32>} : memref<256x128xi32, #tpu.memory_space<vmem>>, vector<1x16xi32>,
      %swap3A_3184 = vector.shape_cast %swap3A_3183 : vector<1x16xi32> to vector<16xi32>
      %swap3A_3185 = vector.shape_cast %add3A_3162 : vector<16xi32> to vector<1x16xi32>
      tpu.vector_store %arg6[%swap3A_3181, %swap3A_3182], %swap3A_3185 {strides = array<i32>} : memref<256x128xi32, #tpu.memory_space<vmem>>, vector<1x16xi32>,
      %jit3A_3186 = arith.constant 8 : i32
      %div3A_3187 = arith.divsi %scan3A_20, %jit3A_3186 : i32
      %sign3A_3188 = arith.constant 0 : i32
      %sign3A_3189 = arith.cmpi sgt, %scan3A_20, %sign3A_3188 : i32
      %sign3A_3190 = arith.extui %sign3A_3189 : i1 to i32
      %sign3A_3191 = arith.constant 0 : i32
      %sign3A_3192 = arith.cmpi slt, %scan3A_20, %sign3A_3191 : i32
      %sign3A_3193 = arith.extui %sign3A_3192 : i1 to i32
      %sign3A_3194 = arith.subi %sign3A_3190, %sign3A_3193 : i32
      %sign3A_3195 = arith.constant 0 : i32
      %sign3A_3196 = arith.cmpi sgt, %jit3A_3186, %sign3A_3195 : i32
      %sign3A_3197 = arith.extui %sign3A_3196 : i1 to i32
      %sign3A_3198 = arith.constant 0 : i32
      %sign3A_3199 = arith.cmpi slt, %jit3A_3186, %sign3A_3198 : i32
      %sign3A_3200 = arith.extui %sign3A_3199 : i1 to i32
      %sign3A_3201 = arith.subi %sign3A_3197, %sign3A_3200 : i32
      %ne3A_3202 = arith.cmpi ne, %sign3A_3194, %sign3A_3201 : i32
      %rem3A_3203 = arith.remsi %scan3A_20, %jit3A_3186 : i32
      %ne3A_3204 = arith.constant 0 : i32
      %ne3A_3205 = arith.cmpi ne, %rem3A_3203, %ne3A_3204 : i32
      %and3A_3206 = arith.andi %ne3A_3202, %ne3A_3205 : i1
      %sub3A_3207 = arith.constant 1 : i32
      %sub3A_3208 = arith.subi %div3A_3187, %sub3A_3207 : i32
      %select_n3A_3209 = arith.select %and3A_3206, %sub3A_3208, %div3A_3187 : i32
      %add3A_3210 = arith.constant 244 : i32
      %add3A_3211 = arith.addi %add3A_3210, %select_n3A_3209 : i32
      %add3A_3212 = arith.constant 61000000 : i32
      %add3A_3213 = vector.broadcast %add3A_3212 : i32 to vector<16xi32>
      %add3A_3214 = arith.addi %get3A_24, %add3A_3213 : vector<16xi32>
      %jit3A_3215 = arith.constant 8 : i32
      %eq3A_3216 = arith.constant 0 : i32
      %eq3A_3217 = arith.cmpi eq, %jit3A_3215, %eq3A_3216 : i32
      %jit3A_3218 = arith.constant 1 : i32
      %select_n3A_3219 = arith.select %eq3A_3217, %jit3A_3218, %jit3A_3215 : i32
      %rem3A_3220 = arith.remsi %scan3A_20, %select_n3A_3219 : i32
      %ne3A_3221 = arith.constant 0 : i32
      %ne3A_3222 = arith.cmpi ne, %rem3A_3220, %ne3A_3221 : i32
      %lt3A_3223 = arith.constant 0 : i32
      %lt3A_3224 = arith.cmpi slt, %rem3A_3220, %lt3A_3223 : i32
      %lt3A_3225 = arith.constant 0 : i32
      %lt3A_3226 = arith.cmpi slt, %select_n3A_3219, %lt3A_3225 : i32
      %ne3A_3227 = arith.xori %lt3A_3224, %lt3A_3226 : i1
      %and3A_3228 = arith.andi %ne3A_3227, %ne3A_3222 : i1
      %add3A_3229 = arith.addi %rem3A_3220, %select_n3A_3219 : i32
      %select_n3A_3230 = arith.select %and3A_3228, %add3A_3229, %rem3A_3220 : i32
      %mul3A_3231 = arith.constant 16 : i32
      %mul3A_3232 = arith.muli %select_n3A_3230, %mul3A_3231 : i32
      %swap3A_3233 = arith.index_cast %add3A_3211 : i32 to index
      %swap3A_3234 = arith.index_cast %mul3A_3232 : i32 to index
      %swap3A_3235 = tpu.vector_load %arg6[%swap3A_3233, %swap3A_3234] {strides = array<i32>} : memref<256x128xi32, #tpu.memory_space<vmem>>, vector<1x16xi32>,
      %swap3A_3236 = vector.shape_cast %swap3A_3235 : vector<1x16xi32> to vector<16xi32>
      %swap3A_3237 = vector.shape_cast %add3A_3214 : vector<16xi32> to vector<1x16xi32>
      tpu.vector_store %arg6[%swap3A_3233, %swap3A_3234], %swap3A_3237 {strides = array<i32>} : memref<256x128xi32, #tpu.memory_space<vmem>>, vector<1x16xi32>,
      %jit3A_3238 = arith.constant 8 : i32
      %div3A_3239 = arith.divsi %scan3A_20, %jit3A_3238 : i32
      %sign3A_3240 = arith.constant 0 : i32
      %sign3A_3241 = arith.cmpi sgt, %scan3A_20, %sign3A_3240 : i32
      %sign3A_3242 = arith.extui %sign3A_3241 : i1 to i32
      %sign3A_3243 = arith.constant 0 : i32
      %sign3A_3244 = arith.cmpi slt, %scan3A_20, %sign3A_3243 : i32
      %sign3A_3245 = arith.extui %sign3A_3244 : i1 to i32
      %sign3A_3246 = arith.subi %sign3A_3242, %sign3A_3245 : i32
      %sign3A_3247 = arith.constant 0 : i32
      %sign3A_3248 = arith.cmpi sgt, %jit3A_3238, %sign3A_3247 : i32
      %sign3A_3249 = arith.extui %sign3A_3248 : i1 to i32
      %sign3A_3250 = arith.constant 0 : i32
      %sign3A_3251 = arith.cmpi slt, %jit3A_3238, %sign3A_3250 : i32
      %sign3A_3252 = arith.extui %sign3A_3251 : i1 to i32
      %sign3A_3253 = arith.subi %sign3A_3249, %sign3A_3252 : i32
      %ne3A_3254 = arith.cmpi ne, %sign3A_3246, %sign3A_3253 : i32
      %rem3A_3255 = arith.remsi %scan3A_20, %jit3A_3238 : i32
      %ne3A_3256 = arith.constant 0 : i32
      %ne3A_3257 = arith.cmpi ne, %rem3A_3255, %ne3A_3256 : i32
      %and3A_3258 = arith.andi %ne3A_3254, %ne3A_3257 : i1
      %sub3A_3259 = arith.constant 1 : i32
      %sub3A_3260 = arith.subi %div3A_3239, %sub3A_3259 : i32
      %select_n3A_3261 = arith.select %and3A_3258, %sub3A_3260, %div3A_3239 : i32
      %add3A_3262 = arith.constant 248 : i32
      %add3A_3263 = arith.addi %add3A_3262, %select_n3A_3261 : i32
      %add3A_3264 = arith.constant 62000000 : i32
      %add3A_3265 = vector.broadcast %add3A_3264 : i32 to vector<16xi32>
      %add3A_3266 = arith.addi %get3A_24, %add3A_3265 : vector<16xi32>
      %jit3A_3267 = arith.constant 8 : i32
      %eq3A_3268 = arith.constant 0 : i32
      %eq3A_3269 = arith.cmpi eq, %jit3A_3267, %eq3A_3268 : i32
      %jit3A_3270 = arith.constant 1 : i32
      %select_n3A_3271 = arith.select %eq3A_3269, %jit3A_3270, %jit3A_3267 : i32
      %rem3A_3272 = arith.remsi %scan3A_20, %select_n3A_3271 : i32
      %ne3A_3273 = arith.constant 0 : i32
      %ne3A_3274 = arith.cmpi ne, %rem3A_3272, %ne3A_3273 : i32
      %lt3A_3275 = arith.constant 0 : i32
      %lt3A_3276 = arith.cmpi slt, %rem3A_3272, %lt3A_3275 : i32
      %lt3A_3277 = arith.constant 0 : i32
      %lt3A_3278 = arith.cmpi slt, %select_n3A_3271, %lt3A_3277 : i32
      %ne3A_3279 = arith.xori %lt3A_3276, %lt3A_3278 : i1
      %and3A_3280 = arith.andi %ne3A_3279, %ne3A_3274 : i1
      %add3A_3281 = arith.addi %rem3A_3272, %select_n3A_3271 : i32
      %select_n3A_3282 = arith.select %and3A_3280, %add3A_3281, %rem3A_3272 : i32
      %mul3A_3283 = arith.constant 16 : i32
      %mul3A_3284 = arith.muli %select_n3A_3282, %mul3A_3283 : i32
      %swap3A_3285 = arith.index_cast %add3A_3263 : i32 to index
      %swap3A_3286 = arith.index_cast %mul3A_3284 : i32 to index
      %swap3A_3287 = tpu.vector_load %arg6[%swap3A_3285, %swap3A_3286] {strides = array<i32>} : memref<256x128xi32, #tpu.memory_space<vmem>>, vector<1x16xi32>,
      %swap3A_3288 = vector.shape_cast %swap3A_3287 : vector<1x16xi32> to vector<16xi32>
      %swap3A_3289 = vector.shape_cast %add3A_3266 : vector<16xi32> to vector<1x16xi32>
      tpu.vector_store %arg6[%swap3A_3285, %swap3A_3286], %swap3A_3289 {strides = array<i32>} : memref<256x128xi32, #tpu.memory_space<vmem>>, vector<1x16xi32>,
      %jit3A_3290 = arith.constant 8 : i32
      %div3A_3291 = arith.divsi %scan3A_20, %jit3A_3290 : i32
      %sign3A_3292 = arith.constant 0 : i32
      %sign3A_3293 = arith.cmpi sgt, %scan3A_20, %sign3A_3292 : i32
      %sign3A_3294 = arith.extui %sign3A_3293 : i1 to i32
      %sign3A_3295 = arith.constant 0 : i32
      %sign3A_3296 = arith.cmpi slt, %scan3A_20, %sign3A_3295 : i32
      %sign3A_3297 = arith.extui %sign3A_3296 : i1 to i32
      %sign3A_3298 = arith.subi %sign3A_3294, %sign3A_3297 : i32
      %sign3A_3299 = arith.constant 0 : i32
      %sign3A_3300 = arith.cmpi sgt, %jit3A_3290, %sign3A_3299 : i32
      %sign3A_3301 = arith.extui %sign3A_3300 : i1 to i32
      %sign3A_3302 = arith.constant 0 : i32
      %sign3A_3303 = arith.cmpi slt, %jit3A_3290, %sign3A_3302 : i32
      %sign3A_3304 = arith.extui %sign3A_3303 : i1 to i32
      %sign3A_3305 = arith.subi %sign3A_3301, %sign3A_3304 : i32
      %ne3A_3306 = arith.cmpi ne, %sign3A_3298, %sign3A_3305 : i32
      %rem3A_3307 = arith.remsi %scan3A_20, %jit3A_3290 : i32
      %ne3A_3308 = arith.constant 0 : i32
      %ne3A_3309 = arith.cmpi ne, %rem3A_3307, %ne3A_3308 : i32
      %and3A_3310 = arith.andi %ne3A_3306, %ne3A_3309 : i1
      %sub3A_3311 = arith.constant 1 : i32
      %sub3A_3312 = arith.subi %div3A_3291, %sub3A_3311 : i32
      %select_n3A_3313 = arith.select %and3A_3310, %sub3A_3312, %div3A_3291 : i32
      %add3A_3314 = arith.constant 252 : i32
      %add3A_3315 = arith.addi %add3A_3314, %select_n3A_3313 : i32
      %add3A_3316 = arith.constant 63000000 : i32
      %add3A_3317 = vector.broadcast %add3A_3316 : i32 to vector<16xi32>
      %add3A_3318 = arith.addi %get3A_24, %add3A_3317 : vector<16xi32>
      %jit3A_3319 = arith.constant 8 : i32
      %eq3A_3320 = arith.constant 0 : i32
      %eq3A_3321 = arith.cmpi eq, %jit3A_3319, %eq3A_3320 : i32
      %jit3A_3322 = arith.constant 1 : i32
      %select_n3A_3323 = arith.select %eq3A_3321, %jit3A_3322, %jit3A_3319 : i32
      %rem3A_3324 = arith.remsi %scan3A_20, %select_n3A_3323 : i32
      %ne3A_3325 = arith.constant 0 : i32
      %ne3A_3326 = arith.cmpi ne, %rem3A_3324, %ne3A_3325 : i32
      %lt3A_3327 = arith.constant 0 : i32
      %lt3A_3328 = arith.cmpi slt, %rem3A_3324, %lt3A_3327 : i32
      %lt3A_3329 = arith.constant 0 : i32
      %lt3A_3330 = arith.cmpi slt, %select_n3A_3323, %lt3A_3329 : i32
      %ne3A_3331 = arith.xori %lt3A_3328, %lt3A_3330 : i1
      %and3A_3332 = arith.andi %ne3A_3331, %ne3A_3326 : i1
      %add3A_3333 = arith.addi %rem3A_3324, %select_n3A_3323 : i32
      %select_n3A_3334 = arith.select %and3A_3332, %add3A_3333, %rem3A_3324 : i32
      %mul3A_3335 = arith.constant 16 : i32
      %mul3A_3336 = arith.muli %select_n3A_3334, %mul3A_3335 : i32
      %swap3A_3337 = arith.index_cast %add3A_3315 : i32 to index
      %swap3A_3338 = arith.index_cast %mul3A_3336 : i32 to index
      %swap3A_3339 = tpu.vector_load %arg6[%swap3A_3337, %swap3A_3338] {strides = array<i32>} : memref<256x128xi32, #tpu.memory_space<vmem>>, vector<1x16xi32>,
      %swap3A_3340 = vector.shape_cast %swap3A_3339 : vector<1x16xi32> to vector<16xi32>
      %swap3A_3341 = vector.shape_cast %add3A_3318 : vector<16xi32> to vector<1x16xi32>
      tpu.vector_store %arg6[%swap3A_3337, %swap3A_3338], %swap3A_3341 {strides = array<i32>} : memref<256x128xi32, #tpu.memory_space<vmem>>, vector<1x16xi32>,
    }
    %scan3A_5 = arith.constant 32 : i32
    %scan3A_6 = arith.constant 0 : i32
    %scan3A_7 = arith.constant 0 : i32
    %scan3A_8 = arith.constant 256 : i32
    %scan3A_9 = arith.addi %scan3A_7, %scan3A_8 : i32
    %scan3A_10 = arith.constant 1 : i32
    scf.for %scan3A_20 = %scan3A_7 to %scan3A_9 step %scan3A_10  : i32 {
      %jit3A = arith.constant 4 : i32
      %div3A = arith.divsi %scan3A_20, %jit3A : i32
      %sign3A = arith.constant 0 : i32
      %sign3A_21 = arith.cmpi sgt, %scan3A_20, %sign3A : i32
      %sign3A_22 = arith.extui %sign3A_21 : i1 to i32
      %sign3A_23 = arith.constant 0 : i32
      %sign3A_24 = arith.cmpi slt, %scan3A_20, %sign3A_23 : i32
      %sign3A_25 = arith.extui %sign3A_24 : i1 to i32
      %sign3A_26 = arith.subi %sign3A_22, %sign3A_25 : i32
      %sign3A_27 = arith.constant 0 : i32
      %sign3A_28 = arith.cmpi sgt, %jit3A, %sign3A_27 : i32
      %sign3A_29 = arith.extui %sign3A_28 : i1 to i32
      %sign3A_30 = arith.constant 0 : i32
      %sign3A_31 = arith.cmpi slt, %jit3A, %sign3A_30 : i32
      %sign3A_32 = arith.extui %sign3A_31 : i1 to i32
      %sign3A_33 = arith.subi %sign3A_29, %sign3A_32 : i32
      %ne3A = arith.cmpi ne, %sign3A_26, %sign3A_33 : i32
      %rem3A = arith.remsi %scan3A_20, %jit3A : i32
      %ne3A_34 = arith.constant 0 : i32
      %ne3A_35 = arith.cmpi ne, %rem3A, %ne3A_34 : i32
      %and3A = arith.andi %ne3A, %ne3A_35 : i1
      %sub3A = arith.constant 1 : i32
      %sub3A_36 = arith.subi %div3A, %sub3A : i32
      %select_n3A = arith.select %and3A, %sub3A_36, %div3A : i32
      %jit3A_37 = arith.constant 4 : i32
      %eq3A = arith.constant 0 : i32
      %eq3A_38 = arith.cmpi eq, %jit3A_37, %eq3A : i32
      %jit3A_39 = arith.constant 1 : i32
      %select_n3A_40 = arith.select %eq3A_38, %jit3A_39, %jit3A_37 : i32
      %rem3A_41 = arith.remsi %scan3A_20, %select_n3A_40 : i32
      %ne3A_42 = arith.constant 0 : i32
      %ne3A_43 = arith.cmpi ne, %rem3A_41, %ne3A_42 : i32
      %lt3A = arith.constant 0 : i32
      %lt3A_44 = arith.cmpi slt, %rem3A_41, %lt3A : i32
      %lt3A_45 = arith.constant 0 : i32
      %lt3A_46 = arith.cmpi slt, %select_n3A_40, %lt3A_45 : i32
      %ne3A_47 = arith.xori %lt3A_44, %lt3A_46 : i1
      %and3A_48 = arith.andi %ne3A_47, %ne3A_43 : i1
      %add3A_49 = arith.addi %rem3A_41, %select_n3A_40 : i32
      %select_n3A_50 = arith.select %and3A_48, %add3A_49, %rem3A_41 : i32
      %mul3A_51 = arith.constant 128 : i32
      %mul3A_52 = arith.muli %select_n3A_50, %mul3A_51 : i32
      %dma_start3A = tpu.memref_slice %arg7[%select_n3A, %mul3A_52] : memref<64x512xf32, #tpu.memory_space<vmem>> -> memref<1x128xf32, #tpu.memory_space<vmem>>
      %dma_start3A_53 = tpu.memref_squeeze %dma_start3A : memref<1x128xf32, #tpu.memory_space<vmem>> -> memref<128xf32, #tpu.memory_space<vmem>>
      %dma_start3A_54 = arith.constant 0 : i32
      %dma_start3A_55 = tpu.memref_slice %arg6[%scan3A_20, %dma_start3A_54] : memref<256x128xi32, #tpu.memory_space<vmem>> -> memref<1x128xi32, #tpu.memory_space<vmem>>
      %dma_start3A_56 = tpu.memref_squeeze %dma_start3A_55 : memref<1x128xi32, #tpu.memory_space<vmem>> -> memref<128xi32, #tpu.memory_space<vmem>>
      %dma_start3A_57 = arith.constant 0 : i32
      %dma_start3A_58 = tpu.memref_slice %arg3[%dma_start3A_57] : memref<64000000xf32, #tpu.memory_space<hbm>> -> memref<64000000xf32, #tpu.memory_space<hbm>>
      tpu.enqueue_indirect_dma source(%dma_start3A_58 : memref<64000000xf32, #tpu.memory_space<hbm>>) target(%dma_start3A_53 : memref<128xf32, #tpu.memory_space<vmem>>) offsets(%dma_start3A_56 : memref<128xi32, #tpu.memory_space<vmem>>) semaphore(%arg8 : memref<!tpu.dma_semaphore, #tpu.memory_space<semaphore_mem>>)
    }
    %scan3A_11 = arith.constant 256 : i32
    %scan3A_12 = arith.constant 0 : i32
    %scan3A_13 = arith.constant 0 : i32
    %scan3A_14 = arith.constant 256 : i32
    %scan3A_15 = arith.addi %scan3A_13, %scan3A_14 : i32
    %scan3A_16 = arith.constant 1 : i32
    scf.for %scan3A_20 = %scan3A_13 to %scan3A_15 step %scan3A_16  : i32 {
      %jit3A = arith.constant 4 : i32
      %div3A = arith.divsi %scan3A_20, %jit3A : i32
      %sign3A = arith.constant 0 : i32
      %sign3A_21 = arith.cmpi sgt, %scan3A_20, %sign3A : i32
      %sign3A_22 = arith.extui %sign3A_21 : i1 to i32
      %sign3A_23 = arith.constant 0 : i32
      %sign3A_24 = arith.cmpi slt, %scan3A_20, %sign3A_23 : i32
      %sign3A_25 = arith.extui %sign3A_24 : i1 to i32
      %sign3A_26 = arith.subi %sign3A_22, %sign3A_25 : i32
      %sign3A_27 = arith.constant 0 : i32
      %sign3A_28 = arith.cmpi sgt, %jit3A, %sign3A_27 : i32
      %sign3A_29 = arith.extui %sign3A_28 : i1 to i32
      %sign3A_30 = arith.constant 0 : i32
      %sign3A_31 = arith.cmpi slt, %jit3A, %sign3A_30 : i32
      %sign3A_32 = arith.extui %sign3A_31 : i1 to i32
      %sign3A_33 = arith.subi %sign3A_29, %sign3A_32 : i32
      %ne3A = arith.cmpi ne, %sign3A_26, %sign3A_33 : i32
      %rem3A = arith.remsi %scan3A_20, %jit3A : i32
      %ne3A_34 = arith.constant 0 : i32
      %ne3A_35 = arith.cmpi ne, %rem3A, %ne3A_34 : i32
      %and3A = arith.andi %ne3A, %ne3A_35 : i1
      %sub3A = arith.constant 1 : i32
      %sub3A_36 = arith.subi %div3A, %sub3A : i32
      %select_n3A = arith.select %and3A, %sub3A_36, %div3A : i32
      %jit3A_37 = arith.constant 4 : i32
      %eq3A = arith.constant 0 : i32
      %eq3A_38 = arith.cmpi eq, %jit3A_37, %eq3A : i32
      %jit3A_39 = arith.constant 1 : i32
      %select_n3A_40 = arith.select %eq3A_38, %jit3A_39, %jit3A_37 : i32
      %rem3A_41 = arith.remsi %scan3A_20, %select_n3A_40 : i32
      %ne3A_42 = arith.constant 0 : i32
      %ne3A_43 = arith.cmpi ne, %rem3A_41, %ne3A_42 : i32
      %lt3A = arith.constant 0 : i32
      %lt3A_44 = arith.cmpi slt, %rem3A_41, %lt3A : i32
      %lt3A_45 = arith.constant 0 : i32
      %lt3A_46 = arith.cmpi slt, %select_n3A_40, %lt3A_45 : i32
      %ne3A_47 = arith.xori %lt3A_44, %lt3A_46 : i1
      %and3A_48 = arith.andi %ne3A_47, %ne3A_43 : i1
      %add3A_49 = arith.addi %rem3A_41, %select_n3A_40 : i32
      %select_n3A_50 = arith.select %and3A_48, %add3A_49, %rem3A_41 : i32
      %mul3A_51 = arith.constant 128 : i32
      %mul3A_52 = arith.muli %select_n3A_50, %mul3A_51 : i32
      %dma_wait3A = tpu.memref_slice %arg7[%select_n3A, %mul3A_52] : memref<64x512xf32, #tpu.memory_space<vmem>> -> memref<1x128xf32, #tpu.memory_space<vmem>>
      %dma_wait3A_53 = tpu.memref_squeeze %dma_wait3A : memref<1x128xf32, #tpu.memory_space<vmem>> -> memref<128xf32, #tpu.memory_space<vmem>>
      %dma_wait3A_54 = arith.constant 0 : i32
      %dma_wait3A_55 = tpu.memref_slice %arg3[%dma_wait3A_54] : memref<64000000xf32, #tpu.memory_space<hbm>> -> memref<128xf32, #tpu.memory_space<hbm>>
      %dma_wait3A_56 = tpu.memref_slice %arg7[%select_n3A, %mul3A_52] : memref<64x512xf32, #tpu.memory_space<vmem>> -> memref<1x128xf32, #tpu.memory_space<vmem>>
      %dma_wait3A_57 = tpu.memref_squeeze %dma_wait3A_56 : memref<1x128xf32, #tpu.memory_space<vmem>> -> memref<128xf32, #tpu.memory_space<vmem>>
      %dma_wait3A_58 = arith.constant 0 : i32
      %dma_wait3A_59 = tpu.memref_slice %arg3[%dma_wait3A_58] : memref<64000000xf32, #tpu.memory_space<hbm>> -> memref<128xf32, #tpu.memory_space<hbm>>
      tpu.wait_dma2 semaphore(%arg8 : memref<!tpu.dma_semaphore, #tpu.memory_space<semaphore_mem>>) src(%dma_wait3A_59 : memref<128xf32, #tpu.memory_space<hbm>>) dst(%dma_wait3A_57 : memref<128xf32, #tpu.memory_space<vmem>>)
    }
    %scan3A_17 = arith.constant 256 : i32
    %mul3A_18 = arith.constant 512 : i32
    %mul3A_19 = arith.muli %add3A, %mul3A_18 : i32
    "tpu.region"() ({
      %run_scoped3A = tpu.sem_alloc : memref<!tpu.dma_semaphore, #tpu.memory_space<semaphore_mem>>
      %dma_start3A = arith.constant 0 : i32
      %dma_start3A_20 = tpu.memref_slice %arg4[%dma_start3A, %mul3A_19] : memref<64x16384xf32, #tpu.memory_space<hbm>> -> memref<64x512xf32, #tpu.memory_space<hbm>>
      %dma_start3A_21 = arith.constant 0 : i32
      %dma_start3A_22 = tpu.memref_slice %arg4[%dma_start3A_21, %mul3A_19] : memref<64x16384xf32, #tpu.memory_space<hbm>> -> memref<64x512xf32, #tpu.memory_space<hbm>>
      tpu.enqueue_dma source(%arg7 : memref<64x512xf32, #tpu.memory_space<vmem>>) target(%dma_start3A_22 : memref<64x512xf32, #tpu.memory_space<hbm>>) target_semaphore(%run_scoped3A : memref<!tpu.dma_semaphore, #tpu.memory_space<semaphore_mem>>)
      %dma_wait3A = arith.constant 0 : i32
      %dma_wait3A_23 = tpu.memref_slice %arg4[%dma_wait3A, %mul3A_19] : memref<64x16384xf32, #tpu.memory_space<hbm>> -> memref<64x512xf32, #tpu.memory_space<hbm>>
      %dma_wait3A_24 = arith.constant 0 : i32
      %dma_wait3A_25 = tpu.memref_slice %arg4[%dma_wait3A_24, %mul3A_19] : memref<64x16384xf32, #tpu.memory_space<hbm>> -> memref<64x512xf32, #tpu.memory_space<hbm>>
      tpu.wait_dma2 semaphore(%run_scoped3A : memref<!tpu.dma_semaphore, #tpu.memory_space<semaphore_mem>>) src(%arg7 : memref<64x512xf32, #tpu.memory_space<vmem>>) dst(%dma_wait3A_25 : memref<64x512xf32, #tpu.memory_space<hbm>>)
      tpu.yield
    }) : () -> ()
    return
  }
}

</mosaic_0001>

<sc_bundles>
// kernel: kernel.3.cloned.1.call-start
scs
__scs_entry_jumppad:
0x0: {  	(pc) =	sbr.rel $0x88, $3  }
0x1: {  	(tag) =	ssettag $0x0;
	lr =	simm.s32 $0x1  }
0x2: {  	[smem:$0x3F9F] =	sst lr;
	_ =	strace $0xD0000000  }
0x3: {  	_ = 	snop  }
0x4: {  	_ = 	snop  }
0x5: {  	_ = 	snop  }
0x6: {  	_ = 	snop  }
0x7: {  	_ = 	snop  }
__scs_overlays_trampoline_lowered:
0x8: {  	[smem:$0x3FAE] =	sst s0  }
0x9: {  	[smem:$0x3FAF] =	sst s1  }
0xa: {  	[smem:$0x3FB0] =	sst s2  }
0xb: {  	[smem:$0x3FB1] =	sst s3  }
0xc: {  	[smem:$0x3FB2] =	sst s4  }
0xd: {  	[smem:$0x3FB3] =	sst s5  }
0xe: {  	[smem:$0x3FB4] =	sst s6  }
0xf: {  	[smem:$0x3FB5] =	sst s7  }
0x10: {  	[smem:$0x3FB6] =	sst s8  }
0x11: {  	[smem:$0x3FB7] =	sst s9;
	s0 =	simm.s32 @!p0 $0x0  }
0x12: {  	s1 =	sld [smem:$0x3F9D];
	s0 =	simm.s32 @p0 $0x1  }
0x13: {  	[smem:$0x3FB8] =	sst s0;
	s0 =	simm.s32 @!p1 $0x0  }
0x14: {  	s2 =	sld [smem:$0x3F9C];
	s0 =	simm.s32 @p1 $0x1  }
0x15: {  	[smem:$0x3FB9] =	sst s0;
	s0 =	simm.s32 @!p2 $0x0  }
0x16: {  	s3 =	sld [smem:$0x3FDB];
	s0 =	simm.s32 @p2 $0x1  }
0x17: {  	s4 =	simm.s32 $0x1BF5;
	[smem:$0x3FBB] =	sst s0  }
0x18: {  	s0 =	sld [smem:$0x3F9E];
	_ =	swait.ge [sflag:s4], $0x0  }
0x19: {  	s7 =	sld [smem:$0x3F9F]  }
0x1a: {  	s8 =	sadd.s32 $0xFFFFE003, lr  }
0x1b: {  	s9 =	sadd.s32 $0xFFFFFEF7, lr;
	s5 =	simm.s32 $0xFFFFFFFF;
	p2 =	slt.u32 s8, $0xFFFFF086  }
0x1c: {  	p1 =	slt.u32 s9, $0xF7A;
	s5 =	simm.s32 @!p2 $0x0  }
0x1d: {  	s5 =	simm.s32 @p1 $0x1;
	p0 =	seq.s32 s7, s2  }
0x1e: {  	s7 =	smul.u32 @!p0 $0xF7A, s2;
	p2 =	seq.s32 @!p0 s5, $0x0  }
0x1f: {  	s9 =	smul.u32 $0xF7A, s1;
	s8 =	simm.s32 @!p0 $0x1BF5;
	p2 =	por !p2, p0  }
0x20: {  	[sflag:s8] =	ssyncset.s32 @!p0 $0xFFFFF086;
	s6 =	sadd.s32 @!p0 s3, s7;
	s7 =	simm.s32 @!p0 $0x108  }
0x21: {  	s3 =	sadd.s32 s3, s9;
	s6 =	sadd.s32 @!p0 $0x88, s6;
	s7 =	simm.s32 @p2 $0x1082  }
0x22: {  	[simem:s7], [sflag:s8] =	dma.local @!p0 [hbm:s6], $0xF7A  }
0x23: {  	s9 =	sor.u32 $0xD0000000, s2;
	s6 =	simm.s32 $0x108;
	_ =	swait.ge @!p0 [sflag:s8], $0x0  }
0x24: {  	s3 =	sadd.s32 $0x88, s3;
	s6 =	simm.s32 @!p1 $0x1082;
	[sflag:s4] =	ssyncset.s32 $0xFFFFF086  }
0x25: {  	[simem:s6], [sflag:s4] =	dma.local [hbm:s3], $0xF7A  }
0x26: {  	[smem:$0x3F9F] =	sst s1;
	(tag) =	ssettag s2;
	_ =	strace s9  }
0x27: {  	s1 =	sld [smem:$0x3FAF]  }
0x28: {  	s2 =	sld [smem:$0x3FB0]  }
0x29: {  	s4 =	sld [smem:$0x3FB2]  }
0x2a: {  	p0 =	seq.s32 s5, $0x0;
	s5 =	sld [smem:$0x3FB3]  }
0x2b: {  	s6 =	sld [smem:$0x3FB4]  }
0x2c: {  	s7 =	sld [smem:$0x3FB5]  }
0x2d: {  	s3 =	simm.s32 $0x108;
	s8 =	sld [smem:$0x3FB6]  }
0x2e: {  	s3 =	simm.s32 @!p0 $0x1082;
	s9 =	sld [smem:$0x3FB7]  }
0x2f: {  	lr =	sadd.s32 s0, s3;
	s0 =	sld [smem:$0x3FAE]  }
0x30: {  	s3 =	sld [smem:$0x3FB1]  }
0x31: {  	[smem:$0x3FBA] =	sst s10  }
0x32: {  	s10 =	sld [smem:$0x3FB8];
	_ =	sdelay $0x3  }
0x33: {  	p0 =	seq.s32 s10, $0x1;
	s10 =	sld [smem:$0x3FBA];
	_ =	sdelay $0x3  }
0x34: {  	[smem:$0x3FBA] =	sst s10  }
0x35: {  	s10 =	sld [smem:$0x3FB9];
	_ =	sdelay $0x3  }
0x36: {  	p1 =	seq.s32 s10, $0x1;
	s10 =	sld [smem:$0x3FBA];
	_ =	sdelay $0x3  }
0x37: {  	[smem:$0x3FBA] =	sst s10  }
0x38: {  	s10 =	sld [smem:$0x3FBB]  }
0x39: {  	_ = 	snop;
	(pc) =	sbr.ind lr, $3  }
0x3a: {  	_ = 	snop  }
0x3b: {  	_ = 	snop  }
0x3c: {  	p2 =	seq.s32 s10, $0x1;
	s10 =	sld [smem:$0x3FBA]  }
0x3d: {  	_ =	shalt  }
0x3e: {  	_ =	shalt  }
0x3f: {  	_ =	shalt  }
0x40: {  	_ =	shalt  }
0x41: {  	_ =	shalt  }
0x42: {  	_ =	shalt  }
0x43: {  	_ =	shalt  }
0x44: {  	_ =	shalt  }
0x45: {  	_ =	shalt  }
0x46: {  	_ =	shalt  }
0x47: {  	_ =	shalt  }
0x48: {  	_ =	shalt  }
0x49: {  	_ =	shalt  }
0x4a: {  	_ =	shalt  }
0x4b: {  	_ =	shalt  }
0x4c: {  	_ =	shalt  }
0x4d: {  	_ =	shalt  }
0x4e: {  	_ =	shalt  }
0x4f: {  	_ =	shalt  }
0x50: {  	_ =	shalt  }
0x51: {  	_ =	shalt  }
0x52: {  	_ =	shalt  }
0x53: {  	_ =	shalt  }
0x54: {  	_ =	shalt  }
0x55: {  	_ =	shalt  }
0x56: {  	_ =	shalt  }
0x57: {  	_ =	shalt  }
0x58: {  	_ =	shalt  }
0x59: {  	_ =	shalt  }
0x5a: {  	_ =	shalt  }
0x5b: {  	_ =	shalt  }
0x5c: {  	_ =	shalt  }
0x5d: {  	_ =	shalt  }
0x5e: {  	_ =	shalt  }
0x5f: {  	_ =	shalt  }
0x60: {  	_ =	shalt  }
0x61: {  	_ =	shalt  }
0x62: {  	_ =	shalt  }
0x63: {  	_ =	shalt  }
0x64: {  	_ =	shalt  }
0x65: {  	_ =	shalt  }
0x66: {  	_ =	shalt  }
0x67: {  	_ =	shalt  }
0x68: {  	_ =	shalt  }
0x69: {  	_ =	shalt  }
0x6a: {  	_ =	shalt  }
0x6b: {  	_ =	shalt  }
0x6c: {  	_ =	shalt  }
0x6d: {  	_ =	shalt  }
0x6e: {  	_ =	shalt  }
0x6f: {  	_ =	shalt  }
0x70: {  	_ =	shalt  }
0x71: {  	_ =	shalt  }
0x72: {  	_ =	shalt  }
0x73: {  	_ =	shalt  }
0x74: {  	_ =	shalt  }
0x75: {  	_ =	shalt  }
0x76: {  	_ =	shalt  }
0x77: {  	_ =	shalt  }
0x78: {  	_ =	shalt  }
0x79: {  	_ =	shalt  }
0x7a: {  	_ =	shalt  }
0x7b: {  	_ =	shalt  }
0x7c: {  	_ =	shalt  }
0x7d: {  	_ =	shalt  }
0x7e: {  	_ =	shalt  }
0x7f: {  	_ =	shalt  }
0x80: {  	_ =	shalt  }
0x81: {  	_ =	shalt  }
0x82: {  	_ =	shalt  }
0x83: {  	_ =	shalt  }
0x84: {  	_ =	shalt  }
0x85: {  	_ =	shalt  }
0x86: {  	_ =	shalt  }
0x87: {  	_ =	shalt  }
.Lfunc_end0:
.L_simem_size_0:
called_computation_lowered:
.L_overlay_start_0:
0x88: {  	s2 =	sld [smem:$0x3FD9]  }
0x89: {  	s3 =	sld [smem:$0x3FFE];
	_ =	sdelay $0x1  }
0x8a: {  	s1 =	srdreg.scid  }
0x8b: {  	s0 =	sand.u32 $0x1, s1  }
0x8c: {  	s17 =	sshll.u32 s0, $0xA;
	s2 =	sadd.s32 s3, s2  }
0x8d: {  	s2 =	sadd.s32 s2, s17  }
0x8e: {  	[smem:$0x3FC6] =	sst s2  }
0x8f: {  	_ = 	snop  }
0x90: {  	s2 =	sld [smem:$0x3FC9];
	(tm) =	ssettm $0x1  }
0x91: {  	s18 =	sld [smem:$0x3FFB];
	_ =	sdelay $0x3  }
0x92: {  	_ =	strace s18  }
0x93: {  	s3 =	sld [smem:$0x3FFC];
	_ =	sdelay $0x3  }
0x94: {  	_ =	strace s3  }
0x95: {  	s3 =	sld [smem:$0x3FFD];
	_ =	sdelay $0x3  }
0x96: {  	_ =	strace s3  }
0x97: {  	_ =	strace $0x8FFFFFFF  }
0x98: {  	s19 =	sld [smem:$0x3FDB];
	_ =	sdelay $0x1  }
0x99: {  	s4 =	simm.s32 $_scs_section_size  }
0x9a: {  	s5 =	simm.s32 $_size__tile_overlayer_lowered;
	s6 =	simm.s32 $_tile_overlayer_lowered  }
0x9b: {  	s22 =	simm.s32 $0x1BFF;
	s21 =	sshll.u32 s6, $0x1;
	s3 =	sadd.s32 s4, s19  }
0x9c: {  	s7 =	simm.s32 $0x0;
	s20 =	sshll.u32 s5, $0x1;
	s5 =	sadd.s32 s21, s3  }
0x9d: {  	[timem:s7], [sflag:s22] =	dma.local [hbm:s5], s20  }
0x9e: {  	_ =	swait.ge [sflag:s22], s20  }
0x9f: {  	s4 =	ssub.s32 $0x0, s20;
	[sflag:s22] =	ssyncset.done $0x0  }
0xa0: {  	[sflag:s22] =	ssyncadd.s32 s4;
	_ =	sdelay $0x1  }
0xa1: {  	s23 =	simm.s32 $0x1B8B  }
0xa2: {  	_ =	swait.ge [sflag:s23], $0x1  }
0xa3: {  	[sflag:s23] =	ssyncset.done $0x0  }
0xa4: {  	s25 =	simm.s32 $0x1B8E;
	s24 =	sld [smem:$0x3FFE];
	[sflag:s23] =	ssyncadd.s32 $0xFFFFFFFF  }
0xa5: {  	s26 =	simm.s32 $execute0_lowered;
	[smem:$0x3FD2] =	sst s25  }
0xa6: {  	s5 =	sshll.u32 s26, $0x1;
	_ =	strace $0x80000046;
	[dreg:$0x1] =	wrdreg $0xFFFFFFFF  }
0xa7: {  	s28 =	simm.s32 $_size_execute0_lowered;
	s3 =	sadd.s32 s3, s5;
	[dreg:$0x0] =	wrdreg $0x0  }
0xa8: {  	s5 =	sshll.u32 s28, $0x1;
	[dreg:$0x2] =	wrdreg s3  }
0xa9: {  	[dreg:$0x3] =	wrdreg s5  }
0xaa: {  	[dreg:$0x4] =	wrdreg $0xC0  }
0xab: {  	_ =	task [dreg:s7], $0x5FFFF  }
0xac: {  	[dreg:$0x1] =	wrdreg $0xFFFFFFFF  }
0xad: {  	[dreg:$0x0] =	wrdreg $0x60  }
0xae: {  	[dreg:$0x2] =	wrdreg s2  }
0xaf: {  	[dreg:$0x3] =	wrdreg s24  }
0xb0: {  	[dreg:$0x4] =	wrdreg $0x9  }
0xb1: {  	_ =	task.clear_ibuf [dreg:s7], $0x5FFFF;
	_ =	strace $0x90000046  }
0xb2: {  	s29 =	simm.s32 $0x9;
	_ =	strace $0x80000048  }
0xb3: {  	_ =	swait.ge [sflag:s29], $0x1  }
0xb4: {  	[sflag:s29] =	ssyncadd.s32 $0xFFFFFFFF  }
0xb5: {  	_ =	strace $0x90000048  }
0xb6: {  	_ =	sfence  }
0xb7: {  	s30 =	sld [smem:$0x0];
	_ =	sdelay $0x2  }
0xb8: {  	s31 =	sshll.u32 s1, $0xD;
	s1 =	sshrl.u32 s1, $0x2  }
0xb9: {  	s3 =	sand.u32 $0x4000, s31;
	s1 =	sadd.s32 s1, s30  }
0xba: {  	s0 =	sor.u32 s3, s0;
	s1 =	sshll.u32 s1, $0x11  }
0xbb: {  	s0 =	sor.u32 s1, s0  }
0xbc: {  	s0 =	sadd.s32 $0x8F2B, s0  }
0xbd: {  	[sflag:s0] =	ssyncadd.remote.s32 $0x1  }
0xbe: {  	_ =	sfence.sel $0xFFFF  }
0xbf: {  	[dreg:$0x0] =	wrdreg $0xFFFFFFFF;
	(pc) =	sbr.abs _section_cstart, $3  }
0xc0: {  	[dreg:$0x1] =	wrdreg $0xFFFFFFFF  }
0xc1: {  	_ =	task.clear_ibuf [dreg:s7], $0x2FFFF;
	_ =	strace $0x9FFFFFFF  }
0xc2: {  	(tm) =	ssettm $0x7FFFFFFF  }
0xc3: {  	_ =	shalt  }
tec
execute0_lowered:
.L_overlay_start_1:
0x0: {  	(tag) =	ssettag $0x1  }
0x1: {  	s4 =	rddreg [dreg:$0x0]  }
0x2: {  	s5 =	rddreg [dreg:$0x1]  }
0x3: {  	s0 =	rddreg [dreg:$0x2]  }
0x4: {  	s2 =	simm.s32 $0x0;
	s3 =	srdreg.scid;
	s1 =	stileid.u32  }
0x5: {  	s9 =	simm.s32 $0x1;
	s10 =	simm.s32 $0x200;
	s11 =	simm.s32 $0x4000  }
0x6: {  	s12 =	simm.s32 $0x8200;
	s13 =	simm.s32 $0x0;
	s3 =	sand.u32 $0x1, s3  }
0x7: {  	[smem:$0x7FF] =	sst s2;
	s6 =	sshll.u32 s1, $0x7;
	s7 =	sshll.u32 s3, $0x6  }
0x8: {  	_ =	strace $0x80000047;
	s8 =	ssub.s32 $0x2, s3;
	s6 =	sor.u32 s7, s6  }
0x9: {  	s3 =	sadd.s32 $0x200, s5;
	s31 =	sshrl.u32 s8, $0x1;
	s5 =	sadd.s32 s6, s5  }
0xa: {  	s7 =	ssub.s32 s8, s31;
	s4 =	sadd.s32 s4, s6;
	s8 =	simm.s32 $0x80  }
0xb: {  	s5 =	sadd.s32 $0x7A1400, s5;
	s6 =	smax.u32 s7, $0x1;
	s7 =	simm.s32 $0x2  }
.LBB2_1:
0xc: {  	[tilespmem:s2], [sflag:$0x2] =	stream.linear.gather [hbm4b:s4+s2], $0x200, $0x38;
	[tilespmem:$0x10200] =	vst v63  }
0xd: {  	_ =	swait.ge [sflag:s7], $0x200  }
0xe: {  	s18 =	simm.s32 $0x0;
	s15 =	simm.s32 $0x10;
	[sflag:s7] =	ssyncset.done $0x0  }
0xf: {  	s14 =	simm.s32 $0x0;
	s16 =	simm.s32 $0x0;
	[sflag:s7] =	ssyncadd.s32 $0xFFFFFE00  }
.LBB2_2:
0x10: {  	p0 =	sne.s32 s15, $0x1F0;
	v0 =	vld [tilespmem:s18+$0x0];
	_ =	sdelay $0x1  }
0x11: {  	s17 =	sshrl.u32 s14, $0x2  }
0x12: {  	s18 =	sand.u32 $0x70, s16;
	s16 =	smov.u32 s15;
	s17 =	sand.u32 $0x180, s17  }
0x13: {  	s17 =	sor.u32 s18, s17  }
0x14: {  	[tilespmem:s17+$0x200] =	vst v0;
	v1 =	vadd.s32 $0xF4240, v0;
	v2 =	vadd.s32 $0x1E8480, v0;
	v3 =	vadd.s32 $0x2DC6C0, v0  }
0x15: {  	v4 =	vadd.s32 $0x4C4B40, v0;
	[tilespmem:s17+$0x400] =	vst v1;
	v1 =	vadd.s32 $0x3D0900, v0  }
0x16: {  	v5 =	vadd.s32 $0x6ACFC0, v0;
	[tilespmem:s17+$0x600] =	vst v2;
	v2 =	vadd.s32 $0x5B8D80, v0  }
0x17: {  	v6 =	vadd.s32 $0x895440, v0;
	[tilespmem:s17+$0x800] =	vst v3;
	v3 =	vadd.s32 $0x7A1200, v0  }
0x18: {  	v7 =	vadd.s32 $0xA7D8C0, v0;
	[tilespmem:s17+$0xA00] =	vst v1;
	v1 =	vadd.s32 $0x989680, v0  }
0x19: {  	v8 =	vadd.s32 $0xC65D40, v0;
	[tilespmem:s17+$0xC00] =	vst v4;
	v4 =	vadd.s32 $0xB71B00, v0  }
0x1a: {  	v9 =	vadd.s32 $0xE4E1C0, v0;
	[tilespmem:s17+$0xE00] =	vst v2;
	v2 =	vadd.s32 $0xD59F80, v0  }
0x1b: {  	v10 =	vadd.s32 $0x1036640, v0;
	[tilespmem:s17+$0x1000] =	vst v5;
	v5 =	vadd.s32 $0xF42400, v0  }
0x1c: {  	v11 =	vadd.s32 $0x121EAC0, v0;
	[tilespmem:s17+$0x1200] =	vst v3;
	v3 =	vadd.s32 $0x112A880, v0  }
0x1d: {  	v12 =	vadd.s32 $0x1406F40, v0;
	[tilespmem:s17+$0x1400] =	vst v6;
	v6 =	vadd.s32 $0x1312D00, v0  }
0x1e: {  	v13 =	vadd.s32 $0x15EF3C0, v0;
	[tilespmem:s17+$0x1600] =	vst v1;
	v1 =	vadd.s32 $0x14FB180, v0  }
0x1f: {  	v14 =	vadd.s32 $0x17D7840, v0;
	[tilespmem:s17+$0x1800] =	vst v7;
	v7 =	vadd.s32 $0x16E3600, v0  }
0x20: {  	v15 =	vadd.s32 $0x19BFCC0, v0;
	[tilespmem:s17+$0x1A00] =	vst v4;
	v4 =	vadd.s32 $0x18CBA80, v0  }
0x21: {  	v16 =	vadd.s32 $0x1BA8140, v0;
	[tilespmem:s17+$0x1C00] =	vst v8;
	v8 =	vadd.s32 $0x1AB3F00, v0  }
0x22: {  	v17 =	vadd.s32 $0x1D905C0, v0;
	[tilespmem:s17+$0x1E00] =	vst v2;
	v2 =	vadd.s32 $0x1C9C380, v0  }
0x23: {  	v18 =	vadd.s32 $0x1F78A40, v0;
	[tilespmem:s17+$0x2000] =	vst v9;
	v9 =	vadd.s32 $0x1E84800, v0  }
0x24: {  	v19 =	vadd.s32 $0x2160EC0, v0;
	[tilespmem:s17+$0x2200] =	vst v5;
	v5 =	vadd.s32 $0x206CC80, v0  }
0x25: {  	v20 =	vadd.s32 $0x2349340, v0;
	[tilespmem:s17+$0x2400] =	vst v10;
	v10 =	vadd.s32 $0x2255100, v0  }
0x26: {  	v21 =	vadd.s32 $0x25317C0, v0;
	[tilespmem:s17+$0x2600] =	vst v3;
	v3 =	vadd.s32 $0x243D580, v0  }
0x27: {  	v22 =	vadd.s32 $0x2719C40, v0;
	[tilespmem:s17+$0x2800] =	vst v11;
	v11 =	vadd.s32 $0x2625A00, v0  }
0x28: {  	v23 =	vadd.s32 $0x29020C0, v0;
	[tilespmem:s17+$0x2A00] =	vst v6;
	v6 =	vadd.s32 $0x280DE80, v0  }
0x29: {  	v24 =	vadd.s32 $0x2AEA540, v0;
	[tilespmem:s17+$0x2C00] =	vst v12;
	v12 =	vadd.s32 $0x29F6300, v0  }
0x2a: {  	v25 =	vadd.s32 $0x2CD29C0, v0;
	[tilespmem:s17+$0x2E00] =	vst v1;
	v1 =	vadd.s32 $0x2BDE780, v0  }
0x2b: {  	v26 =	vadd.s32 $0x2EBAE40, v0;
	[tilespmem:s17+$0x3000] =	vst v13;
	v13 =	vadd.s32 $0x2DC6C00, v0  }
0x2c: {  	v27 =	vadd.s32 $0x30A32C0, v0;
	[tilespmem:s17+$0x3200] =	vst v7;
	v7 =	vadd.s32 $0x2FAF080, v0  }
0x2d: {  	v28 =	vadd.s32 $0x328B740, v0;
	[tilespmem:s17+$0x3400] =	vst v14;
	v14 =	vadd.s32 $0x3197500, v0  }
0x2e: {  	v29 =	vadd.s32 $0x3473BC0, v0;
	[tilespmem:s17+$0x3600] =	vst v4;
	v4 =	vadd.s32 $0x337F980, v0  }
0x2f: {  	v30 =	vadd.s32 $0x365C040, v0;
	[tilespmem:s17+$0x3800] =	vst v15;
	v15 =	vadd.s32 $0x3567E00, v0  }
0x30: {  	v31 =	vadd.s32 $0x38444C0, v0;
	[tilespmem:s17+$0x3A00] =	vst v8;
	v8 =	vadd.s32 $0x3750280, v0  }
0x31: {  	v32 =	vadd.s32 $0x3A2C940, v0;
	[tilespmem:s17+$0x3C00] =	vst v16;
	v16 =	vadd.s32 $0x3938700, v0  }
0x32: {  	[tilespmem:s17+$0x3E00] =	vst v2;
	v2 =	vadd.s32 $0x3B20B80, v0;
	v0 =	vadd.s32 $0x3C14DC0, v0  }
0x33: {  	[tilespmem:s17+$0x4000] =	vst v17  }
0x34: {  	[tilespmem:s17+$0x4200] =	vst v9  }
0x35: {  	[tilespmem:s17+$0x4400] =	vst v18  }
0x36: {  	[tilespmem:s17+$0x4600] =	vst v5  }
0x37: {  	[tilespmem:s17+$0x4800] =	vst v19  }
0x38: {  	[tilespmem:s17+$0x4A00] =	vst v10  }
0x39: {  	[tilespmem:s17+$0x4C00] =	vst v20  }
0x3a: {  	[tilespmem:s17+$0x4E00] =	vst v3  }
0x3b: {  	[tilespmem:s17+$0x5000] =	vst v21  }
0x3c: {  	[tilespmem:s17+$0x5200] =	vst v11  }
0x3d: {  	[tilespmem:s17+$0x5400] =	vst v22  }
0x3e: {  	[tilespmem:s17+$0x5600] =	vst v6  }
0x3f: {  	[tilespmem:s17+$0x5800] =	vst v23  }
0x40: {  	[tilespmem:s17+$0x5A00] =	vst v12  }
0x41: {  	[tilespmem:s17+$0x5C00] =	vst v24  }
0x42: {  	[tilespmem:s17+$0x5E00] =	vst v1  }
0x43: {  	[tilespmem:s17+$0x6000] =	vst v25  }
0x44: {  	[tilespmem:s17+$0x6200] =	vst v13  }
0x45: {  	[tilespmem:s17+$0x6400] =	vst v26  }
0x46: {  	[tilespmem:s17+$0x6600] =	vst v7  }
0x47: {  	[tilespmem:s17+$0x6800] =	vst v27  }
0x48: {  	[tilespmem:s17+$0x6A00] =	vst v14  }
0x49: {  	[tilespmem:s17+$0x6C00] =	vst v28  }
0x4a: {  	[tilespmem:s17+$0x6E00] =	vst v4  }
0x4b: {  	[tilespmem:s17+$0x7000] =	vst v29  }
0x4c: {  	[tilespmem:s17+$0x7200] =	vst v15  }
0x4d: {  	[tilespmem:s17+$0x7400] =	vst v30  }
0x4e: {  	[tilespmem:s17+$0x7600] =	vst v8  }
.Ltmp0:
0x4f: {  	[tilespmem:s17+$0x7800] =	vst v31;
	(pc) =	sbr.rel @p0 .LBB2_2-.Ltmp0, $4  }
0x50: {  	[tilespmem:s17+$0x7A00] =	vst v16  }
0x51: {  	[tilespmem:s17+$0x7C00] =	vst v32  }
0x52: {  	s14 =	sadd.s32 $0x40, s14;
	[tilespmem:s17+$0x7E00] =	vst v2  }
0x53: {  	s15 =	sadd.s32 $0x10, s15;
	s18 =	sshra.s32 s14, $0x2;
	[tilespmem:s17+$0x8000] =	vst v0  }
0x54: {  	v0 =	vld [tilespmem:s18+$0x0];
	_ =	sdelay $0x1  }
0x55: {  	s14 =	sshrl.u32 s14, $0x2  }
0x56: {  	s15 =	sand.u32 $0x70, s16;
	s14 =	sand.u32 $0x180, s14  }
0x57: {  	s14 =	sor.u32 s15, s14  }
0x58: {  	[tilespmem:s14+$0x200] =	vst v0;
	v1 =	vadd.s32 $0xF4240, v0  }
0x59: {  	v2 =	vadd.s32 $0x1E8480, v0;
	[tilespmem:s14+$0x400] =	vst v1  }
0x5a: {  	v4 =	vadd.s32 $0x2DC6C0, v0;
	[tilespmem:s14+$0x600] =	vst v2  }
0x5b: {  	v5 =	vadd.s32 $0x3D0900, v0;
	[tilespmem:s14+$0x800] =	vst v4  }
0x5c: {  	v6 =	vadd.s32 $0x4C4B40, v0;
	[tilespmem:s14+$0xA00] =	vst v5  }
0x5d: {  	v7 =	vadd.s32 $0x5B8D80, v0;
	[tilespmem:s14+$0xC00] =	vst v6  }
0x5e: {  	v8 =	vadd.s32 $0x6ACFC0, v0;
	[tilespmem:s14+$0xE00] =	vst v7  }
0x5f: {  	v9 =	vadd.s32 $0x7A1200, v0;
	[tilespmem:s14+$0x1000] =	vst v8  }
0x60: {  	v10 =	vadd.s32 $0x895440, v0;
	[tilespmem:s14+$0x1200] =	vst v9  }
0x61: {  	v11 =	vadd.s32 $0x989680, v0;
	[tilespmem:s14+$0x1400] =	vst v10  }
0x62: {  	v12 =	vadd.s32 $0xA7D8C0, v0;
	[tilespmem:s14+$0x1600] =	vst v11  }
0x63: {  	v13 =	vadd.s32 $0xB71B00, v0;
	[tilespmem:s14+$0x1800] =	vst v12  }
0x64: {  	v14 =	vadd.s32 $0xC65D40, v0;
	[tilespmem:s14+$0x1A00] =	vst v13  }
0x65: {  	v15 =	vadd.s32 $0xD59F80, v0;
	[tilespmem:s14+$0x1C00] =	vst v14  }
0x66: {  	v16 =	vadd.s32 $0xE4E1C0, v0;
	[tilespmem:s14+$0x1E00] =	vst v15  }
0x67: {  	v17 =	vadd.s32 $0xF42400, v0;
	[tilespmem:s14+$0x2000] =	vst v16  }
0x68: {  	v18 =	vadd.s32 $0x1036640, v0;
	[tilespmem:s14+$0x2200] =	vst v17  }
0x69: {  	v19 =	vadd.s32 $0x112A880, v0;
	[tilespmem:s14+$0x2400] =	vst v18  }
0x6a: {  	v20 =	vadd.s32 $0x121EAC0, v0;
	[tilespmem:s14+$0x2600] =	vst v19  }
0x6b: {  	v21 =	vadd.s32 $0x1312D00, v0;
	[tilespmem:s14+$0x2800] =	vst v20  }
0x6c: {  	v22 =	vadd.s32 $0x1406F40, v0;
	[tilespmem:s14+$0x2A00] =	vst v21  }
0x6d: {  	v23 =	vadd.s32 $0x14FB180, v0;
	[tilespmem:s14+$0x2C00] =	vst v22  }
0x6e: {  	v24 =	vadd.s32 $0x15EF3C0, v0;
	[tilespmem:s14+$0x2E00] =	vst v23  }
0x6f: {  	v25 =	vadd.s32 $0x16E3600, v0;
	[tilespmem:s14+$0x3000] =	vst v24  }
0x70: {  	v26 =	vadd.s32 $0x17D7840, v0;
	[tilespmem:s14+$0x3200] =	vst v25  }
0x71: {  	v27 =	vadd.s32 $0x18CBA80, v0;
	[tilespmem:s14+$0x3400] =	vst v26  }
0x72: {  	v28 =	vadd.s32 $0x19BFCC0, v0;
	[tilespmem:s14+$0x3600] =	vst v27  }
0x73: {  	v29 =	vadd.s32 $0x1AB3F00, v0;
	[tilespmem:s14+$0x3800] =	vst v28  }
0x74: {  	v30 =	vadd.s32 $0x1BA8140, v0;
	[tilespmem:s14+$0x3A00] =	vst v29  }
0x75: {  	v31 =	vadd.s32 $0x1C9C380, v0;
	[tilespmem:s14+$0x3C00] =	vst v30  }
0x76: {  	v32 =	vadd.s32 $0x1D905C0, v0;
	[tilespmem:s14+$0x3E00] =	vst v31  }
0x77: {  	v33 =	vadd.s32 $0x1E84800, v0;
	[tilespmem:s14+$0x4000] =	vst v32  }
0x78: {  	v34 =	vadd.s32 $0x1F78A40, v0;
	[tilespmem:s14+$0x4200] =	vst v33  }
0x79: {  	v35 =	vadd.s32 $0x206CC80, v0;
	[tilespmem:s14+$0x4400] =	vst v34  }
0x7a: {  	v36 =	vadd.s32 $0x2160EC0, v0;
	[tilespmem:s14+$0x4600] =	vst v35  }
0x7b: {  	v37 =	vadd.s32 $0x2255100, v0;
	[tilespmem:s14+$0x4800] =	vst v36  }
0x7c: {  	v38 =	vadd.s32 $0x2349340, v0;
	[tilespmem:s14+$0x4A00] =	vst v37  }
0x7d: {  	v39 =	vadd.s32 $0x243D580, v0;
	[tilespmem:s14+$0x4C00] =	vst v38  }
0x7e: {  	v40 =	vadd.s32 $0x25317C0, v0;
	[tilespmem:s14+$0x4E00] =	vst v39  }
0x7f: {  	v41 =	vadd.s32 $0x2625A00, v0;
	[tilespmem:s14+$0x5000] =	vst v40  }
0x80: {  	v42 =	vadd.s32 $0x2719C40, v0;
	[tilespmem:s14+$0x5200] =	vst v41  }
0x81: {  	v43 =	vadd.s32 $0x280DE80, v0;
	[tilespmem:s14+$0x5400] =	vst v42  }
0x82: {  	v44 =	vadd.s32 $0x29020C0, v0;
	[tilespmem:s14+$0x5600] =	vst v43  }
0x83: {  	v45 =	vadd.s32 $0x29F6300, v0;
	[tilespmem:s14+$0x5800] =	vst v44  }
0x84: {  	v46 =	vadd.s32 $0x2AEA540, v0;
	[tilespmem:s14+$0x5A00] =	vst v45  }
0x85: {  	v47 =	vadd.s32 $0x2BDE780, v0;
	[tilespmem:s14+$0x5C00] =	vst v46  }
0x86: {  	v48 =	vadd.s32 $0x2CD29C0, v0;
	[tilespmem:s14+$0x5E00] =	vst v47  }
0x87: {  	v49 =	vadd.s32 $0x2DC6C00, v0;
	[tilespmem:s14+$0x6000] =	vst v48  }
0x88: {  	v50 =	vadd.s32 $0x2EBAE40, v0;
	[tilespmem:s14+$0x6200] =	vst v49  }
0x89: {  	v51 =	vadd.s32 $0x2FAF080, v0;
	[tilespmem:s14+$0x6400] =	vst v50  }
0x8a: {  	v52 =	vadd.s32 $0x30A32C0, v0;
	[tilespmem:s14+$0x6600] =	vst v51  }
0x8b: {  	v53 =	vadd.s32 $0x3197500, v0;
	[tilespmem:s14+$0x6800] =	vst v52  }
0x8c: {  	v54 =	vadd.s32 $0x328B740, v0;
	[tilespmem:s14+$0x6A00] =	vst v53  }
0x8d: {  	v55 =	vadd.s32 $0x337F980, v0;
	[tilespmem:s14+$0x6C00] =	vst v54  }
0x8e: {  	v56 =	vadd.s32 $0x3473BC0, v0;
	[tilespmem:s14+$0x6E00] =	vst v55  }
0x8f: {  	v57 =	vadd.s32 $0x3567E00, v0;
	[tilespmem:s14+$0x7000] =	vst v56  }
0x90: {  	v58 =	vadd.s32 $0x365C040, v0;
	[tilespmem:s14+$0x7200] =	vst v57  }
0x91: {  	v59 =	vadd.s32 $0x3750280, v0;
	[tilespmem:s14+$0x7400] =	vst v58  }
0x92: {  	v60 =	vadd.s32 $0x38444C0, v0;
	[tilespmem:s14+$0x7600] =	vst v59  }
0x93: {  	s30 =	simm.s32 $0x0;
	v61 =	vadd.s32 $0x3938700, v0;
	[tilespmem:s14+$0x7800] =	vst v60  }
0x94: {  	s31 =	sand.u32 $0x1F800, s30;
	v62 =	vadd.s32 $0x3A2C940, v0;
	[tilespmem:s14+$0x7A00] =	vst v61  }
0x95: {  	s17 =	sand.u32 $0x180, s30;
	s16 =	sshrl.u32 s31, $0x2;
	v63 =	vadd.s32 $0x3B20B80, v0;
	[tilespmem:s14+$0x7C00] =	vst v62  }
0x96: {  	s15 =	simm.s32 $0x200;
	s16 =	sor.u32 s17, s16;
	v0 =	vadd.s32 $0x3C14DC0, v0;
	[tilespmem:s14+$0x7E00] =	vst v63  }
0x97: {  	s17 =	simm.s32 $0x200;
	s16 =	sadd.s32 $0x8200, s16;
	[tilespmem:s14+$0x8000] =	vst v0;
	s14 =	simm.s32 $0x80  }
.LBB2_4:
0x98: {  	[tilespmem:s16], [sflag:$0x1] =	stream.indirect.gather [hbm4b:s3+s8], $0x1, s17, s8, $0xb8;
	[tilespmem:$0x10200] =	vst v63  }
0x99: {  	s16 =	smov.u32 s15;
	p0 =	sne.s32 s15, $0x1FE00  }
.Ltmp1:
0x9a: {  	s15 =	sadd.s32 $0x200, s15;
	(pc) =	sbr.rel @p0 .LBB2_4-.Ltmp1, $4  }
0x9b: {  	s17 =	sand.u32 $0x1F800, s16  }
0x9c: {  	s18 =	sand.u32 $0x180, s14;
	s17 =	sshrl.u32 s17, $0x2  }
0x9d: {  	s17 =	sor.u32 s18, s17;
	s18 =	sshra.s32 s16, $0x2  }
0x9e: {  	s14 =	sadd.s32 $0x80, s14;
	s16 =	sadd.s32 $0x8200, s17;
	s17 =	sadd.s32 $0x200, s18  }
0x9f: {  	[tilespmem:s16], [sflag:$0x1] =	stream.indirect.gather [hbm4b:s3+s8], $0x1, s17, s8, $0xb8;
	[tilespmem:$0x10200] =	vst v63  }
0xa0: {  	_ =	swait.ge [sflag:s9], $0x80  }
0xa1: {  	s14 =	simm.s32 $0xFF;
	[sflag:s9] =	ssyncset.done $0x0  }
.LBB2_6:
0xa2: {  	p0 =	sne.s32 s14, $0x1;
	s14 =	sadd.s32 $0xFFFFFFFF, s14;
	[sflag:s9] =	ssyncadd.s32 $0xFFFFFF80  }
.Ltmp2:
0xa3: {  	(pc) =	sbr.rel @p0 .LBB2_6-.Ltmp2, $3  }
0xa4: {  	_ =	sdelay $0x1  }
0xa5: {  	_ =	swait.ge [sflag:s9], $0x80  }
0xa6: {  	[sflag:s9] =	ssyncset.done $0x0  }
0xa7: {  	s13 =	sadd.s32 $0x1, s13  }
0xa8: {  	p0 =	sne.s32 s13, s6  }
.Ltmp3:
0xa9: {  	[sflag:s9] =	ssyncadd.s32 $0xFFFFFF80;
	(pc) =	sbr.rel @p0 .LBB2_1-.Ltmp3, $4  }
0xaa: {  	[hbm4b:s5+s10] =	stream.strided.scatter [tilespmem:s12], [sflag:$0x2], $0x8000, s11, s10, $0x38;
	[tilespmem:$0x10200] =	vst v63  }
0xab: {  	_ =	swait.ge [sflag:s7], $0x8000  }
0xac: {  	[sflag:s7] =	ssyncset.done $0x0  }
0xad: {  	[sflag:s7] =	ssyncadd.s32 $0xFFFF8000  }
0xae: {  	_ =	sfence.sel $0x180000  }
0xaf: {  	[bflag:$0x0] =	sbarrier.arrive $0xFFFF  }
0xb0: {  	p0 =	sne.s32 s1, $0x0;
	_ =	strace $0x90000047  }
0xb1: {  	s0 =	sadd.s32 @!p0 $0x100000, s0;
	[bflag:$0x2] =	sbarrier.arrive $0xFFFF  }
0xb2: {  	[sflag:s0] =	ssyncadd.tile.s32 @!p0 $0x1;
	_ =	shalt  }
.Lfunc_end2:
_tile_overlayer_lowered:
.L_overlay_start_2:
0xb3: {  	(tag) =	ssettag $0x2  }
0xb4: {  	s0 =	rddreg [dreg:$0x0];
	s2 =	stileid.u32  }
0xb5: {  	s1 =	rddreg [dreg:$0x1];
	p0 =	sne.s32 s2, $0x0  }
0xb6: {  	s3 =	rddreg [dreg:$0x2];
	[bflag:$0x3] =	sbarrier.arrive $0xFFFF;
	s2 =	simm.s32 @!p0 $0x1C02  }
0xb7: {  	[timem:s3], [sflag:s2] =	dma.local @!p0 [hbm:s0], s1  }
0xb8: {  	s0 =	simm.s32 @!p0 $0x2  }
0xb9: {  	_ =	swait.ge @!p0 [sflag:s0], s1  }
0xba: {  	s1 =	ssub.s32 @!p0 $0x0, s1;
	[sflag:s0] =	ssyncset.done @!p0 $0x0  }
0xbb: {  	[sflag:s0] =	ssyncadd.s32 @!p0 s1  }
0xbc: {  	[bflag:$0x3] =	sbarrier.arrive $0xFFFF  }
0xbd: {  	_ =	shalt  }

</sc_bundles>
